<compile_context>
chip_gen: v7x
topology: tpu7x:2x2x1
jax: 0.10.2.dev20260603
libtpu: 0.0.44.dev20260713+nightly
codegen_flags: <defaults>
</compile_context>

<pallas_src>
import functools

import jax
import jax.numpy as jnp
from jax import lax
from jax.experimental import pallas as pl
from jax.experimental.pallas import tpu as pltpu
from jax.experimental.pallas import tpu_sc as plsc

N_FIELDS = 26
N_VOCAB = 100000
D = 32
B = 16384

NC = 2
NS = 16
LANES = 16

H0_LEN = 50048
H1_LEN = N_VOCAB - H0_LEN
CHUNK = 4096
N_CHUNKS = B // CHUNK
UNROLL = 16


def _scan_half(tb, base, length, fs, fb0, fb1, acc_v, semc0, semc1):
    cps = [None, None]
    fbs = [fb0, fb1]
    sems = [semc0, semc1]
    cps[0] = pltpu.make_async_copy(fs.at[pl.ds(0, CHUNK)], fb0, semc0)
    cps[0].start()
    for c in range(N_CHUNKS):
        if c + 1 < N_CHUNKS:
            cps[(c + 1) % 2] = pltpu.make_async_copy(
                fs.at[pl.ds((c + 1) * CHUNK, CHUNK)], fbs[(c + 1) % 2],
                sems[(c + 1) % 2])
            cps[(c + 1) % 2].start()
        cps[c % 2].wait()
        fb = fbs[c % 2]

        @plsc.parallel_loop(0, CHUNK // LANES, unroll=UNROLL)
        def samp_body(j):
            off = j * LANES
            v = fb[pl.ds(off, LANES)]
            vl = v - base
            m = (vl >= 0) & (vl < length)
            safe = jnp.where(m, vl, 0)
            g = plsc.load_gather(tb, [safe])
            gz = jnp.where(m, g, jnp.float32(0))
            plsc.addupdate(acc_v.at[pl.ds(c * CHUNK + off, LANES)], gz)


def _body(featT_hbm, tabT_hbm, out_hbm,
          tb0, tb1, fb0, fb1, acc_v, fs0, fs1,
          sem0, sem1, semf, semc0, semc1):
    d = lax.axis_index("c") * NS + lax.axis_index("s")
    is_stager = lax.axis_index("s") == 0

    zero = jnp.zeros((LANES,), jnp.float32)

    def zero_body(j, carry):
        acc_v[pl.ds(j * LANES, LANES)] = zero
        return carry
    lax.fori_loop(0, B // LANES, zero_body, 0)

    def tab_copy(i, half, buf, sem):
        if half == 0:
            return pltpu.make_async_copy(
                tabT_hbm.at[i, d, pl.ds(0, H0_LEN)], buf, sem)
        return pltpu.make_async_copy(
            tabT_hbm.at[i, d, pl.ds(H0_LEN, H1_LEN)], buf, sem)

    def feat_stage(i, fs):
        return pltpu.make_async_copy(featT_hbm.at[i], fs, semf)

    @pl.when(is_stager)
    def _():
        pltpu.sync_copy(featT_hbm.at[0], fs0)
    plsc.subcore_barrier()
    tab_copy(0, 0, tb0, sem0).start()

    def field_pair(fa, fs_a, fs_b, k):
        @pl.when(is_stager)
        def _():
            feat_stage(fa + 1, fs_b).start()
        tab_copy(fa, 1, tb1, sem1).start()
        tab_copy(fa, 0, tb0, sem0).wait()
        _scan_half(tb0, 0, H0_LEN, fs_a, fb0, fb1, acc_v, semc0, semc1)
        tab_copy(fa + 1, 0, tb0, sem0).start()
        tab_copy(fa, 1, tb1, sem1).wait()
        _scan_half(tb1, H0_LEN, H1_LEN,
                   fs_a, fb0, fb1, acc_v, semc0, semc1)

        @pl.when(is_stager)
        def _():
            feat_stage(fa + 1, fs_b).wait()
        plsc.subcore_barrier()

        @pl.when(is_stager & (fa + 2 < N_FIELDS))
        def _():
            feat_stage(fa + 2, fs_a).start()
        tab_copy(fa + 1, 1, tb1, sem1).start()
        tab_copy(fa + 1, 0, tb0, sem0).wait()
        _scan_half(tb0, 0, H0_LEN, fs_b, fb0, fb1, acc_v, semc0, semc1)

        @pl.when(fa + 2 < N_FIELDS)
        def _():
            tab_copy(fa + 2, 0, tb0, sem0).start()
        tab_copy(fa + 1, 1, tb1, sem1).wait()
        _scan_half(tb1, H0_LEN, H1_LEN,
                   fs_b, fb0, fb1, acc_v, semc0, semc1)

        @pl.when(is_stager & (fa + 2 < N_FIELDS))
        def _():
            feat_stage(fa + 2, fs_a).wait()
        plsc.subcore_barrier()
        return k

    lax.fori_loop(0, N_FIELDS // 2,
                  lambda k, c: field_pair(2 * k, fs0, fs1, c), 0)

    pltpu.sync_copy(acc_v, out_hbm.at[d])


@jax.jit
def _run(featT, tabT):
    mesh = plsc.VectorSubcoreMesh(core_axis_name="c", subcore_axis_name="s")
    f = functools.partial(
        pl.kernel,
        out_type=jax.ShapeDtypeStruct((D, B), jnp.float32),
        mesh=mesh,
        scratch_types=[
            pltpu.VMEM((H0_LEN,), jnp.float32),
            pltpu.VMEM((H1_LEN,), jnp.float32),
            pltpu.VMEM((CHUNK,), jnp.int32),
            pltpu.VMEM((CHUNK,), jnp.int32),
            pltpu.VMEM((B,), jnp.float32),
            pltpu.VMEM_SHARED((B,), jnp.int32),
            pltpu.VMEM_SHARED((B,), jnp.int32),
            pltpu.SemaphoreType.DMA,
            pltpu.SemaphoreType.DMA,
            pltpu.SemaphoreType.DMA,
            pltpu.SemaphoreType.DMA,
            pltpu.SemaphoreType.DMA,
        ],
        compiler_params=pltpu.CompilerParams(
            use_tc_tiling_on_sc=True, needs_layout_passes=False
        ),
    )(_body)
    return f(featT, tabT)


def kernel(features, tables):
    featT = features.astype(jnp.int32).T
    tabT = jnp.transpose(tables, (0, 2, 1))
    outT = _run(featT, tabT)
    return outT.T

# --- scband reference (transcript-rebuilt; emitter-appended) ---
"""Pipeline reference for scband-feature-embedding-34273839022261 (READ-ONLY COPY).

The authoritative reference and input builder live on the scoring server;
editing this copy changes nothing except your own understanding.
"""

import jax, jax.numpy as jnp
import numpy as np

NUM_FIELDS = 26
VOCAB = 100000
EMB_DIM = 32
BATCH = 16384


def setup_inputs(seed: int = 0) -> dict:
    key = jax.random.key(seed)
    k_idx, k_tab = jax.random.split(key)
    features = jax.random.randint(k_idx, (BATCH, NUM_FIELDS), 0, VOCAB, dtype=jnp.int64 if jax.config.jax_enable_x64 else jnp.int32)
    # Stacked embedding tables, one per feature field (nn.Embedding(num, dim) x 26)
    tables = jax.random.normal(k_tab, (NUM_FIELDS, VOCAB, EMB_DIM), dtype=jnp.float32) * 0.02
    return {"features": features, "tables": tables}


def reference(features, tables):
    # Per-field embedding lookup, then sum-aggregate across fields
    node_embeddings = []
    for i in range(NUM_FIELDS):
        values = features[:, i]
        node_embeddings.append(jnp.take(tables[i], values, axis=0))
    embedded_features = jnp.sum(jnp.stack(node_embeddings, axis=-1), axis=-1)
    return embedded_features

if __name__ == "__main__":
    import jax
    _d = setup_inputs()
    print(jax.jit(kernel)(*tuple(_d.values())))

</pallas_src>

<mosaic_0001>
#map = affine_map<(d0, d1) -> (0, 0)>
#map1 = affine_map<(d0, d1) -> (0, 0, 0)>
module attributes {stable_mosaic.version = 14 : i64} {
  func.func @_body(%arg0: i32, %arg1: i32, %arg2: memref<26x16384xi32, #tpu.memory_space<hbm>>, %arg3: memref<26x32x100000xf32, #tpu.memory_space<hbm>>, %arg4: memref<32x16384xf32, #tpu.memory_space<hbm>>, %arg5: memref<50048xf32, #tpu.memory_space<vmem>>, %arg6: memref<49952xf32, #tpu.memory_space<vmem>>, %arg7: memref<4096xi32, #tpu.memory_space<vmem>>, %arg8: memref<4096xi32, #tpu.memory_space<vmem>>, %arg9: memref<16384xf32, #tpu.memory_space<vmem>>, %arg10: memref<16384xi32, #tpu.memory_space<vmem_shared>>, %arg11: memref<16384xi32, #tpu.memory_space<vmem_shared>>, %arg12: memref<!tpu.dma_semaphore, #tpu.memory_space<semaphore_mem>>, %arg13: memref<!tpu.dma_semaphore, #tpu.memory_space<semaphore_mem>>, %arg14: memref<!tpu.dma_semaphore, #tpu.memory_space<semaphore_mem>>, %arg15: memref<!tpu.dma_semaphore, #tpu.memory_space<semaphore_mem>>, %arg16: memref<!tpu.dma_semaphore, #tpu.memory_space<semaphore_mem>>) attributes {dimension_semantics = [#tpu.dimension_semantics<core_parallel>, #tpu.dimension_semantics<subcore_parallel>], iteration_bounds = array<i64: 2, 16>, scalar_prefetch = 0 : i64, scratch_operands = 12 : i64, tpu.core_type = #tpu.core_type<sc_vector_subcore>, window_params = [{transform_indices = #map}, {transform_indices = #map1}, {transform_indices = #map}]} {
    %mul3A = arith.constant 16 : i32
    %mul3A_0 = arith.muli %arg0, %mul3A : i32
    %add3A = arith.addi %mul3A_0, %arg1 : i32
    %eq3A = arith.constant 0 : i32
    %eq3A_1 = arith.cmpi eq, %arg1, %eq3A : i32
    %broadcast_in_dim3A = arith.constant 0.000000e+00 : f32
    %broadcast_in_dim3A_2 = vector.broadcast %broadcast_in_dim3A : f32 to vector<16xf32>
    %scan3A = arith.constant 0 : i32
    %scan3A_3 = arith.constant 0 : i32
    %scan3A_4 = arith.constant 1024 : i32
    %scan3A_5 = arith.addi %scan3A_3, %scan3A_4 : i32
    %scan3A_6 = arith.constant 1 : i32
    scf.for %scan3A_21 = %scan3A_3 to %scan3A_5 step %scan3A_6  : i32 {
      %mul3A_22 = arith.constant 16 : i32
      %mul3A_23 = arith.muli %scan3A_21, %mul3A_22 : i32
      %swap3A = arith.index_cast %mul3A_23 : i32 to index
      %swap3A_24 = tpu.vector_load %arg9[%swap3A] {strides = array<i32>} : memref<16384xf32, #tpu.memory_space<vmem>>, vector<16xf32>,
      tpu.vector_store %arg9[%swap3A], %broadcast_in_dim3A_2 {strides = array<i32>} : memref<16384xf32, #tpu.memory_space<vmem>>, vector<16xf32>,
    }
    %scan3A_7 = arith.constant 1024 : i32
    %convert_element_type3A = arith.extui %eq3A_1 : i1 to i32
    %cond3A = arith.constant 0 : i32
    %cond3A_8 = arith.cmpi ne, %convert_element_type3A, %cond3A : i32
    scf.if %cond3A_8 {
      %run_scoped3A = arith.constant 0 : i32
      "tpu.region"() ({
        %run_scoped3A_21 = tpu.sem_alloc : memref<!tpu.dma_semaphore, #tpu.memory_space<semaphore_mem>>
        %dma_start3A_22 = arith.constant 0 : i32
        %dma_start3A_23 = tpu.memref_slice %arg2[%run_scoped3A, %dma_start3A_22] : memref<26x16384xi32, #tpu.memory_space<hbm>> -> memref<1x16384xi32, #tpu.memory_space<hbm>>
        %dma_start3A_24 = tpu.memref_squeeze %dma_start3A_23 : memref<1x16384xi32, #tpu.memory_space<hbm>> -> memref<16384xi32, #tpu.memory_space<hbm>>
        tpu.enqueue_dma source(%dma_start3A_24 : memref<16384xi32, #tpu.memory_space<hbm>>) target(%arg10 : memref<16384xi32, #tpu.memory_space<vmem_shared>>) target_semaphore(%run_scoped3A_21 : memref<!tpu.dma_semaphore, #tpu.memory_space<semaphore_mem>>)
        %dma_wait3A = arith.constant 0 : i32
        %dma_wait3A_25 = tpu.memref_slice %arg2[%run_scoped3A, %dma_wait3A] : memref<26x16384xi32, #tpu.memory_space<hbm>> -> memref<1x16384xi32, #tpu.memory_space<hbm>>
        %dma_wait3A_26 = tpu.memref_squeeze %dma_wait3A_25 : memref<1x16384xi32, #tpu.memory_space<hbm>> -> memref<16384xi32, #tpu.memory_space<hbm>>
        tpu.wait_dma2 semaphore(%run_scoped3A_21 : memref<!tpu.dma_semaphore, #tpu.memory_space<semaphore_mem>>) src(%dma_wait3A_26 : memref<16384xi32, #tpu.memory_space<hbm>>) dst(%arg10 : memref<16384xi32, #tpu.memory_space<vmem_shared>>)
        tpu.yield
      }) : () -> ()
    } else {
    }
    %barrier3A = arith.constant 0 : index
    tpu.barrier barrier_id(%barrier3A)
    %dma_start3A = arith.constant 0 : i32
    %dma_start3A_9 = arith.constant 0 : i32
    %dma_start3A_10 = tpu.memref_slice %arg3[%dma_start3A, %add3A, %dma_start3A_9] : memref<26x32x100000xf32, #tpu.memory_space<hbm>> -> memref<1x1x50048xf32, #tpu.memory_space<hbm>>
    %dma_start3A_11 = tpu.memref_squeeze %dma_start3A_10 : memref<1x1x50048xf32, #tpu.memory_space<hbm>> -> memref<50048xf32, #tpu.memory_space<hbm>>
    %dma_start3A_12 = arith.constant 0 : i32
    %dma_start3A_13 = tpu.memref_slice %arg3[%dma_start3A, %add3A, %dma_start3A_12] : memref<26x32x100000xf32, #tpu.memory_space<hbm>> -> memref<1x1x50048xf32, #tpu.memory_space<hbm>>
    %dma_start3A_14 = tpu.memref_squeeze %dma_start3A_13 : memref<1x1x50048xf32, #tpu.memory_space<hbm>> -> memref<50048xf32, #tpu.memory_space<hbm>>
    tpu.enqueue_dma source(%dma_start3A_14 : memref<50048xf32, #tpu.memory_space<hbm>>) target(%arg5 : memref<50048xf32, #tpu.memory_space<vmem>>) target_semaphore(%arg12 : memref<!tpu.dma_semaphore, #tpu.memory_space<semaphore_mem>>)
    %scan3A_15 = arith.constant 0 : i32
    %scan3A_16 = arith.constant 0 : i32
    %scan3A_17 = arith.constant 13 : i32
    %scan3A_18 = arith.addi %scan3A_16, %scan3A_17 : i32
    %scan3A_19 = arith.constant 1 : i32
    scf.for %scan3A_21 = %scan3A_16 to %scan3A_18 step %scan3A_19  : i32 {
      %mul3A_22 = arith.constant 2 : i32
      %mul3A_23 = arith.muli %mul3A_22, %scan3A_21 : i32
      %convert_element_type3A_24 = arith.extui %eq3A_1 : i1 to i32
      %cond3A_25 = arith.constant 0 : i32
      %cond3A_26 = arith.cmpi ne, %convert_element_type3A_24, %cond3A_25 : i32
      scf.if %cond3A_26 {
        %add3A_277 = arith.constant 1 : i32
        %add3A_278 = arith.addi %mul3A_23, %add3A_277 : i32
        %dma_start3A_279 = arith.constant 0 : i32
        %dma_start3A_280 = tpu.memref_slice %arg2[%add3A_278, %dma_start3A_279] : memref<26x16384xi32, #tpu.memory_space<hbm>> -> memref<1x16384xi32, #tpu.memory_space<hbm>>
        %dma_start3A_281 = tpu.memref_squeeze %dma_start3A_280 : memref<1x16384xi32, #tpu.memory_space<hbm>> -> memref<16384xi32, #tpu.memory_space<hbm>>
        tpu.enqueue_dma source(%dma_start3A_281 : memref<16384xi32, #tpu.memory_space<hbm>>) target(%arg11 : memref<16384xi32, #tpu.memory_space<vmem_shared>>) target_semaphore(%arg14 : memref<!tpu.dma_semaphore, #tpu.memory_space<semaphore_mem>>)
      } else {
      }
      %dma_start3A_27 = arith.constant 50048 : i32
      %dma_start3A_28 = tpu.memref_slice %arg3[%mul3A_23, %add3A, %dma_start3A_27] : memref<26x32x100000xf32, #tpu.memory_space<hbm>> -> memref<1x1x49952xf32, #tpu.memory_space<hbm>>
      %dma_start3A_29 = tpu.memref_squeeze %dma_start3A_28 : memref<1x1x49952xf32, #tpu.memory_space<hbm>> -> memref<49952xf32, #tpu.memory_space<hbm>>
      %dma_start3A_30 = arith.constant 50048 : i32
      %dma_start3A_31 = tpu.memref_slice %arg3[%mul3A_23, %add3A, %dma_start3A_30] : memref<26x32x100000xf32, #tpu.memory_space<hbm>> -> memref<1x1x49952xf32, #tpu.memory_space<hbm>>
      %dma_start3A_32 = tpu.memref_squeeze %dma_start3A_31 : memref<1x1x49952xf32, #tpu.memory_space<hbm>> -> memref<49952xf32, #tpu.memory_space<hbm>>
      tpu.enqueue_dma source(%dma_start3A_32 : memref<49952xf32, #tpu.memory_space<hbm>>) target(%arg6 : memref<49952xf32, #tpu.memory_space<vmem>>) target_semaphore(%arg13 : memref<!tpu.dma_semaphore, #tpu.memory_space<semaphore_mem>>)
      %dma_wait3A = arith.constant 0 : i32
      %dma_wait3A_33 = tpu.memref_slice %arg3[%mul3A_23, %add3A, %dma_wait3A] : memref<26x32x100000xf32, #tpu.memory_space<hbm>> -> memref<1x1x50048xf32, #tpu.memory_space<hbm>>
      %dma_wait3A_34 = tpu.memref_squeeze %dma_wait3A_33 : memref<1x1x50048xf32, #tpu.memory_space<hbm>> -> memref<50048xf32, #tpu.memory_space<hbm>>
      %dma_wait3A_35 = arith.constant 0 : i32
      %dma_wait3A_36 = tpu.memref_slice %arg3[%mul3A_23, %add3A, %dma_wait3A_35] : memref<26x32x100000xf32, #tpu.memory_space<hbm>> -> memref<1x1x50048xf32, #tpu.memory_space<hbm>>
      %dma_wait3A_37 = tpu.memref_squeeze %dma_wait3A_36 : memref<1x1x50048xf32, #tpu.memory_space<hbm>> -> memref<50048xf32, #tpu.memory_space<hbm>>
      tpu.wait_dma2 semaphore(%arg12 : memref<!tpu.dma_semaphore, #tpu.memory_space<semaphore_mem>>) src(%dma_wait3A_37 : memref<50048xf32, #tpu.memory_space<hbm>>) dst(%arg5 : memref<50048xf32, #tpu.memory_space<vmem>>)
      %dma_start3A_38 = arith.constant 0 : i32
      %dma_start3A_39 = tpu.memref_slice %arg10[%dma_start3A_38] : memref<16384xi32, #tpu.memory_space<vmem_shared>> -> memref<4096xi32, #tpu.memory_space<vmem_shared>>
      %dma_start3A_40 = arith.constant 0 : i32
      %dma_start3A_41 = tpu.memref_slice %arg10[%dma_start3A_40] : memref<16384xi32, #tpu.memory_space<vmem_shared>> -> memref<4096xi32, #tpu.memory_space<vmem_shared>>
      tpu.enqueue_dma source(%dma_start3A_41 : memref<4096xi32, #tpu.memory_space<vmem_shared>>) target(%arg7 : memref<4096xi32, #tpu.memory_space<vmem>>) target_semaphore(%arg15 : memref<!tpu.dma_semaphore, #tpu.memory_space<semaphore_mem>>)
      %dma_start3A_42 = arith.constant 4096 : i32
      %dma_start3A_43 = tpu.memref_slice %arg10[%dma_start3A_42] : memref<16384xi32, #tpu.memory_space<vmem_shared>> -> memref<4096xi32, #tpu.memory_space<vmem_shared>>
      %dma_start3A_44 = arith.constant 4096 : i32
      %dma_start3A_45 = tpu.memref_slice %arg10[%dma_start3A_44] : memref<16384xi32, #tpu.memory_space<vmem_shared>> -> memref<4096xi32, #tpu.memory_space<vmem_shared>>
      tpu.enqueue_dma source(%dma_start3A_45 : memref<4096xi32, #tpu.memory_space<vmem_shared>>) target(%arg8 : memref<4096xi32, #tpu.memory_space<vmem>>) target_semaphore(%arg16 : memref<!tpu.dma_semaphore, #tpu.memory_space<semaphore_mem>>)
      %dma_wait3A_46 = arith.constant 0 : i32
      %dma_wait3A_47 = tpu.memref_slice %arg10[%dma_wait3A_46] : memref<16384xi32, #tpu.memory_space<vmem_shared>> -> memref<4096xi32, #tpu.memory_space<vmem_shared>>
      %dma_wait3A_48 = arith.constant 0 : i32
      %dma_wait3A_49 = tpu.memref_slice %arg10[%dma_wait3A_48] : memref<16384xi32, #tpu.memory_space<vmem_shared>> -> memref<4096xi32, #tpu.memory_space<vmem_shared>>
      tpu.wait_dma2 semaphore(%arg15 : memref<!tpu.dma_semaphore, #tpu.memory_space<semaphore_mem>>) src(%dma_wait3A_49 : memref<4096xi32, #tpu.memory_space<vmem_shared>>) dst(%arg7 : memref<4096xi32, #tpu.memory_space<vmem>>)
      %parallel_loop3A = arith.constant 0 : i32
      %parallel_loop3A_50 = arith.constant 256 : i32
      %parallel_loop3A_51 = arith.constant 1 : i32
      scf.for %parallel_loop3A_277 = %parallel_loop3A to %parallel_loop3A_50 step %parallel_loop3A_51  : i32 {
        %parallel_loop3A_278 = arith.constant 16 : i32
        %parallel_loop3A_279 = arith.muli %parallel_loop3A_277, %parallel_loop3A_278 : i32
        %parallel_loop3A_280 = arith.index_cast %parallel_loop3A_279 : i32 to index
        %parallel_loop3A_281 = tpu.vector_load %arg7[%parallel_loop3A_280] {strides = array<i32>} : memref<4096xi32, #tpu.memory_space<vmem>>, vector<16xi32>,
        %parallel_loop3A_282 = arith.constant 0 : i32
        %parallel_loop3A_283 = vector.broadcast %parallel_loop3A_282 : i32 to vector<16xi32>
        %parallel_loop3A_284 = arith.subi %parallel_loop3A_281, %parallel_loop3A_283 : vector<16xi32>
        %parallel_loop3A_285 = arith.constant 0 : i32
        %parallel_loop3A_286 = vector.broadcast %parallel_loop3A_285 : i32 to vector<16xi32>
        %parallel_loop3A_287 = arith.cmpi sge, %parallel_loop3A_284, %parallel_loop3A_286 : vector<16xi32>
        %parallel_loop3A_288 = arith.constant 50048 : i32
        %parallel_loop3A_289 = vector.broadcast %parallel_loop3A_288 : i32 to vector<16xi32>
        %parallel_loop3A_290 = arith.cmpi slt, %parallel_loop3A_284, %parallel_loop3A_289 : vector<16xi32>
        %parallel_loop3A_291 = arith.andi %parallel_loop3A_287, %parallel_loop3A_290 : vector<16xi1>
        %parallel_loop3A_292 = arith.constant 0 : i32
        %parallel_loop3A_293 = vector.broadcast %parallel_loop3A_292 : i32 to vector<16xi32>
        %parallel_loop3A_294 = arith.select %parallel_loop3A_291, %parallel_loop3A_284, %parallel_loop3A_293 : vector<16xi1>, vector<16xi32>
        %parallel_loop3A_295 = tpu.vector_load_idx %arg5[%parallel_loop3A_294] : memref<50048xf32, #tpu.memory_space<vmem>>[vector<16xi32>], vector<16xf32>,
        %parallel_loop3A_296 = arith.constant 0.000000e+00 : f32
        %parallel_loop3A_297 = vector.broadcast %parallel_loop3A_296 : f32 to vector<16xf32>
        %parallel_loop3A_298 = arith.select %parallel_loop3A_291, %parallel_loop3A_295, %parallel_loop3A_297 : vector<16xi1>, vector<16xf32>
        %parallel_loop3A_299 = arith.constant 0 : i32
        %parallel_loop3A_300 = arith.addi %parallel_loop3A_299, %parallel_loop3A_279 : i32
        %parallel_loop3A_301 = arith.index_cast %parallel_loop3A_300 : i32 to index
        %parallel_loop3A_302 = tpu.vector_load %arg9[%parallel_loop3A_301] {strides = array<i32>} : memref<16384xf32, #tpu.memory_space<vmem>>, vector<16xf32>,
        tpu.vector_store %arg9[%parallel_loop3A_301], %parallel_loop3A_298 {add = true, strides = array<i32>} : memref<16384xf32, #tpu.memory_space<vmem>>, vector<16xf32>,
      } {sc.loop_unroll_factor = 16 : i64, sc.parallel_access}
      %dma_start3A_52 = arith.constant 8192 : i32
      %dma_start3A_53 = tpu.memref_slice %arg10[%dma_start3A_52] : memref<16384xi32, #tpu.memory_space<vmem_shared>> -> memref<4096xi32, #tpu.memory_space<vmem_shared>>
      %dma_start3A_54 = arith.constant 8192 : i32
      %dma_start3A_55 = tpu.memref_slice %arg10[%dma_start3A_54] : memref<16384xi32, #tpu.memory_space<vmem_shared>> -> memref<4096xi32, #tpu.memory_space<vmem_shared>>
      tpu.enqueue_dma source(%dma_start3A_55 : memref<4096xi32, #tpu.memory_space<vmem_shared>>) target(%arg7 : memref<4096xi32, #tpu.memory_space<vmem>>) target_semaphore(%arg15 : memref<!tpu.dma_semaphore, #tpu.memory_space<semaphore_mem>>)
      %dma_wait3A_56 = arith.constant 4096 : i32
      %dma_wait3A_57 = tpu.memref_slice %arg10[%dma_wait3A_56] : memref<16384xi32, #tpu.memory_space<vmem_shared>> -> memref<4096xi32, #tpu.memory_space<vmem_shared>>
      %dma_wait3A_58 = arith.constant 4096 : i32
      %dma_wait3A_59 = tpu.memref_slice %arg10[%dma_wait3A_58] : memref<16384xi32, #tpu.memory_space<vmem_shared>> -> memref<4096xi32, #tpu.memory_space<vmem_shared>>
      tpu.wait_dma2 semaphore(%arg16 : memref<!tpu.dma_semaphore, #tpu.memory_space<semaphore_mem>>) src(%dma_wait3A_59 : memref<4096xi32, #tpu.memory_space<vmem_shared>>) dst(%arg8 : memref<4096xi32, #tpu.memory_space<vmem>>)
      %parallel_loop3A_60 = arith.constant 0 : i32
      %parallel_loop3A_61 = arith.constant 256 : i32
      %parallel_loop3A_62 = arith.constant 1 : i32
      scf.for %parallel_loop3A_277 = %parallel_loop3A_60 to %parallel_loop3A_61 step %parallel_loop3A_62  : i32 {
        %parallel_loop3A_278 = arith.constant 16 : i32
        %parallel_loop3A_279 = arith.muli %parallel_loop3A_277, %parallel_loop3A_278 : i32
        %parallel_loop3A_280 = arith.index_cast %parallel_loop3A_279 : i32 to index
        %parallel_loop3A_281 = tpu.vector_load %arg8[%parallel_loop3A_280] {strides = array<i32>} : memref<4096xi32, #tpu.memory_space<vmem>>, vector<16xi32>,
        %parallel_loop3A_282 = arith.constant 0 : i32
        %parallel_loop3A_283 = vector.broadcast %parallel_loop3A_282 : i32 to vector<16xi32>
        %parallel_loop3A_284 = arith.subi %parallel_loop3A_281, %parallel_loop3A_283 : vector<16xi32>
        %parallel_loop3A_285 = arith.constant 0 : i32
        %parallel_loop3A_286 = vector.broadcast %parallel_loop3A_285 : i32 to vector<16xi32>
        %parallel_loop3A_287 = arith.cmpi sge, %parallel_loop3A_284, %parallel_loop3A_286 : vector<16xi32>
        %parallel_loop3A_288 = arith.constant 50048 : i32
        %parallel_loop3A_289 = vector.broadcast %parallel_loop3A_288 : i32 to vector<16xi32>
        %parallel_loop3A_290 = arith.cmpi slt, %parallel_loop3A_284, %parallel_loop3A_289 : vector<16xi32>
        %parallel_loop3A_291 = arith.andi %parallel_loop3A_287, %parallel_loop3A_290 : vector<16xi1>
        %parallel_loop3A_292 = arith.constant 0 : i32
        %parallel_loop3A_293 = vector.broadcast %parallel_loop3A_292 : i32 to vector<16xi32>
        %parallel_loop3A_294 = arith.select %parallel_loop3A_291, %parallel_loop3A_284, %parallel_loop3A_293 : vector<16xi1>, vector<16xi32>
        %parallel_loop3A_295 = tpu.vector_load_idx %arg5[%parallel_loop3A_294] : memref<50048xf32, #tpu.memory_space<vmem>>[vector<16xi32>], vector<16xf32>,
        %parallel_loop3A_296 = arith.constant 0.000000e+00 : f32
        %parallel_loop3A_297 = vector.broadcast %parallel_loop3A_296 : f32 to vector<16xf32>
        %parallel_loop3A_298 = arith.select %parallel_loop3A_291, %parallel_loop3A_295, %parallel_loop3A_297 : vector<16xi1>, vector<16xf32>
        %parallel_loop3A_299 = arith.constant 4096 : i32
        %parallel_loop3A_300 = arith.addi %parallel_loop3A_299, %parallel_loop3A_279 : i32
        %parallel_loop3A_301 = arith.index_cast %parallel_loop3A_300 : i32 to index
        %parallel_loop3A_302 = tpu.vector_load %arg9[%parallel_loop3A_301] {strides = array<i32>} : memref<16384xf32, #tpu.memory_space<vmem>>, vector<16xf32>,
        tpu.vector_store %arg9[%parallel_loop3A_301], %parallel_loop3A_298 {add = true, strides = array<i32>} : memref<16384xf32, #tpu.memory_space<vmem>>, vector<16xf32>,
      } {sc.loop_unroll_factor = 16 : i64, sc.parallel_access}
      %dma_start3A_63 = arith.constant 12288 : i32
      %dma_start3A_64 = tpu.memref_slice %arg10[%dma_start3A_63] : memref<16384xi32, #tpu.memory_space<vmem_shared>> -> memref<4096xi32, #tpu.memory_space<vmem_shared>>
      %dma_start3A_65 = arith.constant 12288 : i32
      %dma_start3A_66 = tpu.memref_slice %arg10[%dma_start3A_65] : memref<16384xi32, #tpu.memory_space<vmem_shared>> -> memref<4096xi32, #tpu.memory_space<vmem_shared>>
      tpu.enqueue_dma source(%dma_start3A_66 : memref<4096xi32, #tpu.memory_space<vmem_shared>>) target(%arg8 : memref<4096xi32, #tpu.memory_space<vmem>>) target_semaphore(%arg16 : memref<!tpu.dma_semaphore, #tpu.memory_space<semaphore_mem>>)
      %dma_wait3A_67 = arith.constant 8192 : i32
      %dma_wait3A_68 = tpu.memref_slice %arg10[%dma_wait3A_67] : memref<16384xi32, #tpu.memory_space<vmem_shared>> -> memref<4096xi32, #tpu.memory_space<vmem_shared>>
      %dma_wait3A_69 = arith.constant 8192 : i32
      %dma_wait3A_70 = tpu.memref_slice %arg10[%dma_wait3A_69] : memref<16384xi32, #tpu.memory_space<vmem_shared>> -> memref<4096xi32, #tpu.memory_space<vmem_shared>>
      tpu.wait_dma2 semaphore(%arg15 : memref<!tpu.dma_semaphore, #tpu.memory_space<semaphore_mem>>) src(%dma_wait3A_70 : memref<4096xi32, #tpu.memory_space<vmem_shared>>) dst(%arg7 : memref<4096xi32, #tpu.memory_space<vmem>>)
      %parallel_loop3A_71 = arith.constant 0 : i32
      %parallel_loop3A_72 = arith.constant 256 : i32
      %parallel_loop3A_73 = arith.constant 1 : i32
      scf.for %parallel_loop3A_277 = %parallel_loop3A_71 to %parallel_loop3A_72 step %parallel_loop3A_73  : i32 {
        %parallel_loop3A_278 = arith.constant 16 : i32
        %parallel_loop3A_279 = arith.muli %parallel_loop3A_277, %parallel_loop3A_278 : i32
        %parallel_loop3A_280 = arith.index_cast %parallel_loop3A_279 : i32 to index
        %parallel_loop3A_281 = tpu.vector_load %arg7[%parallel_loop3A_280] {strides = array<i32>} : memref<4096xi32, #tpu.memory_space<vmem>>, vector<16xi32>,
        %parallel_loop3A_282 = arith.constant 0 : i32
        %parallel_loop3A_283 = vector.broadcast %parallel_loop3A_282 : i32 to vector<16xi32>
        %parallel_loop3A_284 = arith.subi %parallel_loop3A_281, %parallel_loop3A_283 : vector<16xi32>
        %parallel_loop3A_285 = arith.constant 0 : i32
        %parallel_loop3A_286 = vector.broadcast %parallel_loop3A_285 : i32 to vector<16xi32>
        %parallel_loop3A_287 = arith.cmpi sge, %parallel_loop3A_284, %parallel_loop3A_286 : vector<16xi32>
        %parallel_loop3A_288 = arith.constant 50048 : i32
        %parallel_loop3A_289 = vector.broadcast %parallel_loop3A_288 : i32 to vector<16xi32>
        %parallel_loop3A_290 = arith.cmpi slt, %parallel_loop3A_284, %parallel_loop3A_289 : vector<16xi32>
        %parallel_loop3A_291 = arith.andi %parallel_loop3A_287, %parallel_loop3A_290 : vector<16xi1>
        %parallel_loop3A_292 = arith.constant 0 : i32
        %parallel_loop3A_293 = vector.broadcast %parallel_loop3A_292 : i32 to vector<16xi32>
        %parallel_loop3A_294 = arith.select %parallel_loop3A_291, %parallel_loop3A_284, %parallel_loop3A_293 : vector<16xi1>, vector<16xi32>
        %parallel_loop3A_295 = tpu.vector_load_idx %arg5[%parallel_loop3A_294] : memref<50048xf32, #tpu.memory_space<vmem>>[vector<16xi32>], vector<16xf32>,
        %parallel_loop3A_296 = arith.constant 0.000000e+00 : f32
        %parallel_loop3A_297 = vector.broadcast %parallel_loop3A_296 : f32 to vector<16xf32>
        %parallel_loop3A_298 = arith.select %parallel_loop3A_291, %parallel_loop3A_295, %parallel_loop3A_297 : vector<16xi1>, vector<16xf32>
        %parallel_loop3A_299 = arith.constant 8192 : i32
        %parallel_loop3A_300 = arith.addi %parallel_loop3A_299, %parallel_loop3A_279 : i32
        %parallel_loop3A_301 = arith.index_cast %parallel_loop3A_300 : i32 to index
        %parallel_loop3A_302 = tpu.vector_load %arg9[%parallel_loop3A_301] {strides = array<i32>} : memref<16384xf32, #tpu.memory_space<vmem>>, vector<16xf32>,
        tpu.vector_store %arg9[%parallel_loop3A_301], %parallel_loop3A_298 {add = true, strides = array<i32>} : memref<16384xf32, #tpu.memory_space<vmem>>, vector<16xf32>,
      } {sc.loop_unroll_factor = 16 : i64, sc.parallel_access}
      %dma_wait3A_74 = arith.constant 12288 : i32
      %dma_wait3A_75 = tpu.memref_slice %arg10[%dma_wait3A_74] : memref<16384xi32, #tpu.memory_space<vmem_shared>> -> memref<4096xi32, #tpu.memory_space<vmem_shared>>
      %dma_wait3A_76 = arith.constant 12288 : i32
      %dma_wait3A_77 = tpu.memref_slice %arg10[%dma_wait3A_76] : memref<16384xi32, #tpu.memory_space<vmem_shared>> -> memref<4096xi32, #tpu.memory_space<vmem_shared>>
      tpu.wait_dma2 semaphore(%arg16 : memref<!tpu.dma_semaphore, #tpu.memory_space<semaphore_mem>>) src(%dma_wait3A_77 : memref<4096xi32, #tpu.memory_space<vmem_shared>>) dst(%arg8 : memref<4096xi32, #tpu.memory_space<vmem>>)
      %parallel_loop3A_78 = arith.constant 0 : i32
      %parallel_loop3A_79 = arith.constant 256 : i32
      %parallel_loop3A_80 = arith.constant 1 : i32
      scf.for %parallel_loop3A_277 = %parallel_loop3A_78 to %parallel_loop3A_79 step %parallel_loop3A_80  : i32 {
        %parallel_loop3A_278 = arith.constant 16 : i32
        %parallel_loop3A_279 = arith.muli %parallel_loop3A_277, %parallel_loop3A_278 : i32
        %parallel_loop3A_280 = arith.index_cast %parallel_loop3A_279 : i32 to index
        %parallel_loop3A_281 = tpu.vector_load %arg8[%parallel_loop3A_280] {strides = array<i32>} : memref<4096xi32, #tpu.memory_space<vmem>>, vector<16xi32>,
        %parallel_loop3A_282 = arith.constant 0 : i32
        %parallel_loop3A_283 = vector.broadcast %parallel_loop3A_282 : i32 to vector<16xi32>
        %parallel_loop3A_284 = arith.subi %parallel_loop3A_281, %parallel_loop3A_283 : vector<16xi32>
        %parallel_loop3A_285 = arith.constant 0 : i32
        %parallel_loop3A_286 = vector.broadcast %parallel_loop3A_285 : i32 to vector<16xi32>
        %parallel_loop3A_287 = arith.cmpi sge, %parallel_loop3A_284, %parallel_loop3A_286 : vector<16xi32>
        %parallel_loop3A_288 = arith.constant 50048 : i32
        %parallel_loop3A_289 = vector.broadcast %parallel_loop3A_288 : i32 to vector<16xi32>
        %parallel_loop3A_290 = arith.cmpi slt, %parallel_loop3A_284, %parallel_loop3A_289 : vector<16xi32>
        %parallel_loop3A_291 = arith.andi %parallel_loop3A_287, %parallel_loop3A_290 : vector<16xi1>
        %parallel_loop3A_292 = arith.constant 0 : i32
        %parallel_loop3A_293 = vector.broadcast %parallel_loop3A_292 : i32 to vector<16xi32>
        %parallel_loop3A_294 = arith.select %parallel_loop3A_291, %parallel_loop3A_284, %parallel_loop3A_293 : vector<16xi1>, vector<16xi32>
        %parallel_loop3A_295 = tpu.vector_load_idx %arg5[%parallel_loop3A_294] : memref<50048xf32, #tpu.memory_space<vmem>>[vector<16xi32>], vector<16xf32>,
        %parallel_loop3A_296 = arith.constant 0.000000e+00 : f32
        %parallel_loop3A_297 = vector.broadcast %parallel_loop3A_296 : f32 to vector<16xf32>
        %parallel_loop3A_298 = arith.select %parallel_loop3A_291, %parallel_loop3A_295, %parallel_loop3A_297 : vector<16xi1>, vector<16xf32>
        %parallel_loop3A_299 = arith.constant 12288 : i32
        %parallel_loop3A_300 = arith.addi %parallel_loop3A_299, %parallel_loop3A_279 : i32
        %parallel_loop3A_301 = arith.index_cast %parallel_loop3A_300 : i32 to index
        %parallel_loop3A_302 = tpu.vector_load %arg9[%parallel_loop3A_301] {strides = array<i32>} : memref<16384xf32, #tpu.memory_space<vmem>>, vector<16xf32>,
        tpu.vector_store %arg9[%parallel_loop3A_301], %parallel_loop3A_298 {add = true, strides = array<i32>} : memref<16384xf32, #tpu.memory_space<vmem>>, vector<16xf32>,
      } {sc.loop_unroll_factor = 16 : i64, sc.parallel_access}
      %add3A_81 = arith.constant 1 : i32
      %add3A_82 = arith.addi %mul3A_23, %add3A_81 : i32
      %dma_start3A_83 = arith.constant 0 : i32
      %dma_start3A_84 = tpu.memref_slice %arg3[%add3A_82, %add3A, %dma_start3A_83] : memref<26x32x100000xf32, #tpu.memory_space<hbm>> -> memref<1x1x50048xf32, #tpu.memory_space<hbm>>
      %dma_start3A_85 = tpu.memref_squeeze %dma_start3A_84 : memref<1x1x50048xf32, #tpu.memory_space<hbm>> -> memref<50048xf32, #tpu.memory_space<hbm>>
      %dma_start3A_86 = arith.constant 0 : i32
      %dma_start3A_87 = tpu.memref_slice %arg3[%add3A_82, %add3A, %dma_start3A_86] : memref<26x32x100000xf32, #tpu.memory_space<hbm>> -> memref<1x1x50048xf32, #tpu.memory_space<hbm>>
      %dma_start3A_88 = tpu.memref_squeeze %dma_start3A_87 : memref<1x1x50048xf32, #tpu.memory_space<hbm>> -> memref<50048xf32, #tpu.memory_space<hbm>>
      tpu.enqueue_dma source(%dma_start3A_88 : memref<50048xf32, #tpu.memory_space<hbm>>) target(%arg5 : memref<50048xf32, #tpu.memory_space<vmem>>) target_semaphore(%arg12 : memref<!tpu.dma_semaphore, #tpu.memory_space<semaphore_mem>>)
      %dma_wait3A_89 = arith.constant 50048 : i32
      %dma_wait3A_90 = tpu.memref_slice %arg3[%mul3A_23, %add3A, %dma_wait3A_89] : memref<26x32x100000xf32, #tpu.memory_space<hbm>> -> memref<1x1x49952xf32, #tpu.memory_space<hbm>>
      %dma_wait3A_91 = tpu.memref_squeeze %dma_wait3A_90 : memref<1x1x49952xf32, #tpu.memory_space<hbm>> -> memref<49952xf32, #tpu.memory_space<hbm>>
      %dma_wait3A_92 = arith.constant 50048 : i32
      %dma_wait3A_93 = tpu.memref_slice %arg3[%mul3A_23, %add3A, %dma_wait3A_92] : memref<26x32x100000xf32, #tpu.memory_space<hbm>> -> memref<1x1x49952xf32, #tpu.memory_space<hbm>>
      %dma_wait3A_94 = tpu.memref_squeeze %dma_wait3A_93 : memref<1x1x49952xf32, #tpu.memory_space<hbm>> -> memref<49952xf32, #tpu.memory_space<hbm>>
      tpu.wait_dma2 semaphore(%arg13 : memref<!tpu.dma_semaphore, #tpu.memory_space<semaphore_mem>>) src(%dma_wait3A_94 : memref<49952xf32, #tpu.memory_space<hbm>>) dst(%arg6 : memref<49952xf32, #tpu.memory_space<vmem>>)
      %dma_start3A_95 = arith.constant 0 : i32
      %dma_start3A_96 = tpu.memref_slice %arg10[%dma_start3A_95] : memref<16384xi32, #tpu.memory_space<vmem_shared>> -> memref<4096xi32, #tpu.memory_space<vmem_shared>>
      %dma_start3A_97 = arith.constant 0 : i32
      %dma_start3A_98 = tpu.memref_slice %arg10[%dma_start3A_97] : memref<16384xi32, #tpu.memory_space<vmem_shared>> -> memref<4096xi32, #tpu.memory_space<vmem_shared>>
      tpu.enqueue_dma source(%dma_start3A_98 : memref<4096xi32, #tpu.memory_space<vmem_shared>>) target(%arg7 : memref<4096xi32, #tpu.memory_space<vmem>>) target_semaphore(%arg15 : memref<!tpu.dma_semaphore, #tpu.memory_space<semaphore_mem>>)
      %dma_start3A_99 = arith.constant 4096 : i32
      %dma_start3A_100 = tpu.memref_slice %arg10[%dma_start3A_99] : memref<16384xi32, #tpu.memory_space<vmem_shared>> -> memref<4096xi32, #tpu.memory_space<vmem_shared>>
      %dma_start3A_101 = arith.constant 4096 : i32
      %dma_start3A_102 = tpu.memref_slice %arg10[%dma_start3A_101] : memref<16384xi32, #tpu.memory_space<vmem_shared>> -> memref<4096xi32, #tpu.memory_space<vmem_shared>>
      tpu.enqueue_dma source(%dma_start3A_102 : memref<4096xi32, #tpu.memory_space<vmem_shared>>) target(%arg8 : memref<4096xi32, #tpu.memory_space<vmem>>) target_semaphore(%arg16 : memref<!tpu.dma_semaphore, #tpu.memory_space<semaphore_mem>>)
      %dma_wait3A_103 = arith.constant 0 : i32
      %dma_wait3A_104 = tpu.memref_slice %arg10[%dma_wait3A_103] : memref<16384xi32, #tpu.memory_space<vmem_shared>> -> memref<4096xi32, #tpu.memory_space<vmem_shared>>
      %dma_wait3A_105 = arith.constant 0 : i32
      %dma_wait3A_106 = tpu.memref_slice %arg10[%dma_wait3A_105] : memref<16384xi32, #tpu.memory_space<vmem_shared>> -> memref<4096xi32, #tpu.memory_space<vmem_shared>>
      tpu.wait_dma2 semaphore(%arg15 : memref<!tpu.dma_semaphore, #tpu.memory_space<semaphore_mem>>) src(%dma_wait3A_106 : memref<4096xi32, #tpu.memory_space<vmem_shared>>) dst(%arg7 : memref<4096xi32, #tpu.memory_space<vmem>>)
      %parallel_loop3A_107 = arith.constant 0 : i32
      %parallel_loop3A_108 = arith.constant 256 : i32
      %parallel_loop3A_109 = arith.constant 1 : i32
      scf.for %parallel_loop3A_277 = %parallel_loop3A_107 to %parallel_loop3A_108 step %parallel_loop3A_109  : i32 {
        %parallel_loop3A_278 = arith.constant 16 : i32
        %parallel_loop3A_279 = arith.muli %parallel_loop3A_277, %parallel_loop3A_278 : i32
        %parallel_loop3A_280 = arith.index_cast %parallel_loop3A_279 : i32 to index
        %parallel_loop3A_281 = tpu.vector_load %arg7[%parallel_loop3A_280] {strides = array<i32>} : memref<4096xi32, #tpu.memory_space<vmem>>, vector<16xi32>,
        %parallel_loop3A_282 = arith.constant 50048 : i32
        %parallel_loop3A_283 = vector.broadcast %parallel_loop3A_282 : i32 to vector<16xi32>
        %parallel_loop3A_284 = arith.subi %parallel_loop3A_281, %parallel_loop3A_283 : vector<16xi32>
        %parallel_loop3A_285 = arith.constant 0 : i32
        %parallel_loop3A_286 = vector.broadcast %parallel_loop3A_285 : i32 to vector<16xi32>
        %parallel_loop3A_287 = arith.cmpi sge, %parallel_loop3A_284, %parallel_loop3A_286 : vector<16xi32>
        %parallel_loop3A_288 = arith.constant 49952 : i32
        %parallel_loop3A_289 = vector.broadcast %parallel_loop3A_288 : i32 to vector<16xi32>
        %parallel_loop3A_290 = arith.cmpi slt, %parallel_loop3A_284, %parallel_loop3A_289 : vector<16xi32>
        %parallel_loop3A_291 = arith.andi %parallel_loop3A_287, %parallel_loop3A_290 : vector<16xi1>
        %parallel_loop3A_292 = arith.constant 0 : i32
        %parallel_loop3A_293 = vector.broadcast %parallel_loop3A_292 : i32 to vector<16xi32>
        %parallel_loop3A_294 = arith.select %parallel_loop3A_291, %parallel_loop3A_284, %parallel_loop3A_293 : vector<16xi1>, vector<16xi32>
        %parallel_loop3A_295 = tpu.vector_load_idx %arg6[%parallel_loop3A_294] : memref<49952xf32, #tpu.memory_space<vmem>>[vector<16xi32>], vector<16xf32>,
        %parallel_loop3A_296 = arith.constant 0.000000e+00 : f32
        %parallel_loop3A_297 = vector.broadcast %parallel_loop3A_296 : f32 to vector<16xf32>
        %parallel_loop3A_298 = arith.select %parallel_loop3A_291, %parallel_loop3A_295, %parallel_loop3A_297 : vector<16xi1>, vector<16xf32>
        %parallel_loop3A_299 = arith.constant 0 : i32
        %parallel_loop3A_300 = arith.addi %parallel_loop3A_299, %parallel_loop3A_279 : i32
        %parallel_loop3A_301 = arith.index_cast %parallel_loop3A_300 : i32 to index
        %parallel_loop3A_302 = tpu.vector_load %arg9[%parallel_loop3A_301] {strides = array<i32>} : memref<16384xf32, #tpu.memory_space<vmem>>, vector<16xf32>,
        tpu.vector_store %arg9[%parallel_loop3A_301], %parallel_loop3A_298 {add = true, strides = array<i32>} : memref<16384xf32, #tpu.memory_space<vmem>>, vector<16xf32>,
      } {sc.loop_unroll_factor = 16 : i64, sc.parallel_access}
      %dma_start3A_110 = arith.constant 8192 : i32
      %dma_start3A_111 = tpu.memref_slice %arg10[%dma_start3A_110] : memref<16384xi32, #tpu.memory_space<vmem_shared>> -> memref<4096xi32, #tpu.memory_space<vmem_shared>>
      %dma_start3A_112 = arith.constant 8192 : i32
      %dma_start3A_113 = tpu.memref_slice %arg10[%dma_start3A_112] : memref<16384xi32, #tpu.memory_space<vmem_shared>> -> memref<4096xi32, #tpu.memory_space<vmem_shared>>
      tpu.enqueue_dma source(%dma_start3A_113 : memref<4096xi32, #tpu.memory_space<vmem_shared>>) target(%arg7 : memref<4096xi32, #tpu.memory_space<vmem>>) target_semaphore(%arg15 : memref<!tpu.dma_semaphore, #tpu.memory_space<semaphore_mem>>)
      %dma_wait3A_114 = arith.constant 4096 : i32
      %dma_wait3A_115 = tpu.memref_slice %arg10[%dma_wait3A_114] : memref<16384xi32, #tpu.memory_space<vmem_shared>> -> memref<4096xi32, #tpu.memory_space<vmem_shared>>
      %dma_wait3A_116 = arith.constant 4096 : i32
      %dma_wait3A_117 = tpu.memref_slice %arg10[%dma_wait3A_116] : memref<16384xi32, #tpu.memory_space<vmem_shared>> -> memref<4096xi32, #tpu.memory_space<vmem_shared>>
      tpu.wait_dma2 semaphore(%arg16 : memref<!tpu.dma_semaphore, #tpu.memory_space<semaphore_mem>>) src(%dma_wait3A_117 : memref<4096xi32, #tpu.memory_space<vmem_shared>>) dst(%arg8 : memref<4096xi32, #tpu.memory_space<vmem>>)
      %parallel_loop3A_118 = arith.constant 0 : i32
      %parallel_loop3A_119 = arith.constant 256 : i32
      %parallel_loop3A_120 = arith.constant 1 : i32
      scf.for %parallel_loop3A_277 = %parallel_loop3A_118 to %parallel_loop3A_119 step %parallel_loop3A_120  : i32 {
        %parallel_loop3A_278 = arith.constant 16 : i32
        %parallel_loop3A_279 = arith.muli %parallel_loop3A_277, %parallel_loop3A_278 : i32
        %parallel_loop3A_280 = arith.index_cast %parallel_loop3A_279 : i32 to index
        %parallel_loop3A_281 = tpu.vector_load %arg8[%parallel_loop3A_280] {strides = array<i32>} : memref<4096xi32, #tpu.memory_space<vmem>>, vector<16xi32>,
        %parallel_loop3A_282 = arith.constant 50048 : i32
        %parallel_loop3A_283 = vector.broadcast %parallel_loop3A_282 : i32 to vector<16xi32>
        %parallel_loop3A_284 = arith.subi %parallel_loop3A_281, %parallel_loop3A_283 : vector<16xi32>
        %parallel_loop3A_285 = arith.constant 0 : i32
        %parallel_loop3A_286 = vector.broadcast %parallel_loop3A_285 : i32 to vector<16xi32>
        %parallel_loop3A_287 = arith.cmpi sge, %parallel_loop3A_284, %parallel_loop3A_286 : vector<16xi32>
        %parallel_loop3A_288 = arith.constant 49952 : i32
        %parallel_loop3A_289 = vector.broadcast %parallel_loop3A_288 : i32 to vector<16xi32>
        %parallel_loop3A_290 = arith.cmpi slt, %parallel_loop3A_284, %parallel_loop3A_289 : vector<16xi32>
        %parallel_loop3A_291 = arith.andi %parallel_loop3A_287, %parallel_loop3A_290 : vector<16xi1>
        %parallel_loop3A_292 = arith.constant 0 : i32
        %parallel_loop3A_293 = vector.broadcast %parallel_loop3A_292 : i32 to vector<16xi32>
        %parallel_loop3A_294 = arith.select %parallel_loop3A_291, %parallel_loop3A_284, %parallel_loop3A_293 : vector<16xi1>, vector<16xi32>
        %parallel_loop3A_295 = tpu.vector_load_idx %arg6[%parallel_loop3A_294] : memref<49952xf32, #tpu.memory_space<vmem>>[vector<16xi32>], vector<16xf32>,
        %parallel_loop3A_296 = arith.constant 0.000000e+00 : f32
        %parallel_loop3A_297 = vector.broadcast %parallel_loop3A_296 : f32 to vector<16xf32>
        %parallel_loop3A_298 = arith.select %parallel_loop3A_291, %parallel_loop3A_295, %parallel_loop3A_297 : vector<16xi1>, vector<16xf32>
        %parallel_loop3A_299 = arith.constant 4096 : i32
        %parallel_loop3A_300 = arith.addi %parallel_loop3A_299, %parallel_loop3A_279 : i32
        %parallel_loop3A_301 = arith.index_cast %parallel_loop3A_300 : i32 to index
        %parallel_loop3A_302 = tpu.vector_load %arg9[%parallel_loop3A_301] {strides = array<i32>} : memref<16384xf32, #tpu.memory_space<vmem>>, vector<16xf32>,
        tpu.vector_store %arg9[%parallel_loop3A_301], %parallel_loop3A_298 {add = true, strides = array<i32>} : memref<16384xf32, #tpu.memory_space<vmem>>, vector<16xf32>,
      } {sc.loop_unroll_factor = 16 : i64, sc.parallel_access}
      %dma_start3A_121 = arith.constant 12288 : i32
      %dma_start3A_122 = tpu.memref_slice %arg10[%dma_start3A_121] : memref<16384xi32, #tpu.memory_space<vmem_shared>> -> memref<4096xi32, #tpu.memory_space<vmem_shared>>
      %dma_start3A_123 = arith.constant 12288 : i32
      %dma_start3A_124 = tpu.memref_slice %arg10[%dma_start3A_123] : memref<16384xi32, #tpu.memory_space<vmem_shared>> -> memref<4096xi32, #tpu.memory_space<vmem_shared>>
      tpu.enqueue_dma source(%dma_start3A_124 : memref<4096xi32, #tpu.memory_space<vmem_shared>>) target(%arg8 : memref<4096xi32, #tpu.memory_space<vmem>>) target_semaphore(%arg16 : memref<!tpu.dma_semaphore, #tpu.memory_space<semaphore_mem>>)
      %dma_wait3A_125 = arith.constant 8192 : i32
      %dma_wait3A_126 = tpu.memref_slice %arg10[%dma_wait3A_125] : memref<16384xi32, #tpu.memory_space<vmem_shared>> -> memref<4096xi32, #tpu.memory_space<vmem_shared>>
      %dma_wait3A_127 = arith.constant 8192 : i32
      %dma_wait3A_128 = tpu.memref_slice %arg10[%dma_wait3A_127] : memref<16384xi32, #tpu.memory_space<vmem_shared>> -> memref<4096xi32, #tpu.memory_space<vmem_shared>>
      tpu.wait_dma2 semaphore(%arg15 : memref<!tpu.dma_semaphore, #tpu.memory_space<semaphore_mem>>) src(%dma_wait3A_128 : memref<4096xi32, #tpu.memory_space<vmem_shared>>) dst(%arg7 : memref<4096xi32, #tpu.memory_space<vmem>>)
      %parallel_loop3A_129 = arith.constant 0 : i32
      %parallel_loop3A_130 = arith.constant 256 : i32
      %parallel_loop3A_131 = arith.constant 1 : i32
      scf.for %parallel_loop3A_277 = %parallel_loop3A_129 to %parallel_loop3A_130 step %parallel_loop3A_131  : i32 {
        %parallel_loop3A_278 = arith.constant 16 : i32
        %parallel_loop3A_279 = arith.muli %parallel_loop3A_277, %parallel_loop3A_278 : i32
        %parallel_loop3A_280 = arith.index_cast %parallel_loop3A_279 : i32 to index
        %parallel_loop3A_281 = tpu.vector_load %arg7[%parallel_loop3A_280] {strides = array<i32>} : memref<4096xi32, #tpu.memory_space<vmem>>, vector<16xi32>,
        %parallel_loop3A_282 = arith.constant 50048 : i32
        %parallel_loop3A_283 = vector.broadcast %parallel_loop3A_282 : i32 to vector<16xi32>
        %parallel_loop3A_284 = arith.subi %parallel_loop3A_281, %parallel_loop3A_283 : vector<16xi32>
        %parallel_loop3A_285 = arith.constant 0 : i32
        %parallel_loop3A_286 = vector.broadcast %parallel_loop3A_285 : i32 to vector<16xi32>
        %parallel_loop3A_287 = arith.cmpi sge, %parallel_loop3A_284, %parallel_loop3A_286 : vector<16xi32>
        %parallel_loop3A_288 = arith.constant 49952 : i32
        %parallel_loop3A_289 = vector.broadcast %parallel_loop3A_288 : i32 to vector<16xi32>
        %parallel_loop3A_290 = arith.cmpi slt, %parallel_loop3A_284, %parallel_loop3A_289 : vector<16xi32>
        %parallel_loop3A_291 = arith.andi %parallel_loop3A_287, %parallel_loop3A_290 : vector<16xi1>
        %parallel_loop3A_292 = arith.constant 0 : i32
        %parallel_loop3A_293 = vector.broadcast %parallel_loop3A_292 : i32 to vector<16xi32>
        %parallel_loop3A_294 = arith.select %parallel_loop3A_291, %parallel_loop3A_284, %parallel_loop3A_293 : vector<16xi1>, vector<16xi32>
        %parallel_loop3A_295 = tpu.vector_load_idx %arg6[%parallel_loop3A_294] : memref<49952xf32, #tpu.memory_space<vmem>>[vector<16xi32>], vector<16xf32>,
        %parallel_loop3A_296 = arith.constant 0.000000e+00 : f32
        %parallel_loop3A_297 = vector.broadcast %parallel_loop3A_296 : f32 to vector<16xf32>
        %parallel_loop3A_298 = arith.select %parallel_loop3A_291, %parallel_loop3A_295, %parallel_loop3A_297 : vector<16xi1>, vector<16xf32>
        %parallel_loop3A_299 = arith.constant 8192 : i32
        %parallel_loop3A_300 = arith.addi %parallel_loop3A_299, %parallel_loop3A_279 : i32
        %parallel_loop3A_301 = arith.index_cast %parallel_loop3A_300 : i32 to index
        %parallel_loop3A_302 = tpu.vector_load %arg9[%parallel_loop3A_301] {strides = array<i32>} : memref<16384xf32, #tpu.memory_space<vmem>>, vector<16xf32>,
        tpu.vector_store %arg9[%parallel_loop3A_301], %parallel_loop3A_298 {add = true, strides = array<i32>} : memref<16384xf32, #tpu.memory_space<vmem>>, vector<16xf32>,
      } {sc.loop_unroll_factor = 16 : i64, sc.parallel_access}
      %dma_wait3A_132 = arith.constant 12288 : i32
      %dma_wait3A_133 = tpu.memref_slice %arg10[%dma_wait3A_132] : memref<16384xi32, #tpu.memory_space<vmem_shared>> -> memref<4096xi32, #tpu.memory_space<vmem_shared>>
      %dma_wait3A_134 = arith.constant 12288 : i32
      %dma_wait3A_135 = tpu.memref_slice %arg10[%dma_wait3A_134] : memref<16384xi32, #tpu.memory_space<vmem_shared>> -> memref<4096xi32, #tpu.memory_space<vmem_shared>>
      tpu.wait_dma2 semaphore(%arg16 : memref<!tpu.dma_semaphore, #tpu.memory_space<semaphore_mem>>) src(%dma_wait3A_135 : memref<4096xi32, #tpu.memory_space<vmem_shared>>) dst(%arg8 : memref<4096xi32, #tpu.memory_space<vmem>>)
      %parallel_loop3A_136 = arith.constant 0 : i32
      %parallel_loop3A_137 = arith.constant 256 : i32
      %parallel_loop3A_138 = arith.constant 1 : i32
      scf.for %parallel_loop3A_277 = %parallel_loop3A_136 to %parallel_loop3A_137 step %parallel_loop3A_138  : i32 {
        %parallel_loop3A_278 = arith.constant 16 : i32
        %parallel_loop3A_279 = arith.muli %parallel_loop3A_277, %parallel_loop3A_278 : i32
        %parallel_loop3A_280 = arith.index_cast %parallel_loop3A_279 : i32 to index
        %parallel_loop3A_281 = tpu.vector_load %arg8[%parallel_loop3A_280] {strides = array<i32>} : memref<4096xi32, #tpu.memory_space<vmem>>, vector<16xi32>,
        %parallel_loop3A_282 = arith.constant 50048 : i32
        %parallel_loop3A_283 = vector.broadcast %parallel_loop3A_282 : i32 to vector<16xi32>
        %parallel_loop3A_284 = arith.subi %parallel_loop3A_281, %parallel_loop3A_283 : vector<16xi32>
        %parallel_loop3A_285 = arith.constant 0 : i32
        %parallel_loop3A_286 = vector.broadcast %parallel_loop3A_285 : i32 to vector<16xi32>
        %parallel_loop3A_287 = arith.cmpi sge, %parallel_loop3A_284, %parallel_loop3A_286 : vector<16xi32>
        %parallel_loop3A_288 = arith.constant 49952 : i32
        %parallel_loop3A_289 = vector.broadcast %parallel_loop3A_288 : i32 to vector<16xi32>
        %parallel_loop3A_290 = arith.cmpi slt, %parallel_loop3A_284, %parallel_loop3A_289 : vector<16xi32>
        %parallel_loop3A_291 = arith.andi %parallel_loop3A_287, %parallel_loop3A_290 : vector<16xi1>
        %parallel_loop3A_292 = arith.constant 0 : i32
        %parallel_loop3A_293 = vector.broadcast %parallel_loop3A_292 : i32 to vector<16xi32>
        %parallel_loop3A_294 = arith.select %parallel_loop3A_291, %parallel_loop3A_284, %parallel_loop3A_293 : vector<16xi1>, vector<16xi32>
        %parallel_loop3A_295 = tpu.vector_load_idx %arg6[%parallel_loop3A_294] : memref<49952xf32, #tpu.memory_space<vmem>>[vector<16xi32>], vector<16xf32>,
        %parallel_loop3A_296 = arith.constant 0.000000e+00 : f32
        %parallel_loop3A_297 = vector.broadcast %parallel_loop3A_296 : f32 to vector<16xf32>
        %parallel_loop3A_298 = arith.select %parallel_loop3A_291, %parallel_loop3A_295, %parallel_loop3A_297 : vector<16xi1>, vector<16xf32>
        %parallel_loop3A_299 = arith.constant 12288 : i32
        %parallel_loop3A_300 = arith.addi %parallel_loop3A_299, %parallel_loop3A_279 : i32
        %parallel_loop3A_301 = arith.index_cast %parallel_loop3A_300 : i32 to index
        %parallel_loop3A_302 = tpu.vector_load %arg9[%parallel_loop3A_301] {strides = array<i32>} : memref<16384xf32, #tpu.memory_space<vmem>>, vector<16xf32>,
        tpu.vector_store %arg9[%parallel_loop3A_301], %parallel_loop3A_298 {add = true, strides = array<i32>} : memref<16384xf32, #tpu.memory_space<vmem>>, vector<16xf32>,
      } {sc.loop_unroll_factor = 16 : i64, sc.parallel_access}
      %convert_element_type3A_139 = arith.extui %eq3A_1 : i1 to i32
      %cond3A_140 = arith.constant 0 : i32
      %cond3A_141 = arith.cmpi ne, %convert_element_type3A_139, %cond3A_140 : i32
      scf.if %cond3A_141 {
        %add3A_277 = arith.constant 1 : i32
        %add3A_278 = arith.addi %mul3A_23, %add3A_277 : i32
        %dma_wait3A_279 = arith.constant 0 : i32
        %dma_wait3A_280 = tpu.memref_slice %arg2[%add3A_278, %dma_wait3A_279] : memref<26x16384xi32, #tpu.memory_space<hbm>> -> memref<1x16384xi32, #tpu.memory_space<hbm>>
        %dma_wait3A_281 = tpu.memref_squeeze %dma_wait3A_280 : memref<1x16384xi32, #tpu.memory_space<hbm>> -> memref<16384xi32, #tpu.memory_space<hbm>>
        tpu.wait_dma2 semaphore(%arg14 : memref<!tpu.dma_semaphore, #tpu.memory_space<semaphore_mem>>) src(%dma_wait3A_281 : memref<16384xi32, #tpu.memory_space<hbm>>) dst(%arg11 : memref<16384xi32, #tpu.memory_space<vmem_shared>>)
      } else {
      }
      %barrier3A_142 = arith.constant 0 : index
      tpu.barrier barrier_id(%barrier3A_142)
      %add3A_143 = arith.constant 2 : i32
      %add3A_144 = arith.addi %mul3A_23, %add3A_143 : i32
      %lt3A = arith.constant 26 : i32
      %lt3A_145 = arith.cmpi slt, %add3A_144, %lt3A : i32
      %and3A = arith.andi %eq3A_1, %lt3A_145 : i1
      %convert_element_type3A_146 = arith.extui %and3A : i1 to i32
      %cond3A_147 = arith.constant 0 : i32
      %cond3A_148 = arith.cmpi ne, %convert_element_type3A_146, %cond3A_147 : i32
      scf.if %cond3A_148 {
        %add3A_277 = arith.constant 2 : i32
        %add3A_278 = arith.addi %mul3A_23, %add3A_277 : i32
        %dma_start3A_279 = arith.constant 0 : i32
        %dma_start3A_280 = tpu.memref_slice %arg2[%add3A_278, %dma_start3A_279] : memref<26x16384xi32, #tpu.memory_space<hbm>> -> memref<1x16384xi32, #tpu.memory_space<hbm>>
        %dma_start3A_281 = tpu.memref_squeeze %dma_start3A_280 : memref<1x16384xi32, #tpu.memory_space<hbm>> -> memref<16384xi32, #tpu.memory_space<hbm>>
        tpu.enqueue_dma source(%dma_start3A_281 : memref<16384xi32, #tpu.memory_space<hbm>>) target(%arg10 : memref<16384xi32, #tpu.memory_space<vmem_shared>>) target_semaphore(%arg14 : memref<!tpu.dma_semaphore, #tpu.memory_space<semaphore_mem>>)
      } else {
      }
      %add3A_149 = arith.constant 1 : i32
      %add3A_150 = arith.addi %mul3A_23, %add3A_149 : i32
      %dma_start3A_151 = arith.constant 50048 : i32
      %dma_start3A_152 = tpu.memref_slice %arg3[%add3A_150, %add3A, %dma_start3A_151] : memref<26x32x100000xf32, #tpu.memory_space<hbm>> -> memref<1x1x49952xf32, #tpu.memory_space<hbm>>
      %dma_start3A_153 = tpu.memref_squeeze %dma_start3A_152 : memref<1x1x49952xf32, #tpu.memory_space<hbm>> -> memref<49952xf32, #tpu.memory_space<hbm>>
      %dma_start3A_154 = arith.constant 50048 : i32
      %dma_start3A_155 = tpu.memref_slice %arg3[%add3A_150, %add3A, %dma_start3A_154] : memref<26x32x100000xf32, #tpu.memory_space<hbm>> -> memref<1x1x49952xf32, #tpu.memory_space<hbm>>
      %dma_start3A_156 = tpu.memref_squeeze %dma_start3A_155 : memref<1x1x49952xf32, #tpu.memory_space<hbm>> -> memref<49952xf32, #tpu.memory_space<hbm>>
      tpu.enqueue_dma source(%dma_start3A_156 : memref<49952xf32, #tpu.memory_space<hbm>>) target(%arg6 : memref<49952xf32, #tpu.memory_space<vmem>>) target_semaphore(%arg13 : memref<!tpu.dma_semaphore, #tpu.memory_space<semaphore_mem>>)
      %add3A_157 = arith.constant 1 : i32
      %add3A_158 = arith.addi %mul3A_23, %add3A_157 : i32
      %dma_wait3A_159 = arith.constant 0 : i32
      %dma_wait3A_160 = tpu.memref_slice %arg3[%add3A_158, %add3A, %dma_wait3A_159] : memref<26x32x100000xf32, #tpu.memory_space<hbm>> -> memref<1x1x50048xf32, #tpu.memory_space<hbm>>
      %dma_wait3A_161 = tpu.memref_squeeze %dma_wait3A_160 : memref<1x1x50048xf32, #tpu.memory_space<hbm>> -> memref<50048xf32, #tpu.memory_space<hbm>>
      %dma_wait3A_162 = arith.constant 0 : i32
      %dma_wait3A_163 = tpu.memref_slice %arg3[%add3A_158, %add3A, %dma_wait3A_162] : memref<26x32x100000xf32, #tpu.memory_space<hbm>> -> memref<1x1x50048xf32, #tpu.memory_space<hbm>>
      %dma_wait3A_164 = tpu.memref_squeeze %dma_wait3A_163 : memref<1x1x50048xf32, #tpu.memory_space<hbm>> -> memref<50048xf32, #tpu.memory_space<hbm>>
      tpu.wait_dma2 semaphore(%arg12 : memref<!tpu.dma_semaphore, #tpu.memory_space<semaphore_mem>>) src(%dma_wait3A_164 : memref<50048xf32, #tpu.memory_space<hbm>>) dst(%arg5 : memref<50048xf32, #tpu.memory_space<vmem>>)
      %dma_start3A_165 = arith.constant 0 : i32
      %dma_start3A_166 = tpu.memref_slice %arg11[%dma_start3A_165] : memref<16384xi32, #tpu.memory_space<vmem_shared>> -> memref<4096xi32, #tpu.memory_space<vmem_shared>>
      %dma_start3A_167 = arith.constant 0 : i32
      %dma_start3A_168 = tpu.memref_slice %arg11[%dma_start3A_167] : memref<16384xi32, #tpu.memory_space<vmem_shared>> -> memref<4096xi32, #tpu.memory_space<vmem_shared>>
      tpu.enqueue_dma source(%dma_start3A_168 : memref<4096xi32, #tpu.memory_space<vmem_shared>>) target(%arg7 : memref<4096xi32, #tpu.memory_space<vmem>>) target_semaphore(%arg15 : memref<!tpu.dma_semaphore, #tpu.memory_space<semaphore_mem>>)
      %dma_start3A_169 = arith.constant 4096 : i32
      %dma_start3A_170 = tpu.memref_slice %arg11[%dma_start3A_169] : memref<16384xi32, #tpu.memory_space<vmem_shared>> -> memref<4096xi32, #tpu.memory_space<vmem_shared>>
      %dma_start3A_171 = arith.constant 4096 : i32
      %dma_start3A_172 = tpu.memref_slice %arg11[%dma_start3A_171] : memref<16384xi32, #tpu.memory_space<vmem_shared>> -> memref<4096xi32, #tpu.memory_space<vmem_shared>>
      tpu.enqueue_dma source(%dma_start3A_172 : memref<4096xi32, #tpu.memory_space<vmem_shared>>) target(%arg8 : memref<4096xi32, #tpu.memory_space<vmem>>) target_semaphore(%arg16 : memref<!tpu.dma_semaphore, #tpu.memory_space<semaphore_mem>>)
      %dma_wait3A_173 = arith.constant 0 : i32
      %dma_wait3A_174 = tpu.memref_slice %arg11[%dma_wait3A_173] : memref<16384xi32, #tpu.memory_space<vmem_shared>> -> memref<4096xi32, #tpu.memory_space<vmem_shared>>
      %dma_wait3A_175 = arith.constant 0 : i32
      %dma_wait3A_176 = tpu.memref_slice %arg11[%dma_wait3A_175] : memref<16384xi32, #tpu.memory_space<vmem_shared>> -> memref<4096xi32, #tpu.memory_space<vmem_shared>>
      tpu.wait_dma2 semaphore(%arg15 : memref<!tpu.dma_semaphore, #tpu.memory_space<semaphore_mem>>) src(%dma_wait3A_176 : memref<4096xi32, #tpu.memory_space<vmem_shared>>) dst(%arg7 : memref<4096xi32, #tpu.memory_space<vmem>>)
      %parallel_loop3A_177 = arith.constant 0 : i32
      %parallel_loop3A_178 = arith.constant 256 : i32
      %parallel_loop3A_179 = arith.constant 1 : i32
      scf.for %parallel_loop3A_277 = %parallel_loop3A_177 to %parallel_loop3A_178 step %parallel_loop3A_179  : i32 {
        %parallel_loop3A_278 = arith.constant 16 : i32
        %parallel_loop3A_279 = arith.muli %parallel_loop3A_277, %parallel_loop3A_278 : i32
        %parallel_loop3A_280 = arith.index_cast %parallel_loop3A_279 : i32 to index
        %parallel_loop3A_281 = tpu.vector_load %arg7[%parallel_loop3A_280] {strides = array<i32>} : memref<4096xi32, #tpu.memory_space<vmem>>, vector<16xi32>,
        %parallel_loop3A_282 = arith.constant 0 : i32
        %parallel_loop3A_283 = vector.broadcast %parallel_loop3A_282 : i32 to vector<16xi32>
        %parallel_loop3A_284 = arith.subi %parallel_loop3A_281, %parallel_loop3A_283 : vector<16xi32>
        %parallel_loop3A_285 = arith.constant 0 : i32
        %parallel_loop3A_286 = vector.broadcast %parallel_loop3A_285 : i32 to vector<16xi32>
        %parallel_loop3A_287 = arith.cmpi sge, %parallel_loop3A_284, %parallel_loop3A_286 : vector<16xi32>
        %parallel_loop3A_288 = arith.constant 50048 : i32
        %parallel_loop3A_289 = vector.broadcast %parallel_loop3A_288 : i32 to vector<16xi32>
        %parallel_loop3A_290 = arith.cmpi slt, %parallel_loop3A_284, %parallel_loop3A_289 : vector<16xi32>
        %parallel_loop3A_291 = arith.andi %parallel_loop3A_287, %parallel_loop3A_290 : vector<16xi1>
        %parallel_loop3A_292 = arith.constant 0 : i32
        %parallel_loop3A_293 = vector.broadcast %parallel_loop3A_292 : i32 to vector<16xi32>
        %parallel_loop3A_294 = arith.select %parallel_loop3A_291, %parallel_loop3A_284, %parallel_loop3A_293 : vector<16xi1>, vector<16xi32>
        %parallel_loop3A_295 = tpu.vector_load_idx %arg5[%parallel_loop3A_294] : memref<50048xf32, #tpu.memory_space<vmem>>[vector<16xi32>], vector<16xf32>,
        %parallel_loop3A_296 = arith.constant 0.000000e+00 : f32
        %parallel_loop3A_297 = vector.broadcast %parallel_loop3A_296 : f32 to vector<16xf32>
        %parallel_loop3A_298 = arith.select %parallel_loop3A_291, %parallel_loop3A_295, %parallel_loop3A_297 : vector<16xi1>, vector<16xf32>
        %parallel_loop3A_299 = arith.constant 0 : i32
        %parallel_loop3A_300 = arith.addi %parallel_loop3A_299, %parallel_loop3A_279 : i32
        %parallel_loop3A_301 = arith.index_cast %parallel_loop3A_300 : i32 to index
        %parallel_loop3A_302 = tpu.vector_load %arg9[%parallel_loop3A_301] {strides = array<i32>} : memref<16384xf32, #tpu.memory_space<vmem>>, vector<16xf32>,
        tpu.vector_store %arg9[%parallel_loop3A_301], %parallel_loop3A_298 {add = true, strides = array<i32>} : memref<16384xf32, #tpu.memory_space<vmem>>, vector<16xf32>,
      } {sc.loop_unroll_factor = 16 : i64, sc.parallel_access}
      %dma_start3A_180 = arith.constant 8192 : i32
      %dma_start3A_181 = tpu.memref_slice %arg11[%dma_start3A_180] : memref<16384xi32, #tpu.memory_space<vmem_shared>> -> memref<4096xi32, #tpu.memory_space<vmem_shared>>
      %dma_start3A_182 = arith.constant 8192 : i32
      %dma_start3A_183 = tpu.memref_slice %arg11[%dma_start3A_182] : memref<16384xi32, #tpu.memory_space<vmem_shared>> -> memref<4096xi32, #tpu.memory_space<vmem_shared>>
      tpu.enqueue_dma source(%dma_start3A_183 : memref<4096xi32, #tpu.memory_space<vmem_shared>>) target(%arg7 : memref<4096xi32, #tpu.memory_space<vmem>>) target_semaphore(%arg15 : memref<!tpu.dma_semaphore, #tpu.memory_space<semaphore_mem>>)
      %dma_wait3A_184 = arith.constant 4096 : i32
      %dma_wait3A_185 = tpu.memref_slice %arg11[%dma_wait3A_184] : memref<16384xi32, #tpu.memory_space<vmem_shared>> -> memref<4096xi32, #tpu.memory_space<vmem_shared>>
      %dma_wait3A_186 = arith.constant 4096 : i32
      %dma_wait3A_187 = tpu.memref_slice %arg11[%dma_wait3A_186] : memref<16384xi32, #tpu.memory_space<vmem_shared>> -> memref<4096xi32, #tpu.memory_space<vmem_shared>>
      tpu.wait_dma2 semaphore(%arg16 : memref<!tpu.dma_semaphore, #tpu.memory_space<semaphore_mem>>) src(%dma_wait3A_187 : memref<4096xi32, #tpu.memory_space<vmem_shared>>) dst(%arg8 : memref<4096xi32, #tpu.memory_space<vmem>>)
      %parallel_loop3A_188 = arith.constant 0 : i32
      %parallel_loop3A_189 = arith.constant 256 : i32
      %parallel_loop3A_190 = arith.constant 1 : i32
      scf.for %parallel_loop3A_277 = %parallel_loop3A_188 to %parallel_loop3A_189 step %parallel_loop3A_190  : i32 {
        %parallel_loop3A_278 = arith.constant 16 : i32
        %parallel_loop3A_279 = arith.muli %parallel_loop3A_277, %parallel_loop3A_278 : i32
        %parallel_loop3A_280 = arith.index_cast %parallel_loop3A_279 : i32 to index
        %parallel_loop3A_281 = tpu.vector_load %arg8[%parallel_loop3A_280] {strides = array<i32>} : memref<4096xi32, #tpu.memory_space<vmem>>, vector<16xi32>,
        %parallel_loop3A_282 = arith.constant 0 : i32
        %parallel_loop3A_283 = vector.broadcast %parallel_loop3A_282 : i32 to vector<16xi32>
        %parallel_loop3A_284 = arith.subi %parallel_loop3A_281, %parallel_loop3A_283 : vector<16xi32>
        %parallel_loop3A_285 = arith.constant 0 : i32
        %parallel_loop3A_286 = vector.broadcast %parallel_loop3A_285 : i32 to vector<16xi32>
        %parallel_loop3A_287 = arith.cmpi sge, %parallel_loop3A_284, %parallel_loop3A_286 : vector<16xi32>
        %parallel_loop3A_288 = arith.constant 50048 : i32
        %parallel_loop3A_289 = vector.broadcast %parallel_loop3A_288 : i32 to vector<16xi32>
        %parallel_loop3A_290 = arith.cmpi slt, %parallel_loop3A_284, %parallel_loop3A_289 : vector<16xi32>
        %parallel_loop3A_291 = arith.andi %parallel_loop3A_287, %parallel_loop3A_290 : vector<16xi1>
        %parallel_loop3A_292 = arith.constant 0 : i32
        %parallel_loop3A_293 = vector.broadcast %parallel_loop3A_292 : i32 to vector<16xi32>
        %parallel_loop3A_294 = arith.select %parallel_loop3A_291, %parallel_loop3A_284, %parallel_loop3A_293 : vector<16xi1>, vector<16xi32>
        %parallel_loop3A_295 = tpu.vector_load_idx %arg5[%parallel_loop3A_294] : memref<50048xf32, #tpu.memory_space<vmem>>[vector<16xi32>], vector<16xf32>,
        %parallel_loop3A_296 = arith.constant 0.000000e+00 : f32
        %parallel_loop3A_297 = vector.broadcast %parallel_loop3A_296 : f32 to vector<16xf32>
        %parallel_loop3A_298 = arith.select %parallel_loop3A_291, %parallel_loop3A_295, %parallel_loop3A_297 : vector<16xi1>, vector<16xf32>
        %parallel_loop3A_299 = arith.constant 4096 : i32
        %parallel_loop3A_300 = arith.addi %parallel_loop3A_299, %parallel_loop3A_279 : i32
        %parallel_loop3A_301 = arith.index_cast %parallel_loop3A_300 : i32 to index
        %parallel_loop3A_302 = tpu.vector_load %arg9[%parallel_loop3A_301] {strides = array<i32>} : memref<16384xf32, #tpu.memory_space<vmem>>, vector<16xf32>,
        tpu.vector_store %arg9[%parallel_loop3A_301], %parallel_loop3A_298 {add = true, strides = array<i32>} : memref<16384xf32, #tpu.memory_space<vmem>>, vector<16xf32>,
      } {sc.loop_unroll_factor = 16 : i64, sc.parallel_access}
      %dma_start3A_191 = arith.constant 12288 : i32
      %dma_start3A_192 = tpu.memref_slice %arg11[%dma_start3A_191] : memref<16384xi32, #tpu.memory_space<vmem_shared>> -> memref<4096xi32, #tpu.memory_space<vmem_shared>>
      %dma_start3A_193 = arith.constant 12288 : i32
      %dma_start3A_194 = tpu.memref_slice %arg11[%dma_start3A_193] : memref<16384xi32, #tpu.memory_space<vmem_shared>> -> memref<4096xi32, #tpu.memory_space<vmem_shared>>
      tpu.enqueue_dma source(%dma_start3A_194 : memref<4096xi32, #tpu.memory_space<vmem_shared>>) target(%arg8 : memref<4096xi32, #tpu.memory_space<vmem>>) target_semaphore(%arg16 : memref<!tpu.dma_semaphore, #tpu.memory_space<semaphore_mem>>)
      %dma_wait3A_195 = arith.constant 8192 : i32
      %dma_wait3A_196 = tpu.memref_slice %arg11[%dma_wait3A_195] : memref<16384xi32, #tpu.memory_space<vmem_shared>> -> memref<4096xi32, #tpu.memory_space<vmem_shared>>
      %dma_wait3A_197 = arith.constant 8192 : i32
      %dma_wait3A_198 = tpu.memref_slice %arg11[%dma_wait3A_197] : memref<16384xi32, #tpu.memory_space<vmem_shared>> -> memref<4096xi32, #tpu.memory_space<vmem_shared>>
      tpu.wait_dma2 semaphore(%arg15 : memref<!tpu.dma_semaphore, #tpu.memory_space<semaphore_mem>>) src(%dma_wait3A_198 : memref<4096xi32, #tpu.memory_space<vmem_shared>>) dst(%arg7 : memref<4096xi32, #tpu.memory_space<vmem>>)
      %parallel_loop3A_199 = arith.constant 0 : i32
      %parallel_loop3A_200 = arith.constant 256 : i32
      %parallel_loop3A_201 = arith.constant 1 : i32
      scf.for %parallel_loop3A_277 = %parallel_loop3A_199 to %parallel_loop3A_200 step %parallel_loop3A_201  : i32 {
        %parallel_loop3A_278 = arith.constant 16 : i32
        %parallel_loop3A_279 = arith.muli %parallel_loop3A_277, %parallel_loop3A_278 : i32
        %parallel_loop3A_280 = arith.index_cast %parallel_loop3A_279 : i32 to index
        %parallel_loop3A_281 = tpu.vector_load %arg7[%parallel_loop3A_280] {strides = array<i32>} : memref<4096xi32, #tpu.memory_space<vmem>>, vector<16xi32>,
        %parallel_loop3A_282 = arith.constant 0 : i32
        %parallel_loop3A_283 = vector.broadcast %parallel_loop3A_282 : i32 to vector<16xi32>
        %parallel_loop3A_284 = arith.subi %parallel_loop3A_281, %parallel_loop3A_283 : vector<16xi32>
        %parallel_loop3A_285 = arith.constant 0 : i32
        %parallel_loop3A_286 = vector.broadcast %parallel_loop3A_285 : i32 to vector<16xi32>
        %parallel_loop3A_287 = arith.cmpi sge, %parallel_loop3A_284, %parallel_loop3A_286 : vector<16xi32>
        %parallel_loop3A_288 = arith.constant 50048 : i32
        %parallel_loop3A_289 = vector.broadcast %parallel_loop3A_288 : i32 to vector<16xi32>
        %parallel_loop3A_290 = arith.cmpi slt, %parallel_loop3A_284, %parallel_loop3A_289 : vector<16xi32>
        %parallel_loop3A_291 = arith.andi %parallel_loop3A_287, %parallel_loop3A_290 : vector<16xi1>
        %parallel_loop3A_292 = arith.constant 0 : i32
        %parallel_loop3A_293 = vector.broadcast %parallel_loop3A_292 : i32 to vector<16xi32>
        %parallel_loop3A_294 = arith.select %parallel_loop3A_291, %parallel_loop3A_284, %parallel_loop3A_293 : vector<16xi1>, vector<16xi32>
        %parallel_loop3A_295 = tpu.vector_load_idx %arg5[%parallel_loop3A_294] : memref<50048xf32, #tpu.memory_space<vmem>>[vector<16xi32>], vector<16xf32>,
        %parallel_loop3A_296 = arith.constant 0.000000e+00 : f32
        %parallel_loop3A_297 = vector.broadcast %parallel_loop3A_296 : f32 to vector<16xf32>
        %parallel_loop3A_298 = arith.select %parallel_loop3A_291, %parallel_loop3A_295, %parallel_loop3A_297 : vector<16xi1>, vector<16xf32>
        %parallel_loop3A_299 = arith.constant 8192 : i32
        %parallel_loop3A_300 = arith.addi %parallel_loop3A_299, %parallel_loop3A_279 : i32
        %parallel_loop3A_301 = arith.index_cast %parallel_loop3A_300 : i32 to index
        %parallel_loop3A_302 = tpu.vector_load %arg9[%parallel_loop3A_301] {strides = array<i32>} : memref<16384xf32, #tpu.memory_space<vmem>>, vector<16xf32>,
        tpu.vector_store %arg9[%parallel_loop3A_301], %parallel_loop3A_298 {add = true, strides = array<i32>} : memref<16384xf32, #tpu.memory_space<vmem>>, vector<16xf32>,
      } {sc.loop_unroll_factor = 16 : i64, sc.parallel_access}
      %dma_wait3A_202 = arith.constant 12288 : i32
      %dma_wait3A_203 = tpu.memref_slice %arg11[%dma_wait3A_202] : memref<16384xi32, #tpu.memory_space<vmem_shared>> -> memref<4096xi32, #tpu.memory_space<vmem_shared>>
      %dma_wait3A_204 = arith.constant 12288 : i32
      %dma_wait3A_205 = tpu.memref_slice %arg11[%dma_wait3A_204] : memref<16384xi32, #tpu.memory_space<vmem_shared>> -> memref<4096xi32, #tpu.memory_space<vmem_shared>>
      tpu.wait_dma2 semaphore(%arg16 : memref<!tpu.dma_semaphore, #tpu.memory_space<semaphore_mem>>) src(%dma_wait3A_205 : memref<4096xi32, #tpu.memory_space<vmem_shared>>) dst(%arg8 : memref<4096xi32, #tpu.memory_space<vmem>>)
      %parallel_loop3A_206 = arith.constant 0 : i32
      %parallel_loop3A_207 = arith.constant 256 : i32
      %parallel_loop3A_208 = arith.constant 1 : i32
      scf.for %parallel_loop3A_277 = %parallel_loop3A_206 to %parallel_loop3A_207 step %parallel_loop3A_208  : i32 {
        %parallel_loop3A_278 = arith.constant 16 : i32
        %parallel_loop3A_279 = arith.muli %parallel_loop3A_277, %parallel_loop3A_278 : i32
        %parallel_loop3A_280 = arith.index_cast %parallel_loop3A_279 : i32 to index
        %parallel_loop3A_281 = tpu.vector_load %arg8[%parallel_loop3A_280] {strides = array<i32>} : memref<4096xi32, #tpu.memory_space<vmem>>, vector<16xi32>,
        %parallel_loop3A_282 = arith.constant 0 : i32
        %parallel_loop3A_283 = vector.broadcast %parallel_loop3A_282 : i32 to vector<16xi32>
        %parallel_loop3A_284 = arith.subi %parallel_loop3A_281, %parallel_loop3A_283 : vector<16xi32>
        %parallel_loop3A_285 = arith.constant 0 : i32
        %parallel_loop3A_286 = vector.broadcast %parallel_loop3A_285 : i32 to vector<16xi32>
        %parallel_loop3A_287 = arith.cmpi sge, %parallel_loop3A_284, %parallel_loop3A_286 : vector<16xi32>
        %parallel_loop3A_288 = arith.constant 50048 : i32
        %parallel_loop3A_289 = vector.broadcast %parallel_loop3A_288 : i32 to vector<16xi32>
        %parallel_loop3A_290 = arith.cmpi slt, %parallel_loop3A_284, %parallel_loop3A_289 : vector<16xi32>
        %parallel_loop3A_291 = arith.andi %parallel_loop3A_287, %parallel_loop3A_290 : vector<16xi1>
        %parallel_loop3A_292 = arith.constant 0 : i32
        %parallel_loop3A_293 = vector.broadcast %parallel_loop3A_292 : i32 to vector<16xi32>
        %parallel_loop3A_294 = arith.select %parallel_loop3A_291, %parallel_loop3A_284, %parallel_loop3A_293 : vector<16xi1>, vector<16xi32>
        %parallel_loop3A_295 = tpu.vector_load_idx %arg5[%parallel_loop3A_294] : memref<50048xf32, #tpu.memory_space<vmem>>[vector<16xi32>], vector<16xf32>,
        %parallel_loop3A_296 = arith.constant 0.000000e+00 : f32
        %parallel_loop3A_297 = vector.broadcast %parallel_loop3A_296 : f32 to vector<16xf32>
        %parallel_loop3A_298 = arith.select %parallel_loop3A_291, %parallel_loop3A_295, %parallel_loop3A_297 : vector<16xi1>, vector<16xf32>
        %parallel_loop3A_299 = arith.constant 12288 : i32
        %parallel_loop3A_300 = arith.addi %parallel_loop3A_299, %parallel_loop3A_279 : i32
        %parallel_loop3A_301 = arith.index_cast %parallel_loop3A_300 : i32 to index
        %parallel_loop3A_302 = tpu.vector_load %arg9[%parallel_loop3A_301] {strides = array<i32>} : memref<16384xf32, #tpu.memory_space<vmem>>, vector<16xf32>,
        tpu.vector_store %arg9[%parallel_loop3A_301], %parallel_loop3A_298 {add = true, strides = array<i32>} : memref<16384xf32, #tpu.memory_space<vmem>>, vector<16xf32>,
      } {sc.loop_unroll_factor = 16 : i64, sc.parallel_access}
      %add3A_209 = arith.constant 2 : i32
      %add3A_210 = arith.addi %mul3A_23, %add3A_209 : i32
      %lt3A_211 = arith.constant 26 : i32
      %lt3A_212 = arith.cmpi slt, %add3A_210, %lt3A_211 : i32
      %convert_element_type3A_213 = arith.extui %lt3A_212 : i1 to i32
      %cond3A_214 = arith.constant 0 : i32
      %cond3A_215 = arith.cmpi ne, %convert_element_type3A_213, %cond3A_214 : i32
      scf.if %cond3A_215 {
        %add3A_277 = arith.constant 2 : i32
        %add3A_278 = arith.addi %mul3A_23, %add3A_277 : i32
        %dma_start3A_279 = arith.constant 0 : i32
        %dma_start3A_280 = tpu.memref_slice %arg3[%add3A_278, %add3A, %dma_start3A_279] : memref<26x32x100000xf32, #tpu.memory_space<hbm>> -> memref<1x1x50048xf32, #tpu.memory_space<hbm>>
        %dma_start3A_281 = tpu.memref_squeeze %dma_start3A_280 : memref<1x1x50048xf32, #tpu.memory_space<hbm>> -> memref<50048xf32, #tpu.memory_space<hbm>>
        %dma_start3A_282 = arith.constant 0 : i32
        %dma_start3A_283 = tpu.memref_slice %arg3[%add3A_278, %add3A, %dma_start3A_282] : memref<26x32x100000xf32, #tpu.memory_space<hbm>> -> memref<1x1x50048xf32, #tpu.memory_space<hbm>>
        %dma_start3A_284 = tpu.memref_squeeze %dma_start3A_283 : memref<1x1x50048xf32, #tpu.memory_space<hbm>> -> memref<50048xf32, #tpu.memory_space<hbm>>
        tpu.enqueue_dma source(%dma_start3A_284 : memref<50048xf32, #tpu.memory_space<hbm>>) target(%arg5 : memref<50048xf32, #tpu.memory_space<vmem>>) target_semaphore(%arg12 : memref<!tpu.dma_semaphore, #tpu.memory_space<semaphore_mem>>)
      } else {
      }
      %add3A_216 = arith.constant 1 : i32
      %add3A_217 = arith.addi %mul3A_23, %add3A_216 : i32
      %dma_wait3A_218 = arith.constant 50048 : i32
      %dma_wait3A_219 = tpu.memref_slice %arg3[%add3A_217, %add3A, %dma_wait3A_218] : memref<26x32x100000xf32, #tpu.memory_space<hbm>> -> memref<1x1x49952xf32, #tpu.memory_space<hbm>>
      %dma_wait3A_220 = tpu.memref_squeeze %dma_wait3A_219 : memref<1x1x49952xf32, #tpu.memory_space<hbm>> -> memref<49952xf32, #tpu.memory_space<hbm>>
      %dma_wait3A_221 = arith.constant 50048 : i32
      %dma_wait3A_222 = tpu.memref_slice %arg3[%add3A_217, %add3A, %dma_wait3A_221] : memref<26x32x100000xf32, #tpu.memory_space<hbm>> -> memref<1x1x49952xf32, #tpu.memory_space<hbm>>
      %dma_wait3A_223 = tpu.memref_squeeze %dma_wait3A_222 : memref<1x1x49952xf32, #tpu.memory_space<hbm>> -> memref<49952xf32, #tpu.memory_space<hbm>>
      tpu.wait_dma2 semaphore(%arg13 : memref<!tpu.dma_semaphore, #tpu.memory_space<semaphore_mem>>) src(%dma_wait3A_223 : memref<49952xf32, #tpu.memory_space<hbm>>) dst(%arg6 : memref<49952xf32, #tpu.memory_space<vmem>>)
      %dma_start3A_224 = arith.constant 0 : i32
      %dma_start3A_225 = tpu.memref_slice %arg11[%dma_start3A_224] : memref<16384xi32, #tpu.memory_space<vmem_shared>> -> memref<4096xi32, #tpu.memory_space<vmem_shared>>
      %dma_start3A_226 = arith.constant 0 : i32
      %dma_start3A_227 = tpu.memref_slice %arg11[%dma_start3A_226] : memref<16384xi32, #tpu.memory_space<vmem_shared>> -> memref<4096xi32, #tpu.memory_space<vmem_shared>>
      tpu.enqueue_dma source(%dma_start3A_227 : memref<4096xi32, #tpu.memory_space<vmem_shared>>) target(%arg7 : memref<4096xi32, #tpu.memory_space<vmem>>) target_semaphore(%arg15 : memref<!tpu.dma_semaphore, #tpu.memory_space<semaphore_mem>>)
      %dma_start3A_228 = arith.constant 4096 : i32
      %dma_start3A_229 = tpu.memref_slice %arg11[%dma_start3A_228] : memref<16384xi32, #tpu.memory_space<vmem_shared>> -> memref<4096xi32, #tpu.memory_space<vmem_shared>>
      %dma_start3A_230 = arith.constant 4096 : i32
      %dma_start3A_231 = tpu.memref_slice %arg11[%dma_start3A_230] : memref<16384xi32, #tpu.memory_space<vmem_shared>> -> memref<4096xi32, #tpu.memory_space<vmem_shared>>
      tpu.enqueue_dma source(%dma_start3A_231 : memref<4096xi32, #tpu.memory_space<vmem_shared>>) target(%arg8 : memref<4096xi32, #tpu.memory_space<vmem>>) target_semaphore(%arg16 : memref<!tpu.dma_semaphore, #tpu.memory_space<semaphore_mem>>)
      %dma_wait3A_232 = arith.constant 0 : i32
      %dma_wait3A_233 = tpu.memref_slice %arg11[%dma_wait3A_232] : memref<16384xi32, #tpu.memory_space<vmem_shared>> -> memref<4096xi32, #tpu.memory_space<vmem_shared>>
      %dma_wait3A_234 = arith.constant 0 : i32
      %dma_wait3A_235 = tpu.memref_slice %arg11[%dma_wait3A_234] : memref<16384xi32, #tpu.memory_space<vmem_shared>> -> memref<4096xi32, #tpu.memory_space<vmem_shared>>
      tpu.wait_dma2 semaphore(%arg15 : memref<!tpu.dma_semaphore, #tpu.memory_space<semaphore_mem>>) src(%dma_wait3A_235 : memref<4096xi32, #tpu.memory_space<vmem_shared>>) dst(%arg7 : memref<4096xi32, #tpu.memory_space<vmem>>)
      %parallel_loop3A_236 = arith.constant 0 : i32
      %parallel_loop3A_237 = arith.constant 256 : i32
      %parallel_loop3A_238 = arith.constant 1 : i32
      scf.for %parallel_loop3A_277 = %parallel_loop3A_236 to %parallel_loop3A_237 step %parallel_loop3A_238  : i32 {
        %parallel_loop3A_278 = arith.constant 16 : i32
        %parallel_loop3A_279 = arith.muli %parallel_loop3A_277, %parallel_loop3A_278 : i32
        %parallel_loop3A_280 = arith.index_cast %parallel_loop3A_279 : i32 to index
        %parallel_loop3A_281 = tpu.vector_load %arg7[%parallel_loop3A_280] {strides = array<i32>} : memref<4096xi32, #tpu.memory_space<vmem>>, vector<16xi32>,
        %parallel_loop3A_282 = arith.constant 50048 : i32
        %parallel_loop3A_283 = vector.broadcast %parallel_loop3A_282 : i32 to vector<16xi32>
        %parallel_loop3A_284 = arith.subi %parallel_loop3A_281, %parallel_loop3A_283 : vector<16xi32>
        %parallel_loop3A_285 = arith.constant 0 : i32
        %parallel_loop3A_286 = vector.broadcast %parallel_loop3A_285 : i32 to vector<16xi32>
        %parallel_loop3A_287 = arith.cmpi sge, %parallel_loop3A_284, %parallel_loop3A_286 : vector<16xi32>
        %parallel_loop3A_288 = arith.constant 49952 : i32
        %parallel_loop3A_289 = vector.broadcast %parallel_loop3A_288 : i32 to vector<16xi32>
        %parallel_loop3A_290 = arith.cmpi slt, %parallel_loop3A_284, %parallel_loop3A_289 : vector<16xi32>
        %parallel_loop3A_291 = arith.andi %parallel_loop3A_287, %parallel_loop3A_290 : vector<16xi1>
        %parallel_loop3A_292 = arith.constant 0 : i32
        %parallel_loop3A_293 = vector.broadcast %parallel_loop3A_292 : i32 to vector<16xi32>
        %parallel_loop3A_294 = arith.select %parallel_loop3A_291, %parallel_loop3A_284, %parallel_loop3A_293 : vector<16xi1>, vector<16xi32>
        %parallel_loop3A_295 = tpu.vector_load_idx %arg6[%parallel_loop3A_294] : memref<49952xf32, #tpu.memory_space<vmem>>[vector<16xi32>], vector<16xf32>,
        %parallel_loop3A_296 = arith.constant 0.000000e+00 : f32
        %parallel_loop3A_297 = vector.broadcast %parallel_loop3A_296 : f32 to vector<16xf32>
        %parallel_loop3A_298 = arith.select %parallel_loop3A_291, %parallel_loop3A_295, %parallel_loop3A_297 : vector<16xi1>, vector<16xf32>
        %parallel_loop3A_299 = arith.constant 0 : i32
        %parallel_loop3A_300 = arith.addi %parallel_loop3A_299, %parallel_loop3A_279 : i32
        %parallel_loop3A_301 = arith.index_cast %parallel_loop3A_300 : i32 to index
        %parallel_loop3A_302 = tpu.vector_load %arg9[%parallel_loop3A_301] {strides = array<i32>} : memref<16384xf32, #tpu.memory_space<vmem>>, vector<16xf32>,
        tpu.vector_store %arg9[%parallel_loop3A_301], %parallel_loop3A_298 {add = true, strides = array<i32>} : memref<16384xf32, #tpu.memory_space<vmem>>, vector<16xf32>,
      } {sc.loop_unroll_factor = 16 : i64, sc.parallel_access}
      %dma_start3A_239 = arith.constant 8192 : i32
      %dma_start3A_240 = tpu.memref_slice %arg11[%dma_start3A_239] : memref<16384xi32, #tpu.memory_space<vmem_shared>> -> memref<4096xi32, #tpu.memory_space<vmem_shared>>
      %dma_start3A_241 = arith.constant 8192 : i32
      %dma_start3A_242 = tpu.memref_slice %arg11[%dma_start3A_241] : memref<16384xi32, #tpu.memory_space<vmem_shared>> -> memref<4096xi32, #tpu.memory_space<vmem_shared>>
      tpu.enqueue_dma source(%dma_start3A_242 : memref<4096xi32, #tpu.memory_space<vmem_shared>>) target(%arg7 : memref<4096xi32, #tpu.memory_space<vmem>>) target_semaphore(%arg15 : memref<!tpu.dma_semaphore, #tpu.memory_space<semaphore_mem>>)
      %dma_wait3A_243 = arith.constant 4096 : i32
      %dma_wait3A_244 = tpu.memref_slice %arg11[%dma_wait3A_243] : memref<16384xi32, #tpu.memory_space<vmem_shared>> -> memref<4096xi32, #tpu.memory_space<vmem_shared>>
      %dma_wait3A_245 = arith.constant 4096 : i32
      %dma_wait3A_246 = tpu.memref_slice %arg11[%dma_wait3A_245] : memref<16384xi32, #tpu.memory_space<vmem_shared>> -> memref<4096xi32, #tpu.memory_space<vmem_shared>>
      tpu.wait_dma2 semaphore(%arg16 : memref<!tpu.dma_semaphore, #tpu.memory_space<semaphore_mem>>) src(%dma_wait3A_246 : memref<4096xi32, #tpu.memory_space<vmem_shared>>) dst(%arg8 : memref<4096xi32, #tpu.memory_space<vmem>>)
      %parallel_loop3A_247 = arith.constant 0 : i32
      %parallel_loop3A_248 = arith.constant 256 : i32
      %parallel_loop3A_249 = arith.constant 1 : i32
      scf.for %parallel_loop3A_277 = %parallel_loop3A_247 to %parallel_loop3A_248 step %parallel_loop3A_249  : i32 {
        %parallel_loop3A_278 = arith.constant 16 : i32
        %parallel_loop3A_279 = arith.muli %parallel_loop3A_277, %parallel_loop3A_278 : i32
        %parallel_loop3A_280 = arith.index_cast %parallel_loop3A_279 : i32 to index
        %parallel_loop3A_281 = tpu.vector_load %arg8[%parallel_loop3A_280] {strides = array<i32>} : memref<4096xi32, #tpu.memory_space<vmem>>, vector<16xi32>,
        %parallel_loop3A_282 = arith.constant 50048 : i32
        %parallel_loop3A_283 = vector.broadcast %parallel_loop3A_282 : i32 to vector<16xi32>
        %parallel_loop3A_284 = arith.subi %parallel_loop3A_281, %parallel_loop3A_283 : vector<16xi32>
        %parallel_loop3A_285 = arith.constant 0 : i32
        %parallel_loop3A_286 = vector.broadcast %parallel_loop3A_285 : i32 to vector<16xi32>
        %parallel_loop3A_287 = arith.cmpi sge, %parallel_loop3A_284, %parallel_loop3A_286 : vector<16xi32>
        %parallel_loop3A_288 = arith.constant 49952 : i32
        %parallel_loop3A_289 = vector.broadcast %parallel_loop3A_288 : i32 to vector<16xi32>
        %parallel_loop3A_290 = arith.cmpi slt, %parallel_loop3A_284, %parallel_loop3A_289 : vector<16xi32>
        %parallel_loop3A_291 = arith.andi %parallel_loop3A_287, %parallel_loop3A_290 : vector<16xi1>
        %parallel_loop3A_292 = arith.constant 0 : i32
        %parallel_loop3A_293 = vector.broadcast %parallel_loop3A_292 : i32 to vector<16xi32>
        %parallel_loop3A_294 = arith.select %parallel_loop3A_291, %parallel_loop3A_284, %parallel_loop3A_293 : vector<16xi1>, vector<16xi32>
        %parallel_loop3A_295 = tpu.vector_load_idx %arg6[%parallel_loop3A_294] : memref<49952xf32, #tpu.memory_space<vmem>>[vector<16xi32>], vector<16xf32>,
        %parallel_loop3A_296 = arith.constant 0.000000e+00 : f32
        %parallel_loop3A_297 = vector.broadcast %parallel_loop3A_296 : f32 to vector<16xf32>
        %parallel_loop3A_298 = arith.select %parallel_loop3A_291, %parallel_loop3A_295, %parallel_loop3A_297 : vector<16xi1>, vector<16xf32>
        %parallel_loop3A_299 = arith.constant 4096 : i32
        %parallel_loop3A_300 = arith.addi %parallel_loop3A_299, %parallel_loop3A_279 : i32
        %parallel_loop3A_301 = arith.index_cast %parallel_loop3A_300 : i32 to index
        %parallel_loop3A_302 = tpu.vector_load %arg9[%parallel_loop3A_301] {strides = array<i32>} : memref<16384xf32, #tpu.memory_space<vmem>>, vector<16xf32>,
        tpu.vector_store %arg9[%parallel_loop3A_301], %parallel_loop3A_298 {add = true, strides = array<i32>} : memref<16384xf32, #tpu.memory_space<vmem>>, vector<16xf32>,
      } {sc.loop_unroll_factor = 16 : i64, sc.parallel_access}
      %dma_start3A_250 = arith.constant 12288 : i32
      %dma_start3A_251 = tpu.memref_slice %arg11[%dma_start3A_250] : memref<16384xi32, #tpu.memory_space<vmem_shared>> -> memref<4096xi32, #tpu.memory_space<vmem_shared>>
      %dma_start3A_252 = arith.constant 12288 : i32
      %dma_start3A_253 = tpu.memref_slice %arg11[%dma_start3A_252] : memref<16384xi32, #tpu.memory_space<vmem_shared>> -> memref<4096xi32, #tpu.memory_space<vmem_shared>>
      tpu.enqueue_dma source(%dma_start3A_253 : memref<4096xi32, #tpu.memory_space<vmem_shared>>) target(%arg8 : memref<4096xi32, #tpu.memory_space<vmem>>) target_semaphore(%arg16 : memref<!tpu.dma_semaphore, #tpu.memory_space<semaphore_mem>>)
      %dma_wait3A_254 = arith.constant 8192 : i32
      %dma_wait3A_255 = tpu.memref_slice %arg11[%dma_wait3A_254] : memref<16384xi32, #tpu.memory_space<vmem_shared>> -> memref<4096xi32, #tpu.memory_space<vmem_shared>>
      %dma_wait3A_256 = arith.constant 8192 : i32
      %dma_wait3A_257 = tpu.memref_slice %arg11[%dma_wait3A_256] : memref<16384xi32, #tpu.memory_space<vmem_shared>> -> memref<4096xi32, #tpu.memory_space<vmem_shared>>
      tpu.wait_dma2 semaphore(%arg15 : memref<!tpu.dma_semaphore, #tpu.memory_space<semaphore_mem>>) src(%dma_wait3A_257 : memref<4096xi32, #tpu.memory_space<vmem_shared>>) dst(%arg7 : memref<4096xi32, #tpu.memory_space<vmem>>)
      %parallel_loop3A_258 = arith.constant 0 : i32
      %parallel_loop3A_259 = arith.constant 256 : i32
      %parallel_loop3A_260 = arith.constant 1 : i32
      scf.for %parallel_loop3A_277 = %parallel_loop3A_258 to %parallel_loop3A_259 step %parallel_loop3A_260  : i32 {
        %parallel_loop3A_278 = arith.constant 16 : i32
        %parallel_loop3A_279 = arith.muli %parallel_loop3A_277, %parallel_loop3A_278 : i32
        %parallel_loop3A_280 = arith.index_cast %parallel_loop3A_279 : i32 to index
        %parallel_loop3A_281 = tpu.vector_load %arg7[%parallel_loop3A_280] {strides = array<i32>} : memref<4096xi32, #tpu.memory_space<vmem>>, vector<16xi32>,
        %parallel_loop3A_282 = arith.constant 50048 : i32
        %parallel_loop3A_283 = vector.broadcast %parallel_loop3A_282 : i32 to vector<16xi32>
        %parallel_loop3A_284 = arith.subi %parallel_loop3A_281, %parallel_loop3A_283 : vector<16xi32>
        %parallel_loop3A_285 = arith.constant 0 : i32
        %parallel_loop3A_286 = vector.broadcast %parallel_loop3A_285 : i32 to vector<16xi32>
        %parallel_loop3A_287 = arith.cmpi sge, %parallel_loop3A_284, %parallel_loop3A_286 : vector<16xi32>
        %parallel_loop3A_288 = arith.constant 49952 : i32
        %parallel_loop3A_289 = vector.broadcast %parallel_loop3A_288 : i32 to vector<16xi32>
        %parallel_loop3A_290 = arith.cmpi slt, %parallel_loop3A_284, %parallel_loop3A_289 : vector<16xi32>
        %parallel_loop3A_291 = arith.andi %parallel_loop3A_287, %parallel_loop3A_290 : vector<16xi1>
        %parallel_loop3A_292 = arith.constant 0 : i32
        %parallel_loop3A_293 = vector.broadcast %parallel_loop3A_292 : i32 to vector<16xi32>
        %parallel_loop3A_294 = arith.select %parallel_loop3A_291, %parallel_loop3A_284, %parallel_loop3A_293 : vector<16xi1>, vector<16xi32>
        %parallel_loop3A_295 = tpu.vector_load_idx %arg6[%parallel_loop3A_294] : memref<49952xf32, #tpu.memory_space<vmem>>[vector<16xi32>], vector<16xf32>,
        %parallel_loop3A_296 = arith.constant 0.000000e+00 : f32
        %parallel_loop3A_297 = vector.broadcast %parallel_loop3A_296 : f32 to vector<16xf32>
        %parallel_loop3A_298 = arith.select %parallel_loop3A_291, %parallel_loop3A_295, %parallel_loop3A_297 : vector<16xi1>, vector<16xf32>
        %parallel_loop3A_299 = arith.constant 8192 : i32
        %parallel_loop3A_300 = arith.addi %parallel_loop3A_299, %parallel_loop3A_279 : i32
        %parallel_loop3A_301 = arith.index_cast %parallel_loop3A_300 : i32 to index
        %parallel_loop3A_302 = tpu.vector_load %arg9[%parallel_loop3A_301] {strides = array<i32>} : memref<16384xf32, #tpu.memory_space<vmem>>, vector<16xf32>,
        tpu.vector_store %arg9[%parallel_loop3A_301], %parallel_loop3A_298 {add = true, strides = array<i32>} : memref<16384xf32, #tpu.memory_space<vmem>>, vector<16xf32>,
      } {sc.loop_unroll_factor = 16 : i64, sc.parallel_access}
      %dma_wait3A_261 = arith.constant 12288 : i32
      %dma_wait3A_262 = tpu.memref_slice %arg11[%dma_wait3A_261] : memref<16384xi32, #tpu.memory_space<vmem_shared>> -> memref<4096xi32, #tpu.memory_space<vmem_shared>>
      %dma_wait3A_263 = arith.constant 12288 : i32
      %dma_wait3A_264 = tpu.memref_slice %arg11[%dma_wait3A_263] : memref<16384xi32, #tpu.memory_space<vmem_shared>> -> memref<4096xi32, #tpu.memory_space<vmem_shared>>
      tpu.wait_dma2 semaphore(%arg16 : memref<!tpu.dma_semaphore, #tpu.memory_space<semaphore_mem>>) src(%dma_wait3A_264 : memref<4096xi32, #tpu.memory_space<vmem_shared>>) dst(%arg8 : memref<4096xi32, #tpu.memory_space<vmem>>)
      %parallel_loop3A_265 = arith.constant 0 : i32
      %parallel_loop3A_266 = arith.constant 256 : i32
      %parallel_loop3A_267 = arith.constant 1 : i32
      scf.for %parallel_loop3A_277 = %parallel_loop3A_265 to %parallel_loop3A_266 step %parallel_loop3A_267  : i32 {
        %parallel_loop3A_278 = arith.constant 16 : i32
        %parallel_loop3A_279 = arith.muli %parallel_loop3A_277, %parallel_loop3A_278 : i32
        %parallel_loop3A_280 = arith.index_cast %parallel_loop3A_279 : i32 to index
        %parallel_loop3A_281 = tpu.vector_load %arg8[%parallel_loop3A_280] {strides = array<i32>} : memref<4096xi32, #tpu.memory_space<vmem>>, vector<16xi32>,
        %parallel_loop3A_282 = arith.constant 50048 : i32
        %parallel_loop3A_283 = vector.broadcast %parallel_loop3A_282 : i32 to vector<16xi32>
        %parallel_loop3A_284 = arith.subi %parallel_loop3A_281, %parallel_loop3A_283 : vector<16xi32>
        %parallel_loop3A_285 = arith.constant 0 : i32
        %parallel_loop3A_286 = vector.broadcast %parallel_loop3A_285 : i32 to vector<16xi32>
        %parallel_loop3A_287 = arith.cmpi sge, %parallel_loop3A_284, %parallel_loop3A_286 : vector<16xi32>
        %parallel_loop3A_288 = arith.constant 49952 : i32
        %parallel_loop3A_289 = vector.broadcast %parallel_loop3A_288 : i32 to vector<16xi32>
        %parallel_loop3A_290 = arith.cmpi slt, %parallel_loop3A_284, %parallel_loop3A_289 : vector<16xi32>
        %parallel_loop3A_291 = arith.andi %parallel_loop3A_287, %parallel_loop3A_290 : vector<16xi1>
        %parallel_loop3A_292 = arith.constant 0 : i32
        %parallel_loop3A_293 = vector.broadcast %parallel_loop3A_292 : i32 to vector<16xi32>
        %parallel_loop3A_294 = arith.select %parallel_loop3A_291, %parallel_loop3A_284, %parallel_loop3A_293 : vector<16xi1>, vector<16xi32>
        %parallel_loop3A_295 = tpu.vector_load_idx %arg6[%parallel_loop3A_294] : memref<49952xf32, #tpu.memory_space<vmem>>[vector<16xi32>], vector<16xf32>,
        %parallel_loop3A_296 = arith.constant 0.000000e+00 : f32
        %parallel_loop3A_297 = vector.broadcast %parallel_loop3A_296 : f32 to vector<16xf32>
        %parallel_loop3A_298 = arith.select %parallel_loop3A_291, %parallel_loop3A_295, %parallel_loop3A_297 : vector<16xi1>, vector<16xf32>
        %parallel_loop3A_299 = arith.constant 12288 : i32
        %parallel_loop3A_300 = arith.addi %parallel_loop3A_299, %parallel_loop3A_279 : i32
        %parallel_loop3A_301 = arith.index_cast %parallel_loop3A_300 : i32 to index
        %parallel_loop3A_302 = tpu.vector_load %arg9[%parallel_loop3A_301] {strides = array<i32>} : memref<16384xf32, #tpu.memory_space<vmem>>, vector<16xf32>,
        tpu.vector_store %arg9[%parallel_loop3A_301], %parallel_loop3A_298 {add = true, strides = array<i32>} : memref<16384xf32, #tpu.memory_space<vmem>>, vector<16xf32>,
      } {sc.loop_unroll_factor = 16 : i64, sc.parallel_access}
      %add3A_268 = arith.constant 2 : i32
      %add3A_269 = arith.addi %mul3A_23, %add3A_268 : i32
      %lt3A_270 = arith.constant 26 : i32
      %lt3A_271 = arith.cmpi slt, %add3A_269, %lt3A_270 : i32
      %and3A_272 = arith.andi %eq3A_1, %lt3A_271 : i1
      %convert_element_type3A_273 = arith.extui %and3A_272 : i1 to i32
      %cond3A_274 = arith.constant 0 : i32
      %cond3A_275 = arith.cmpi ne, %convert_element_type3A_273, %cond3A_274 : i32
      scf.if %cond3A_275 {
        %add3A_277 = arith.constant 2 : i32
        %add3A_278 = arith.addi %mul3A_23, %add3A_277 : i32
        %dma_wait3A_279 = arith.constant 0 : i32
        %dma_wait3A_280 = tpu.memref_slice %arg2[%add3A_278, %dma_wait3A_279] : memref<26x16384xi32, #tpu.memory_space<hbm>> -> memref<1x16384xi32, #tpu.memory_space<hbm>>
        %dma_wait3A_281 = tpu.memref_squeeze %dma_wait3A_280 : memref<1x16384xi32, #tpu.memory_space<hbm>> -> memref<16384xi32, #tpu.memory_space<hbm>>
        tpu.wait_dma2 semaphore(%arg14 : memref<!tpu.dma_semaphore, #tpu.memory_space<semaphore_mem>>) src(%dma_wait3A_281 : memref<16384xi32, #tpu.memory_space<hbm>>) dst(%arg10 : memref<16384xi32, #tpu.memory_space<vmem_shared>>)
      } else {
      }
      %barrier3A_276 = arith.constant 0 : index
      tpu.barrier barrier_id(%barrier3A_276)
    }
    %scan3A_20 = arith.constant 13 : i32
    "tpu.region"() ({
      %run_scoped3A = tpu.sem_alloc : memref<!tpu.dma_semaphore, #tpu.memory_space<semaphore_mem>>
      %dma_start3A_21 = arith.constant 0 : i32
      %dma_start3A_22 = tpu.memref_slice %arg4[%add3A, %dma_start3A_21] : memref<32x16384xf32, #tpu.memory_space<hbm>> -> memref<1x16384xf32, #tpu.memory_space<hbm>>
      %dma_start3A_23 = tpu.memref_squeeze %dma_start3A_22 : memref<1x16384xf32, #tpu.memory_space<hbm>> -> memref<16384xf32, #tpu.memory_space<hbm>>
      %dma_start3A_24 = arith.constant 0 : i32
      %dma_start3A_25 = tpu.memref_slice %arg4[%add3A, %dma_start3A_24] : memref<32x16384xf32, #tpu.memory_space<hbm>> -> memref<1x16384xf32, #tpu.memory_space<hbm>>
      %dma_start3A_26 = tpu.memref_squeeze %dma_start3A_25 : memref<1x16384xf32, #tpu.memory_space<hbm>> -> memref<16384xf32, #tpu.memory_space<hbm>>
      tpu.enqueue_dma source(%arg9 : memref<16384xf32, #tpu.memory_space<vmem>>) target(%dma_start3A_26 : memref<16384xf32, #tpu.memory_space<hbm>>) target_semaphore(%run_scoped3A : memref<!tpu.dma_semaphore, #tpu.memory_space<semaphore_mem>>)
      %dma_wait3A = arith.constant 0 : i32
      %dma_wait3A_27 = tpu.memref_slice %arg4[%add3A, %dma_wait3A] : memref<32x16384xf32, #tpu.memory_space<hbm>> -> memref<1x16384xf32, #tpu.memory_space<hbm>>
      %dma_wait3A_28 = tpu.memref_squeeze %dma_wait3A_27 : memref<1x16384xf32, #tpu.memory_space<hbm>> -> memref<16384xf32, #tpu.memory_space<hbm>>
      %dma_wait3A_29 = arith.constant 0 : i32
      %dma_wait3A_30 = tpu.memref_slice %arg4[%add3A, %dma_wait3A_29] : memref<32x16384xf32, #tpu.memory_space<hbm>> -> memref<1x16384xf32, #tpu.memory_space<hbm>>
      %dma_wait3A_31 = tpu.memref_squeeze %dma_wait3A_30 : memref<1x16384xf32, #tpu.memory_space<hbm>> -> memref<16384xf32, #tpu.memory_space<hbm>>
      tpu.wait_dma2 semaphore(%run_scoped3A : memref<!tpu.dma_semaphore, #tpu.memory_space<semaphore_mem>>) src(%arg9 : memref<16384xf32, #tpu.memory_space<vmem>>) dst(%dma_wait3A_31 : memref<16384xf32, #tpu.memory_space<hbm>>)
      tpu.yield
    }) : () -> ()
    return
  }
}

</mosaic_0001>

<sc_bundles>
// kernel: _run.3.cloned.1.call-start
scs
__scs_entry_jumppad:
0x0: {  	(pc) =	sbr.rel $0x88, $3  }
0x1: {  	(tag) =	ssettag $0x0;
	lr =	simm.s32 $0x1  }
0x2: {  	[smem:$0x3F9F] =	sst lr;
	_ =	strace $0xD0000000  }
0x3: {  	_ = 	snop  }
0x4: {  	_ = 	snop  }
0x5: {  	_ = 	snop  }
0x6: {  	_ = 	snop  }
0x7: {  	_ = 	snop  }
__scs_overlays_trampoline_lowered:
0x8: {  	[smem:$0x3FAE] =	sst s0  }
0x9: {  	[smem:$0x3FAF] =	sst s1  }
0xa: {  	[smem:$0x3FB0] =	sst s2  }
0xb: {  	[smem:$0x3FB1] =	sst s3  }
0xc: {  	[smem:$0x3FB2] =	sst s4  }
0xd: {  	[smem:$0x3FB3] =	sst s5  }
0xe: {  	[smem:$0x3FB4] =	sst s6  }
0xf: {  	[smem:$0x3FB5] =	sst s7  }
0x10: {  	[smem:$0x3FB6] =	sst s8  }
0x11: {  	[smem:$0x3FB7] =	sst s9;
	s0 =	simm.s32 @!p0 $0x0  }
0x12: {  	s1 =	sld [smem:$0x3F9D];
	s0 =	simm.s32 @p0 $0x1  }
0x13: {  	[smem:$0x3FB8] =	sst s0;
	s0 =	simm.s32 @!p1 $0x0  }
0x14: {  	s2 =	sld [smem:$0x3F9C];
	s0 =	simm.s32 @p1 $0x1  }
0x15: {  	[smem:$0x3FB9] =	sst s0;
	s0 =	simm.s32 @!p2 $0x0  }
0x16: {  	s3 =	sld [smem:$0x3FDB];
	s0 =	simm.s32 @p2 $0x1  }
0x17: {  	s4 =	simm.s32 $0x1BF5;
	[smem:$0x3FBB] =	sst s0  }
0x18: {  	s0 =	sld [smem:$0x3F9E];
	_ =	swait.ge [sflag:s4], $0x0  }
0x19: {  	s7 =	sld [smem:$0x3F9F]  }
0x1a: {  	s8 =	sadd.s32 $0xFFFFE003, lr  }
0x1b: {  	s9 =	sadd.s32 $0xFFFFFEF7, lr;
	s5 =	simm.s32 $0xFFFFFFFF;
	p2 =	slt.u32 s8, $0xFFFFF086  }
0x1c: {  	p1 =	slt.u32 s9, $0xF7A;
	s5 =	simm.s32 @!p2 $0x0  }
0x1d: {  	s5 =	simm.s32 @p1 $0x1;
	p0 =	seq.s32 s7, s2  }
0x1e: {  	s7 =	smul.u32 @!p0 $0xF7A, s2;
	p2 =	seq.s32 @!p0 s5, $0x0  }
0x1f: {  	s9 =	smul.u32 $0xF7A, s1;
	s8 =	simm.s32 @!p0 $0x1BF5;
	p2 =	por !p2, p0  }
0x20: {  	[sflag:s8] =	ssyncset.s32 @!p0 $0xFFFFF086;
	s6 =	sadd.s32 @!p0 s3, s7;
	s7 =	simm.s32 @!p0 $0x108  }
0x21: {  	s3 =	sadd.s32 s3, s9;
	s6 =	sadd.s32 @!p0 $0x88, s6;
	s7 =	simm.s32 @p2 $0x1082  }
0x22: {  	[simem:s7], [sflag:s8] =	dma.local @!p0 [hbm:s6], $0xF7A  }
0x23: {  	s9 =	sor.u32 $0xD0000000, s2;
	s6 =	simm.s32 $0x108;
	_ =	swait.ge @!p0 [sflag:s8], $0x0  }
0x24: {  	s3 =	sadd.s32 $0x88, s3;
	s6 =	simm.s32 @!p1 $0x1082;
	[sflag:s4] =	ssyncset.s32 $0xFFFFF086  }
0x25: {  	[simem:s6], [sflag:s4] =	dma.local [hbm:s3], $0xF7A  }
0x26: {  	[smem:$0x3F9F] =	sst s1;
	(tag) =	ssettag s2;
	_ =	strace s9  }
0x27: {  	s1 =	sld [smem:$0x3FAF]  }
0x28: {  	s2 =	sld [smem:$0x3FB0]  }
0x29: {  	s4 =	sld [smem:$0x3FB2]  }
0x2a: {  	p0 =	seq.s32 s5, $0x0;
	s5 =	sld [smem:$0x3FB3]  }
0x2b: {  	s6 =	sld [smem:$0x3FB4]  }
0x2c: {  	s7 =	sld [smem:$0x3FB5]  }
0x2d: {  	s3 =	simm.s32 $0x108;
	s8 =	sld [smem:$0x3FB6]  }
0x2e: {  	s3 =	simm.s32 @!p0 $0x1082;
	s9 =	sld [smem:$0x3FB7]  }
0x2f: {  	lr =	sadd.s32 s0, s3;
	s0 =	sld [smem:$0x3FAE]  }
0x30: {  	s3 =	sld [smem:$0x3FB1]  }
0x31: {  	[smem:$0x3FBA] =	sst s10  }
0x32: {  	s10 =	sld [smem:$0x3FB8];
	_ =	sdelay $0x3  }
0x33: {  	p0 =	seq.s32 s10, $0x1;
	s10 =	sld [smem:$0x3FBA];
	_ =	sdelay $0x3  }
0x34: {  	[smem:$0x3FBA] =	sst s10  }
0x35: {  	s10 =	sld [smem:$0x3FB9];
	_ =	sdelay $0x3  }
0x36: {  	p1 =	seq.s32 s10, $0x1;
	s10 =	sld [smem:$0x3FBA];
	_ =	sdelay $0x3  }
0x37: {  	[smem:$0x3FBA] =	sst s10  }
0x38: {  	s10 =	sld [smem:$0x3FBB]  }
0x39: {  	_ = 	snop;
	(pc) =	sbr.ind lr, $3  }
0x3a: {  	_ = 	snop  }
0x3b: {  	_ = 	snop  }
0x3c: {  	p2 =	seq.s32 s10, $0x1;
	s10 =	sld [smem:$0x3FBA]  }
0x3d: {  	_ =	shalt  }
0x3e: {  	_ =	shalt  }
0x3f: {  	_ =	shalt  }
0x40: {  	_ =	shalt  }
0x41: {  	_ =	shalt  }
0x42: {  	_ =	shalt  }
0x43: {  	_ =	shalt  }
0x44: {  	_ =	shalt  }
0x45: {  	_ =	shalt  }
0x46: {  	_ =	shalt  }
0x47: {  	_ =	shalt  }
0x48: {  	_ =	shalt  }
0x49: {  	_ =	shalt  }
0x4a: {  	_ =	shalt  }
0x4b: {  	_ =	shalt  }
0x4c: {  	_ =	shalt  }
0x4d: {  	_ =	shalt  }
0x4e: {  	_ =	shalt  }
0x4f: {  	_ =	shalt  }
0x50: {  	_ =	shalt  }
0x51: {  	_ =	shalt  }
0x52: {  	_ =	shalt  }
0x53: {  	_ =	shalt  }
0x54: {  	_ =	shalt  }
0x55: {  	_ =	shalt  }
0x56: {  	_ =	shalt  }
0x57: {  	_ =	shalt  }
0x58: {  	_ =	shalt  }
0x59: {  	_ =	shalt  }
0x5a: {  	_ =	shalt  }
0x5b: {  	_ =	shalt  }
0x5c: {  	_ =	shalt  }
0x5d: {  	_ =	shalt  }
0x5e: {  	_ =	shalt  }
0x5f: {  	_ =	shalt  }
0x60: {  	_ =	shalt  }
0x61: {  	_ =	shalt  }
0x62: {  	_ =	shalt  }
0x63: {  	_ =	shalt  }
0x64: {  	_ =	shalt  }
0x65: {  	_ =	shalt  }
0x66: {  	_ =	shalt  }
0x67: {  	_ =	shalt  }
0x68: {  	_ =	shalt  }
0x69: {  	_ =	shalt  }
0x6a: {  	_ =	shalt  }
0x6b: {  	_ =	shalt  }
0x6c: {  	_ =	shalt  }
0x6d: {  	_ =	shalt  }
0x6e: {  	_ =	shalt  }
0x6f: {  	_ =	shalt  }
0x70: {  	_ =	shalt  }
0x71: {  	_ =	shalt  }
0x72: {  	_ =	shalt  }
0x73: {  	_ =	shalt  }
0x74: {  	_ =	shalt  }
0x75: {  	_ =	shalt  }
0x76: {  	_ =	shalt  }
0x77: {  	_ =	shalt  }
0x78: {  	_ =	shalt  }
0x79: {  	_ =	shalt  }
0x7a: {  	_ =	shalt  }
0x7b: {  	_ =	shalt  }
0x7c: {  	_ =	shalt  }
0x7d: {  	_ =	shalt  }
0x7e: {  	_ =	shalt  }
0x7f: {  	_ =	shalt  }
0x80: {  	_ =	shalt  }
0x81: {  	_ =	shalt  }
0x82: {  	_ =	shalt  }
0x83: {  	_ =	shalt  }
0x84: {  	_ =	shalt  }
0x85: {  	_ =	shalt  }
0x86: {  	_ =	shalt  }
0x87: {  	_ =	shalt  }
.Lfunc_end0:
.L_simem_size_0:
called_computation_lowered:
.L_overlay_start_0:
0x88: {  	s2 =	sld [smem:$0x3FD9]  }
0x89: {  	s3 =	sld [smem:$0x3FFE];
	_ =	sdelay $0x1  }
0x8a: {  	s1 =	srdreg.scid  }
0x8b: {  	s0 =	sand.u32 $0x1, s1  }
0x8c: {  	s18 =	sshll.u32 s0, $0xA;
	s2 =	sadd.s32 s3, s2  }
0x8d: {  	s2 =	sadd.s32 s2, s18  }
0x8e: {  	[smem:$0x3FC6] =	sst s2  }
0x8f: {  	_ = 	snop  }
0x90: {  	s2 =	sld [smem:$0x3FC9]  }
0x91: {  	s19 =	sld [smem:$0x3FC8]  }
0x92: {  	s4 =	sld [smem:$0x3FD0];
	(tm) =	ssettm $0x1  }
0x93: {  	s5 =	sld [smem:$0x3FFB];
	_ =	sdelay $0x3  }
0x94: {  	_ =	strace s5  }
0x95: {  	s5 =	sld [smem:$0x3FFC];
	_ =	sdelay $0x3  }
0x96: {  	_ =	strace s5  }
0x97: {  	s5 =	sld [smem:$0x3FFD];
	_ =	sdelay $0x3  }
0x98: {  	_ =	strace s5  }
0x99: {  	_ =	strace $0x8FFFFFFF  }
0x9a: {  	s20 =	sld [smem:$0x3FDB];
	_ =	sdelay $0x1  }
0x9b: {  	s6 =	simm.s32 $_scs_section_size  }
0x9c: {  	s7 =	simm.s32 $_size__tile_overlayer_lowered;
	s8 =	simm.s32 $_tile_overlayer_lowered  }
0x9d: {  	s23 =	simm.s32 $0x1BFF;
	s22 =	sshll.u32 s8, $0x1;
	s5 =	sadd.s32 s6, s20  }
0x9e: {  	s9 =	simm.s32 $0x0;
	s21 =	sshll.u32 s7, $0x1;
	s7 =	sadd.s32 s22, s5  }
0x9f: {  	[timem:s9], [sflag:s23] =	dma.local [hbm:s7], s21  }
0xa0: {  	_ =	swait.ge [sflag:s23], s21  }
0xa1: {  	s6 =	ssub.s32 $0x0, s21;
	[sflag:s23] =	ssyncset.done $0x0  }
0xa2: {  	[sflag:s23] =	ssyncadd.s32 s6;
	_ =	sdelay $0x1  }
0xa3: {  	s24 =	simm.s32 $0x1B8B  }
0xa4: {  	_ =	swait.ge [sflag:s24], $0x1  }
0xa5: {  	[sflag:s24] =	ssyncset.done $0x0  }
0xa6: {  	s25 =	simm.s32 $0x1B8E;
	[sflag:s24] =	ssyncadd.s32 $0xFFFFFFFF  }
0xa7: {  	s26 =	simm.s32 $execute0_lowered;
	[smem:$0x3FD2] =	sst s25  }
0xa8: {  	s6 =	sshll.u32 s26, $0x1;
	_ =	strace $0x80000046;
	[dreg:$0x1] =	wrdreg $0xFFFFFFFF  }
0xa9: {  	s28 =	simm.s32 $_size_execute0_lowered;
	s5 =	sadd.s32 s5, s6;
	[dreg:$0x0] =	wrdreg $0x0  }
0xaa: {  	s6 =	sshll.u32 s28, $0x1;
	[dreg:$0x2] =	wrdreg s5  }
0xab: {  	[dreg:$0x3] =	wrdreg s6  }
0xac: {  	[dreg:$0x4] =	wrdreg $0xC0  }
0xad: {  	_ =	task [dreg:s9], $0x5FFFF  }
0xae: {  	[dreg:$0x1] =	wrdreg $0xFFFFFFFF  }
0xaf: {  	[dreg:$0x0] =	wrdreg $0x60  }
0xb0: {  	[dreg:$0x2] =	wrdreg s2  }
0xb1: {  	[dreg:$0x3] =	wrdreg s19  }
0xb2: {  	[dreg:$0x4] =	wrdreg s4  }
0xb3: {  	[dreg:$0x5] =	wrdreg $0x1E7000  }
0xb4: {  	[dreg:$0x6] =	wrdreg $0x1EB000  }
0xb5: {  	[dreg:$0x7] =	wrdreg $0x9  }
0xb6: {  	_ =	task.clear_ibuf [dreg:s9], $0x8FFFF;
	_ =	strace $0x90000046  }
0xb7: {  	s29 =	simm.s32 $0x9;
	_ =	strace $0x80000048  }
0xb8: {  	_ =	swait.ge [sflag:s29], $0x1  }
0xb9: {  	[sflag:s29] =	ssyncadd.s32 $0xFFFFFFFF  }
0xba: {  	_ =	strace $0x90000048  }
0xbb: {  	_ =	sfence  }
0xbc: {  	s30 =	sld [smem:$0x0];
	_ =	sdelay $0x2  }
0xbd: {  	s31 =	sshll.u32 s1, $0xD;
	s1 =	sshrl.u32 s1, $0x2  }
0xbe: {  	s3 =	sand.u32 $0x4000, s31;
	s1 =	sadd.s32 s1, s30  }
0xbf: {  	s0 =	sor.u32 s3, s0;
	s1 =	sshll.u32 s1, $0x11  }
0xc0: {  	s0 =	sor.u32 s1, s0  }
0xc1: {  	s0 =	sadd.s32 $0x8F2B, s0  }
0xc2: {  	[sflag:s0] =	ssyncadd.remote.s32 $0x1  }
0xc3: {  	_ =	sfence.sel $0xFFFF  }
0xc4: {  	[dreg:$0x0] =	wrdreg $0xFFFFFFFF;
	(pc) =	sbr.abs _section_cstart, $3  }
0xc5: {  	[dreg:$0x1] =	wrdreg $0xFFFFFFFF  }
0xc6: {  	_ =	task.clear_ibuf [dreg:s9], $0x2FFFF;
	_ =	strace $0x9FFFFFFF  }
0xc7: {  	(tm) =	ssettm $0x7FFFFFFF  }
tec
execute0_lowered:
.L_overlay_start_1:
0x0: {  	(tag) =	ssettag $0x1  }
0x1: {  	s0 =	rddreg [dreg:$0x0]  }
0x2: {  	s1 =	rddreg [dreg:$0x1]  }
0x3: {  	s2 =	srdreg.scid;
	s9 =	rddreg [dreg:$0x2]  }
0x4: {  	s3 =	rddreg [dreg:$0x3];
	s18 =	stileid.u32  }
0x5: {  	s4 =	rddreg [dreg:$0x4];
	s21 =	simm.s32 $0x80;
	s22 =	simm.s32 $0x400  }
0x6: {  	s28 =	simm.s32 $0x4;
	s29 =	simm.s32 $0x5;
	s30 =	simm.s32 $0x2  }
0x7: {  	s2 =	sand.u32 $0x1, s2;
	s8 =	sshll.u32 s18, $0x7;
	s12 =	sadd.s32 $0x2000, s3  }
0x8: {  	s16 =	sadd.s32 $0x2000, s4;
	p0 =	sne.s32 s18, $0x0;
	p1 =	seq.s32 s18, $0x0  }
0x9: {  	s5 =	sshll.u32 s2, $0x4;
	s6 =	sand.u32 $0x380, s8;
	s2 =	ssub.s32 $0x2, s2  }
0xa: {  	s23 =	sor.u32 $0x61C00, s8;
	s5 =	sor.u32 s18, s5;
	s10 =	sshrl.u32 s2, $0x1  }
0xb: {  	s13 =	sshrl.u32 s5, $0x3;
	s5 =	simm.s32 $0x0;
	s2 =	ssub.s32 s2, s10  }
0xc: {  	s14 =	smul.u32 $0xC3800, s13;
	[smem:$0x7FF] =	sst s5;
	s15 =	sshll.u32 s13, $0x11  }
0xd: {  	s13 =	sadd.s32 $0x3000, s3;
	s31 =	smax.u32 s2, $0x1;
	_ =	strace $0x80000047  }
0xe: {  	[dreg:$0x7] =	wrdreg s23;
	s17 =	sor.u32 s6, s15;
	s15 =	sadd.s32 $0x1000, s4  }
0xf: {  	[dreg:$0xc] =	wrdreg s31;
	s7 =	sor.u32 s6, s14;
	s25 =	sadd.s32 $0x30E000, s14  }
0x10: {  	s19 =	sshrl.u32 s17, $0x3;
	s17 =	sadd.s32 $0x3000, s4;
	[dreg:$0x6] =	wrdreg s7  }
0x11: {  	s11 =	sshrl.u32 s7, $0x3;
	s7 =	sadd.s32 s14, s23;
	[dreg:$0xa] =	wrdreg s25  }
0x12: {  	s14 =	smov.u32 s6;
	s6 =	smov.u32 s0;
	s26 =	sadd.s32 s9, s19  }
0x13: {  	s0 =	sshrl.u32 @!p0 s3, $0x3;
	s23 =	simm.s32 $0xC380;
	[dreg:$0x9] =	wrdreg s7  }
0x14: {  	s25 =	simm.s32 $0x18700;
	s24 =	sadd.s32 s1, s11;
	[dreg:$0xb] =	wrdreg s26  }
0x15: {  	s11 =	sadd.s32 $0x1000, s3;
	[dreg:$0xd] =	wrdreg s0;
	s26 =	simm.s32 $0x19700  }
0x16: {  	v0 =	vimm.f32 $0.0e+00;
	s7 =	simm.s32 $0x0;
	[dreg:$0x8] =	wrdreg s24;
	s24 =	simm.s32 $0x1  }
.LBB2_1:
0x17: {  	[dreg:$0xe] =	wrdreg s7;
	s2 =	simm.s32 $0x40;
	s9 =	simm.s32 $0x0  }
.LBB2_2:
0x18: {  	p2 =	sne.s32 s2, $0xFFC0;
	[tilespmem:s9+$0x1A700] =	vst v0;
	s9 =	smov.u32 s2;
	s2 =	sadd.s32 $0x40, s2  }
.Ltmp0:
0x19: {  	(pc) =	sbr.rel @p2 .LBB2_2-.Ltmp0, $2  }
0x1a: {  	_ =	sdelay $0x2  }
0x1b: {  	s9 =	sshra.s32 s9, $0x2  }
0x1c: {  	s7 =	simm.s32 @!p0 $0x1;
	s8 =	simm.s32 @!p0 $0x10  }
0x1d: {  	[tilespmem:s9+$0x1A700] =	vst v0;
	s9 =	simm.s32 @!p0 $0x80;
	s2 =	simm.s32 @!p0 $0x1C06;
	s0 =	rddreg [dreg:$0xd]  }
0x1e: {  	[spmem:s0@s8], [sflag:s2] =	dma.strided @!p0 [hbm:s6@s9], $0x800, s7, $0x10   }
0x1f: {  	s2 =	simm.s32 @!p0 $0x6  }
0x20: {  	_ =	swait.ge @!p0 [sflag:s2], $0x800  }
0x21: {  	[sflag:s2] =	ssyncset.done @!p0 $0x0  }
0x22: {  	[sflag:s2] =	ssyncadd.s32 @!p0 $0xFFFFF800  }
0x23: {  	[bflag:$0x0] =	sbarrier.arrive $0xFFFF  }
0x24: {  	s20 =	simm.s32 $0x0;
	s31 =	rddreg [dreg:$0x8]  }
0x25: {  	[tilespmem:s20], [sflag:$0x1] =	stream.strided.gather [hbm4b:s31+s21], $0xC380, s22, s21, $0x38;
	[tilespmem:$0x1EF00] =	vst v63  }
.LBB2_4:
0x26: {  	s2 =	sshll.u32 @!p0 s20, $0xC  }
0x27: {  	s9 =	sshll.u32 @!p0 s20, $0x5;
	s18 =	simm.s32 @!p0 $0x1C03;
	s2 =	sand.u32 @!p0 $0xC000, s2  }
0x28: {  	s31 =	smul.u32 $0x61C000, s20;
	s9 =	sand.u32 @!p0 $0x60, s9;
	s2 =	sadd.s32 @!p0 s6, s2  }
0x29: {  	s0 =	simm.s32 @!p0 $0x1;
	s7 =	simm.s32 @!p0 $0x10;
	s2 =	sadd.s32 @!p0 s9, s2  }
0x2a: {  	s8 =	simm.s32 @!p0 $0x80;
	s9 =	sshrl.u32 @!p0 s4, $0x3;
	s2 =	sadd.s32 @!p0 $0x10, s2  }
0x2b: {  	[spmem:s9@s7], [sflag:s18] =	dma.strided @!p0 [hbm:s2@s8], $0x800, s0, $0x10   }
0x2c: {  	s0 =	rddreg [dreg:$0x9]  }
0x2d: {  	s19 =	sadd.s32 s31, s0  }
0x2e: {  	s2 =	sshrl.u32 s19, $0x3  }
0x2f: {  	s2 =	sadd.s32 s1, s2  }
0x30: {  	[tilespmem:s23], [sflag:$0x2] =	stream.strided.gather [hbm4b:s2+s21], $0xC380, s22, s21, $0x38;
	[tilespmem:$0x1EF00] =	vst v63  }
0x31: {  	_ =	swait.ge [sflag:s24], $0xC380  }
0x32: {  	[sflag:s24] =	ssyncset.done $0x0  }
0x33: {  	[sflag:s24] =	ssyncadd.s32 $0xFFFF3C80  }
0x34: {  	[tilespmem:s25], [sflag:$0x4] =	stream.linear.gather [spmem:s3], $0x1000, $0x38;
	[tilespmem:$0x1EF00] =	vst v63  }
0x35: {  	_ = 	snop  }
0x36: {  	[tilespmem:s26], [sflag:$0x5] =	stream.linear.gather [spmem:s11], $0x1000, $0x38;
	[tilespmem:$0x1EF00] =	vst v63  }
0x37: {  	_ =	swait.ge [sflag:s28], $0x1000  }
0x38: {  	[sflag:s28] =	ssyncset.done $0x0  }
0x39: {  	s9 =	simm.s32 $0x0;
	[sflag:s28] =	ssyncadd.s32 $0xFFFFF000  }
0x3a: {  	v1 =	vld [tilespmem:s9+$0x187F0]  }
0x3b: {  	v2 =	vld [tilespmem:s9+$0x18700]  }
0x3c: {  	v3 =	vld [tilespmem:s9+$0x18710]  }
0x3d: {  	v4 =	vld [tilespmem:s9+$0x18720]  }
0x3e: {  	v5 =	vld [tilespmem:s9+$0x18730]  }
0x3f: {  	v6 =	vld [tilespmem:s9+$0x18740]  }
0x40: {  	v7 =	vld [tilespmem:s9+$0x18750]  }
0x41: {  	v8 =	vld [tilespmem:s9+$0x18760]  }
0x42: {  	v9 =	vld [tilespmem:s9+$0x18770]  }
0x43: {  	v10 =	vld [tilespmem:s9+$0x18780]  }
0x44: {  	v11 =	vld [tilespmem:s9+$0x18790];
	vm6 =	vlt.u32 v1, $0xC380  }
0x45: {  	v12 =	vld [tilespmem:s9+$0x187A0];
	vm0 =	vlt.u32 v2, $0xC380;
	v1 =	vnsel vm6, $0x0, v1  }
0x46: {  	v13 =	vld [tilespmem:s9+$0x187B0];
	vm1 =	vlt.u32 v3, $0xC380;
	v2 =	vnsel vm0, $0x0, v2  }
0x47: {  	v14 =	vld [tilespmem:s9+$0x187C0];
	vm2 =	vlt.u32 v4, $0xC380;
	v3 =	vnsel vm1, $0x0, v3  }
0x48: {  	v15 =	vld [tilespmem:s9+$0x187D0];
	vm3 =	vlt.u32 v5, $0xC380;
	v4 =	vnsel vm2, $0x0, v4  }
0x49: {  	v16 =	vld [tilespmem:s9+$0x187E0];
	vm4 =	vlt.u32 v6, $0xC380;
	v5 =	vnsel vm3, $0x0, v5  }
0x4a: {  	vm5 =	vlt.u32 v7, $0xC380;
	v6 =	vnsel vm4, $0x0, v6;
	v1 =	vld.idx.msk [tilespmem:v1+s5+$0x0], $0xffff  }
0x4b: {  	vm8 =	vlt.u32 v10, $0xC380;
	v7 =	vnsel vm5, $0x0, v7;
	v2 =	vld.idx.msk [tilespmem:v2+s5+$0x0], $0xffff  }
0x4c: {  	vm9 =	vlt.u32 v11, $0xC380;
	v57 =	vnsel vm8, $0x0, v10;
	v3 =	vld.idx.msk [tilespmem:v3+s5+$0x0], $0xffff  }
0x4d: {  	vm10 =	vlt.u32 v12, $0xC380;
	v58 =	vnsel vm9, $0x0, v11;
	v4 =	vld.idx.msk [tilespmem:v4+s5+$0x0], $0xffff  }
0x4e: {  	vm11 =	vlt.u32 v13, $0xC380;
	v59 =	vnsel vm10, $0x0, v12;
	v5 =	vld.idx.msk [tilespmem:v5+s5+$0x0], $0xffff  }
0x4f: {  	vm12 =	vlt.u32 v14, $0xC380;
	v60 =	vnsel vm11, $0x0, v13;
	v6 =	vld.idx.msk [tilespmem:v6+s5+$0x0], $0xffff  }
0x50: {  	vm7 =	vlt.u32 v9, $0xC380;
	vm14 =	vlt.u32 v15, $0xC380;
	v61 =	vnsel vm12, $0x0, v14;
	v7 =	vld.idx.msk [tilespmem:v7+s5+$0x0], $0xffff  }
0x51: {  	vm13 =	vlt.u32 v16, $0xC380;
	v56 =	vnsel vm7, $0x0, v9;
	v62 =	vnsel vm14, $0x0, v15;
	v9 =	vld.idx.msk [tilespmem:v57+s5+$0x0], $0xffff  }
0x52: {  	v63 =	vnsel vm13, $0x0, v16;
	v10 =	vld.idx.msk [tilespmem:v58+s5+$0x0], $0xffff  }
0x53: {  	v11 =	vld.idx.msk [tilespmem:v59+s5+$0x0], $0xffff  }
0x54: {  	v12 =	vld.idx.msk [tilespmem:v60+s5+$0x0], $0xffff  }
0x55: {  	v13 =	vld.idx.msk [tilespmem:v61+s5+$0x0], $0xffff  }
0x56: {  	v14 =	vld.idx.msk [tilespmem:v62+s5+$0x0], $0xffff  }
0x57: {  	v15 =	vld.idx.msk [tilespmem:v63+s5+$0x0], $0xffff;
	v1 =	vnsel vm6, $0x0, v1  }
0x58: {  	vm6 =	vlt.u32 v8, $0xC380;
	[tilespmem:s9+$0x1A7F0] =	vst.add.f32.msk $0xffff, v1  }
0x59: {  	v2 =	vnsel vm0, $0x0, v2;
	v1 =	vnsel vm6, $0x0, v8;
	v8 =	vld.idx.msk [tilespmem:v56+s5+$0x0], $0xffff  }
0x5a: {  	v3 =	vnsel vm1, $0x0, v3;
	[tilespmem:s9+$0x1A700] =	vst.add.f32.msk $0xffff, v2  }
0x5b: {  	v2 =	vnsel vm2, $0x0, v4;
	[tilespmem:s9+$0x1A710] =	vst.add.f32.msk $0xffff, v3  }
0x5c: {  	v3 =	vnsel vm3, $0x0, v5;
	[tilespmem:s9+$0x1A720] =	vst.add.f32.msk $0xffff, v2  }
0x5d: {  	v2 =	vnsel vm4, $0x0, v6;
	[tilespmem:s9+$0x1A730] =	vst.add.f32.msk $0xffff, v3  }
0x5e: {  	[tilespmem:s9+$0x1A740] =	vst.add.f32.msk $0xffff, v2  }
0x5f: {  	v3 =	vnsel vm5, $0x0, v7;
	v1 =	vld.idx.msk [tilespmem:v1+s5+$0x0], $0xffff  }
0x60: {  	[tilespmem:s9+$0x1A750] =	vst.add.f32.msk $0xffff, v3;
	v2 =	vnsel vm7, $0x0, v8  }
0x61: {  	[tilespmem:s9+$0x1A770] =	vst.add.f32.msk $0xffff, v2;
	v2 =	vnsel vm9, $0x0, v10  }
0x62: {  	[tilespmem:s9+$0x1A790] =	vst.add.f32.msk $0xffff, v2;
	v2 =	vnsel vm11, $0x0, v12  }
0x63: {  	[tilespmem:s9+$0x1A7B0] =	vst.add.f32.msk $0xffff, v2;
	v2 =	vnsel vm14, $0x0, v14  }
0x64: {  	[tilespmem:s9+$0x1A7D0] =	vst.add.f32.msk $0xffff, v2;
	v1 =	vnsel vm6, $0x0, v1  }
0x65: {  	[tilespmem:s9+$0x1A760] =	vst.add.f32.msk $0xffff, v1;
	v1 =	vnsel vm8, $0x0, v9  }
0x66: {  	[tilespmem:s9+$0x1A780] =	vst.add.f32.msk $0xffff, v1;
	v1 =	vnsel vm10, $0x0, v11  }
0x67: {  	[tilespmem:s9+$0x1A7A0] =	vst.add.f32.msk $0xffff, v1;
	v1 =	vnsel vm12, $0x0, v13  }
0x68: {  	s18 =	simm.s32 $0x0;
	s19 =	simm.s32 $0x400;
	s2 =	sshll.u32 s20, $0x1;
	[tilespmem:s9+$0x1A7C0] =	vst.add.f32.msk $0xffff, v1;
	v1 =	vnsel vm13, $0x0, v15  }
.LBB2_5:
0x69: {  	s18 =	sadd.s32 $0x10, s18;
	[tilespmem:s9+$0x1A7E0] =	vst.add.f32.msk $0xffff, v1;
	s9 =	sshra.s32 s19, $0x2  }
0x6a: {  	v1 =	vld [tilespmem:s9+$0x187F0];
	p2 =	slt.u32 s18, $0xF0  }
0x6b: {  	v2 =	vld [tilespmem:s9+$0x18700]  }
0x6c: {  	v3 =	vld [tilespmem:s9+$0x18710]  }
0x6d: {  	v4 =	vld [tilespmem:s9+$0x18720]  }
0x6e: {  	v5 =	vld [tilespmem:s9+$0x18730]  }
0x6f: {  	v6 =	vld [tilespmem:s9+$0x18740];
	vm11 =	vlt.u32 v1, $0xC380  }
0x70: {  	vm0 =	vlt.u32 v2, $0xC380;
	v7 =	vld [tilespmem:s9+$0x18750];
	v1 =	vnsel vm11, $0x0, v1  }
0x71: {  	v2 =	vnsel vm0, $0x0, v2;
	vm1 =	vlt.u32 v3, $0xC380;
	v8 =	vld [tilespmem:s9+$0x18760]  }
0x72: {  	v3 =	vnsel vm1, $0x0, v3;
	vm2 =	vlt.u32 v4, $0xC380;
	v9 =	vld [tilespmem:s9+$0x18770]  }
0x73: {  	v4 =	vnsel vm2, $0x0, v4;
	vm3 =	vlt.u32 v5, $0xC380;
	v10 =	vld [tilespmem:s9+$0x18780]  }
0x74: {  	v5 =	vnsel vm3, $0x0, v5;
	vm4 =	vlt.u32 v6, $0xC380;
	v11 =	vld [tilespmem:s9+$0x18790]  }
0x75: {  	v6 =	vnsel vm4, $0x0, v6;
	vm5 =	vlt.u32 v7, $0xC380;
	v1 =	vld.idx.msk [tilespmem:v1+s5+$0x0], $0xffff  }
0x76: {  	v7 =	vnsel vm5, $0x0, v7;
	vm6 =	vlt.u32 v8, $0xC380;
	v12 =	vld [tilespmem:s9+$0x187A0]  }
0x77: {  	v8 =	vnsel vm6, $0x0, v8;
	vm7 =	vlt.u32 v9, $0xC380;
	v13 =	vld [tilespmem:s9+$0x187B0]  }
0x78: {  	v9 =	vnsel vm7, $0x0, v9;
	vm8 =	vlt.u32 v10, $0xC380;
	v14 =	vld [tilespmem:s9+$0x187C0]  }
0x79: {  	v10 =	vnsel vm8, $0x0, v10;
	vm9 =	vlt.u32 v11, $0xC380;
	v15 =	vld [tilespmem:s9+$0x187D0]  }
0x7a: {  	v11 =	vnsel vm9, $0x0, v11;
	v16 =	vld [tilespmem:s9+$0x187E0]  }
0x7b: {  	v1 =	vnsel vm11, $0x0, v1;
	v2 =	vld.idx.msk [tilespmem:v2+s5+$0x0], $0xffff;
	vm10 =	vlt.u32 v12, $0xC380  }
0x7c: {  	v12 =	vnsel vm10, $0x0, v12;
	vm11 =	vlt.u32 v13, $0xC380;
	[tilespmem:s9+$0x1A7F0] =	vst.add.f32.msk $0xffff, v1  }
0x7d: {  	v1 =	vld.idx.msk [tilespmem:v3+s5+$0x0], $0xffff;
	v3 =	vnsel vm11, $0x0, v13;
	vm12 =	vlt.u32 v14, $0xC380  }
0x7e: {  	v4 =	vld.idx.msk [tilespmem:v4+s5+$0x0], $0xffff;
	v13 =	vnsel vm12, $0x0, v14;
	vm13 =	vlt.u32 v15, $0xC380  }
0x7f: {  	v5 =	vld.idx.msk [tilespmem:v5+s5+$0x0], $0xffff;
	v14 =	vnsel vm13, $0x0, v15;
	vm14 =	vlt.u32 v16, $0xC380  }
0x80: {  	v6 =	vld.idx.msk [tilespmem:v6+s5+$0x0], $0xffff;
	v15 =	vnsel vm14, $0x0, v16  }
0x81: {  	v2 =	vnsel vm0, $0x0, v2;
	v7 =	vld.idx.msk [tilespmem:v7+s5+$0x0], $0xffff  }
0x82: {  	v8 =	vld.idx.msk [tilespmem:v8+s5+$0x0], $0xffff  }
0x83: {  	v1 =	vnsel vm1, $0x0, v1;
	v9 =	vld.idx.msk [tilespmem:v9+s5+$0x0], $0xffff  }
0x84: {  	v4 =	vnsel vm2, $0x0, v4;
	v10 =	vld.idx.msk [tilespmem:v10+s5+$0x0], $0xffff  }
0x85: {  	v5 =	vnsel vm3, $0x0, v5;
	v11 =	vld.idx.msk [tilespmem:v11+s5+$0x0], $0xffff  }
0x86: {  	v6 =	vnsel vm4, $0x0, v6;
	v12 =	vld.idx.msk [tilespmem:v12+s5+$0x0], $0xffff  }
0x87: {  	v7 =	vnsel vm5, $0x0, v7;
	v3 =	vld.idx.msk [tilespmem:v3+s5+$0x0], $0xffff  }
0x88: {  	v8 =	vnsel vm6, $0x0, v8;
	v13 =	vld.idx.msk [tilespmem:v13+s5+$0x0], $0xffff  }
0x89: {  	v9 =	vnsel vm7, $0x0, v9;
	v14 =	vld.idx.msk [tilespmem:v14+s5+$0x0], $0xffff  }
0x8a: {  	v10 =	vnsel vm8, $0x0, v10;
	v15 =	vld.idx.msk [tilespmem:v15+s5+$0x0], $0xffff  }
0x8b: {  	[tilespmem:s9+$0x1A700] =	vst.add.f32.msk $0xffff, v2;
	v2 =	vnsel vm9, $0x0, v11  }
0x8c: {  	v11 =	vnsel vm10, $0x0, v12;
	[tilespmem:s9+$0x1A710] =	vst.add.f32.msk $0xffff, v1  }
0x8d: {  	v3 =	vnsel vm11, $0x0, v3;
	[tilespmem:s9+$0x1A720] =	vst.add.f32.msk $0xffff, v4  }
0x8e: {  	v4 =	vnsel vm12, $0x0, v13;
	[tilespmem:s9+$0x1A730] =	vst.add.f32.msk $0xffff, v5  }
0x8f: {  	v5 =	vnsel vm13, $0x0, v14;
	[tilespmem:s9+$0x1A740] =	vst.add.f32.msk $0xffff, v6  }
0x90: {  	v1 =	vnsel vm14, $0x0, v15;
	[tilespmem:s9+$0x1A750] =	vst.add.f32.msk $0xffff, v7  }
0x91: {  	[tilespmem:s9+$0x1A760] =	vst.add.f32.msk $0xffff, v8  }
0x92: {  	[tilespmem:s9+$0x1A770] =	vst.add.f32.msk $0xffff, v9  }
0x93: {  	[tilespmem:s9+$0x1A780] =	vst.add.f32.msk $0xffff, v10  }
.Ltmp1:
0x94: {  	[tilespmem:s9+$0x1A790] =	vst.add.f32.msk $0xffff, v2;
	(pc) =	sbr.rel @p2 .LBB2_5-.Ltmp1, $4  }
0x95: {  	[tilespmem:s9+$0x1A7A0] =	vst.add.f32.msk $0xffff, v11  }
0x96: {  	[tilespmem:s9+$0x1A7B0] =	vst.add.f32.msk $0xffff, v3  }
0x97: {  	[tilespmem:s9+$0x1A7C0] =	vst.add.f32.msk $0xffff, v4  }
0x98: {  	s19 =	sadd.s32 $0x400, s19;
	[tilespmem:s9+$0x1A7D0] =	vst.add.f32.msk $0xffff, v5  }
0x99: {  	[tilespmem:s9+$0x1A7E0] =	vst.add.f32.msk $0xffff, v1  }
0x9a: {  	[tilespmem:s25], [sflag:$0x4] =	stream.linear.gather [spmem:s12], $0x1000, $0x38;
	[tilespmem:$0x1EF00] =	vst v63  }
0x9b: {  	_ =	swait.ge [sflag:s29], $0x1000  }
0x9c: {  	[sflag:s29] =	ssyncset.done $0x0  }
0x9d: {  	s9 =	simm.s32 $0x0;
	[sflag:s29] =	ssyncadd.s32 $0xFFFFF000  }
0x9e: {  	v1 =	vld [tilespmem:s9+$0x197F0]  }
0x9f: {  	v2 =	vld [tilespmem:s9+$0x19700]  }
0xa0: {  	v3 =	vld [tilespmem:s9+$0x19710]  }
0xa1: {  	v4 =	vld [tilespmem:s9+$0x19720]  }
0xa2: {  	v5 =	vld [tilespmem:s9+$0x19730]  }
0xa3: {  	v6 =	vld [tilespmem:s9+$0x19740]  }
0xa4: {  	v7 =	vld [tilespmem:s9+$0x19750]  }
0xa5: {  	v8 =	vld [tilespmem:s9+$0x19760]  }
0xa6: {  	v9 =	vld [tilespmem:s9+$0x19770]  }
0xa7: {  	v10 =	vld [tilespmem:s9+$0x19780]  }
0xa8: {  	v11 =	vld [tilespmem:s9+$0x19790];
	vm6 =	vlt.u32 v1, $0xC380  }
0xa9: {  	v12 =	vld [tilespmem:s9+$0x197A0];
	vm0 =	vlt.u32 v2, $0xC380;
	v1 =	vnsel vm6, $0x0, v1  }
0xaa: {  	v13 =	vld [tilespmem:s9+$0x197B0];
	vm1 =	vlt.u32 v3, $0xC380;
	v2 =	vnsel vm0, $0x0, v2  }
0xab: {  	v14 =	vld [tilespmem:s9+$0x197C0];
	vm2 =	vlt.u32 v4, $0xC380;
	v3 =	vnsel vm1, $0x0, v3  }
0xac: {  	v15 =	vld [tilespmem:s9+$0x197D0];
	vm3 =	vlt.u32 v5, $0xC380;
	v4 =	vnsel vm2, $0x0, v4  }
0xad: {  	v16 =	vld [tilespmem:s9+$0x197E0];
	vm4 =	vlt.u32 v6, $0xC380;
	v5 =	vnsel vm3, $0x0, v5  }
0xae: {  	vm5 =	vlt.u32 v7, $0xC380;
	v6 =	vnsel vm4, $0x0, v6;
	v1 =	vld.idx.msk [tilespmem:v1+s5+$0x0], $0xffff  }
0xaf: {  	vm8 =	vlt.u32 v10, $0xC380;
	v7 =	vnsel vm5, $0x0, v7;
	v2 =	vld.idx.msk [tilespmem:v2+s5+$0x0], $0xffff  }
0xb0: {  	vm9 =	vlt.u32 v11, $0xC380;
	v57 =	vnsel vm8, $0x0, v10;
	v3 =	vld.idx.msk [tilespmem:v3+s5+$0x0], $0xffff  }
0xb1: {  	vm10 =	vlt.u32 v12, $0xC380;
	v58 =	vnsel vm9, $0x0, v11;
	v4 =	vld.idx.msk [tilespmem:v4+s5+$0x0], $0xffff  }
0xb2: {  	vm11 =	vlt.u32 v13, $0xC380;
	v59 =	vnsel vm10, $0x0, v12;
	v5 =	vld.idx.msk [tilespmem:v5+s5+$0x0], $0xffff  }
0xb3: {  	vm12 =	vlt.u32 v14, $0xC380;
	v60 =	vnsel vm11, $0x0, v13;
	v6 =	vld.idx.msk [tilespmem:v6+s5+$0x0], $0xffff  }
0xb4: {  	vm7 =	vlt.u32 v9, $0xC380;
	vm13 =	vlt.u32 v15, $0xC380;
	v61 =	vnsel vm12, $0x0, v14;
	v7 =	vld.idx.msk [tilespmem:v7+s5+$0x0], $0xffff  }
0xb5: {  	vm14 =	vlt.u32 v16, $0xC380;
	v56 =	vnsel vm7, $0x0, v9;
	v62 =	vnsel vm13, $0x0, v15;
	v9 =	vld.idx.msk [tilespmem:v57+s5+$0x0], $0xffff  }
0xb6: {  	v63 =	vnsel vm14, $0x0, v16;
	v10 =	vld.idx.msk [tilespmem:v58+s5+$0x0], $0xffff  }
0xb7: {  	v11 =	vld.idx.msk [tilespmem:v59+s5+$0x0], $0xffff  }
0xb8: {  	v12 =	vld.idx.msk [tilespmem:v60+s5+$0x0], $0xffff  }
0xb9: {  	v13 =	vld.idx.msk [tilespmem:v61+s5+$0x0], $0xffff  }
0xba: {  	v14 =	vld.idx.msk [tilespmem:v62+s5+$0x0], $0xffff  }
0xbb: {  	v15 =	vld.idx.msk [tilespmem:v63+s5+$0x0], $0xffff;
	v1 =	vnsel vm6, $0x0, v1  }
0xbc: {  	vm6 =	vlt.u32 v8, $0xC380;
	[tilespmem:s9+$0x1B7F0] =	vst.add.f32.msk $0xffff, v1  }
0xbd: {  	v2 =	vnsel vm0, $0x0, v2;
	v1 =	vnsel vm6, $0x0, v8;
	v8 =	vld.idx.msk [tilespmem:v56+s5+$0x0], $0xffff  }
0xbe: {  	v3 =	vnsel vm1, $0x0, v3;
	[tilespmem:s9+$0x1B700] =	vst.add.f32.msk $0xffff, v2  }
0xbf: {  	v2 =	vnsel vm2, $0x0, v4;
	[tilespmem:s9+$0x1B710] =	vst.add.f32.msk $0xffff, v3  }
0xc0: {  	v3 =	vnsel vm3, $0x0, v5;
	[tilespmem:s9+$0x1B720] =	vst.add.f32.msk $0xffff, v2  }
0xc1: {  	v2 =	vnsel vm4, $0x0, v6;
	[tilespmem:s9+$0x1B730] =	vst.add.f32.msk $0xffff, v3  }
0xc2: {  	[tilespmem:s9+$0x1B740] =	vst.add.f32.msk $0xffff, v2  }
0xc3: {  	v3 =	vnsel vm5, $0x0, v7;
	v1 =	vld.idx.msk [tilespmem:v1+s5+$0x0], $0xffff  }
0xc4: {  	[tilespmem:s9+$0x1B750] =	vst.add.f32.msk $0xffff, v3;
	v2 =	vnsel vm7, $0x0, v8  }
0xc5: {  	[tilespmem:s9+$0x1B770] =	vst.add.f32.msk $0xffff, v2;
	v2 =	vnsel vm9, $0x0, v10  }
0xc6: {  	[tilespmem:s9+$0x1B790] =	vst.add.f32.msk $0xffff, v2;
	v2 =	vnsel vm11, $0x0, v12  }
0xc7: {  	[tilespmem:s9+$0x1B7B0] =	vst.add.f32.msk $0xffff, v2;
	v2 =	vnsel vm13, $0x0, v14  }
0xc8: {  	[tilespmem:s9+$0x1B7D0] =	vst.add.f32.msk $0xffff, v2;
	v1 =	vnsel vm6, $0x0, v1  }
0xc9: {  	[tilespmem:s9+$0x1B760] =	vst.add.f32.msk $0xffff, v1;
	v1 =	vnsel vm8, $0x0, v9  }
0xca: {  	[tilespmem:s9+$0x1B780] =	vst.add.f32.msk $0xffff, v1;
	v1 =	vnsel vm10, $0x0, v11  }
0xcb: {  	[tilespmem:s9+$0x1B7A0] =	vst.add.f32.msk $0xffff, v1;
	v1 =	vnsel vm12, $0x0, v13  }
0xcc: {  	s18 =	simm.s32 $0x0;
	s19 =	simm.s32 $0x400;
	[tilespmem:s9+$0x1B7C0] =	vst.add.f32.msk $0xffff, v1;
	v1 =	vnsel vm14, $0x0, v15  }
.LBB2_7:
0xcd: {  	s18 =	sadd.s32 $0x10, s18;
	[tilespmem:s9+$0x1B7E0] =	vst.add.f32.msk $0xffff, v1;
	s9 =	sshra.s32 s19, $0x2  }
0xce: {  	v1 =	vld [tilespmem:s9+$0x197F0];
	p2 =	slt.u32 s18, $0xF0  }
0xcf: {  	v2 =	vld [tilespmem:s9+$0x19700]  }
0xd0: {  	v3 =	vld [tilespmem:s9+$0x19710]  }
0xd1: {  	v4 =	vld [tilespmem:s9+$0x19720]  }
0xd2: {  	v5 =	vld [tilespmem:s9+$0x19730]  }
0xd3: {  	v6 =	vld [tilespmem:s9+$0x19740];
	vm11 =	vlt.u32 v1, $0xC380  }
0xd4: {  	vm0 =	vlt.u32 v2, $0xC380;
	v7 =	vld [tilespmem:s9+$0x19750];
	v1 =	vnsel vm11, $0x0, v1  }
0xd5: {  	v2 =	vnsel vm0, $0x0, v2;
	vm1 =	vlt.u32 v3, $0xC380;
	v8 =	vld [tilespmem:s9+$0x19760]  }
0xd6: {  	v3 =	vnsel vm1, $0x0, v3;
	vm2 =	vlt.u32 v4, $0xC380;
	v9 =	vld [tilespmem:s9+$0x19770]  }
0xd7: {  	v4 =	vnsel vm2, $0x0, v4;
	vm3 =	vlt.u32 v5, $0xC380;
	v10 =	vld [tilespmem:s9+$0x19780]  }
0xd8: {  	v5 =	vnsel vm3, $0x0, v5;
	vm4 =	vlt.u32 v6, $0xC380;
	v11 =	vld [tilespmem:s9+$0x19790]  }
0xd9: {  	v6 =	vnsel vm4, $0x0, v6;
	vm5 =	vlt.u32 v7, $0xC380;
	v1 =	vld.idx.msk [tilespmem:v1+s5+$0x0], $0xffff  }
0xda: {  	v7 =	vnsel vm5, $0x0, v7;
	vm6 =	vlt.u32 v8, $0xC380;
	v12 =	vld [tilespmem:s9+$0x197A0]  }
0xdb: {  	v8 =	vnsel vm6, $0x0, v8;
	vm7 =	vlt.u32 v9, $0xC380;
	v13 =	vld [tilespmem:s9+$0x197B0]  }
0xdc: {  	v9 =	vnsel vm7, $0x0, v9;
	vm8 =	vlt.u32 v10, $0xC380;
	v14 =	vld [tilespmem:s9+$0x197C0]  }
0xdd: {  	v10 =	vnsel vm8, $0x0, v10;
	vm9 =	vlt.u32 v11, $0xC380;
	v15 =	vld [tilespmem:s9+$0x197D0]  }
0xde: {  	v11 =	vnsel vm9, $0x0, v11;
	v16 =	vld [tilespmem:s9+$0x197E0]  }
0xdf: {  	v1 =	vnsel vm11, $0x0, v1;
	v2 =	vld.idx.msk [tilespmem:v2+s5+$0x0], $0xffff;
	vm10 =	vlt.u32 v12, $0xC380  }
0xe0: {  	v12 =	vnsel vm10, $0x0, v12;
	vm11 =	vlt.u32 v13, $0xC380;
	[tilespmem:s9+$0x1B7F0] =	vst.add.f32.msk $0xffff, v1  }
0xe1: {  	v1 =	vld.idx.msk [tilespmem:v3+s5+$0x0], $0xffff;
	v3 =	vnsel vm11, $0x0, v13;
	vm12 =	vlt.u32 v14, $0xC380  }
0xe2: {  	v4 =	vld.idx.msk [tilespmem:v4+s5+$0x0], $0xffff;
	v13 =	vnsel vm12, $0x0, v14;
	vm13 =	vlt.u32 v15, $0xC380  }
0xe3: {  	v5 =	vld.idx.msk [tilespmem:v5+s5+$0x0], $0xffff;
	v14 =	vnsel vm13, $0x0, v15;
	vm14 =	vlt.u32 v16, $0xC380  }
0xe4: {  	v6 =	vld.idx.msk [tilespmem:v6+s5+$0x0], $0xffff;
	v15 =	vnsel vm14, $0x0, v16  }
0xe5: {  	v2 =	vnsel vm0, $0x0, v2;
	v7 =	vld.idx.msk [tilespmem:v7+s5+$0x0], $0xffff  }
0xe6: {  	v8 =	vld.idx.msk [tilespmem:v8+s5+$0x0], $0xffff  }
0xe7: {  	v1 =	vnsel vm1, $0x0, v1;
	v9 =	vld.idx.msk [tilespmem:v9+s5+$0x0], $0xffff  }
0xe8: {  	v4 =	vnsel vm2, $0x0, v4;
	v10 =	vld.idx.msk [tilespmem:v10+s5+$0x0], $0xffff  }
0xe9: {  	v5 =	vnsel vm3, $0x0, v5;
	v11 =	vld.idx.msk [tilespmem:v11+s5+$0x0], $0xffff  }
0xea: {  	v6 =	vnsel vm4, $0x0, v6;
	v12 =	vld.idx.msk [tilespmem:v12+s5+$0x0], $0xffff  }
0xeb: {  	v7 =	vnsel vm5, $0x0, v7;
	v3 =	vld.idx.msk [tilespmem:v3+s5+$0x0], $0xffff  }
0xec: {  	v8 =	vnsel vm6, $0x0, v8;
	v13 =	vld.idx.msk [tilespmem:v13+s5+$0x0], $0xffff  }
0xed: {  	v9 =	vnsel vm7, $0x0, v9;
	v14 =	vld.idx.msk [tilespmem:v14+s5+$0x0], $0xffff  }
0xee: {  	v10 =	vnsel vm8, $0x0, v10;
	v15 =	vld.idx.msk [tilespmem:v15+s5+$0x0], $0xffff  }
0xef: {  	[tilespmem:s9+$0x1B700] =	vst.add.f32.msk $0xffff, v2;
	v2 =	vnsel vm9, $0x0, v11  }
0xf0: {  	v11 =	vnsel vm10, $0x0, v12;
	[tilespmem:s9+$0x1B710] =	vst.add.f32.msk $0xffff, v1  }
0xf1: {  	v3 =	vnsel vm11, $0x0, v3;
	[tilespmem:s9+$0x1B720] =	vst.add.f32.msk $0xffff, v4  }
0xf2: {  	v4 =	vnsel vm12, $0x0, v13;
	[tilespmem:s9+$0x1B730] =	vst.add.f32.msk $0xffff, v5  }
0xf3: {  	v5 =	vnsel vm13, $0x0, v14;
	[tilespmem:s9+$0x1B740] =	vst.add.f32.msk $0xffff, v6  }
0xf4: {  	v1 =	vnsel vm14, $0x0, v15;
	[tilespmem:s9+$0x1B750] =	vst.add.f32.msk $0xffff, v7  }
0xf5: {  	[tilespmem:s9+$0x1B760] =	vst.add.f32.msk $0xffff, v8  }
0xf6: {  	[tilespmem:s9+$0x1B770] =	vst.add.f32.msk $0xffff, v9  }
0xf7: {  	[tilespmem:s9+$0x1B780] =	vst.add.f32.msk $0xffff, v10  }
.Ltmp2:
0xf8: {  	[tilespmem:s9+$0x1B790] =	vst.add.f32.msk $0xffff, v2;
	(pc) =	sbr.rel @p2 .LBB2_7-.Ltmp2, $4  }
0xf9: {  	[tilespmem:s9+$0x1B7A0] =	vst.add.f32.msk $0xffff, v11  }
0xfa: {  	[tilespmem:s9+$0x1B7B0] =	vst.add.f32.msk $0xffff, v3  }
0xfb: {  	[tilespmem:s9+$0x1B7C0] =	vst.add.f32.msk $0xffff, v4  }
0xfc: {  	s19 =	sadd.s32 $0x400, s19;
	[tilespmem:s9+$0x1B7D0] =	vst.add.f32.msk $0xffff, v5  }
0xfd: {  	[tilespmem:s9+$0x1B7E0] =	vst.add.f32.msk $0xffff, v1  }
0xfe: {  	[tilespmem:s26], [sflag:$0x5] =	stream.linear.gather [spmem:s13], $0x1000, $0x38;
	[tilespmem:$0x1EF00] =	vst v63  }
0xff: {  	_ =	swait.ge [sflag:s28], $0x1000  }
0x100: {  	[sflag:s28] =	ssyncset.done $0x0  }
0x101: {  	s9 =	simm.s32 $0x0;
	[sflag:s28] =	ssyncadd.s32 $0xFFFFF000  }
0x102: {  	v1 =	vld [tilespmem:s9+$0x187F0]  }
0x103: {  	v2 =	vld [tilespmem:s9+$0x18700]  }
0x104: {  	v3 =	vld [tilespmem:s9+$0x18710]  }
0x105: {  	v4 =	vld [tilespmem:s9+$0x18720]  }
0x106: {  	v5 =	vld [tilespmem:s9+$0x18730]  }
0x107: {  	v6 =	vld [tilespmem:s9+$0x18740]  }
0x108: {  	v7 =	vld [tilespmem:s9+$0x18750]  }
0x109: {  	v8 =	vld [tilespmem:s9+$0x18760]  }
0x10a: {  	v9 =	vld [tilespmem:s9+$0x18770]  }
0x10b: {  	v10 =	vld [tilespmem:s9+$0x18780]  }
0x10c: {  	v11 =	vld [tilespmem:s9+$0x18790];
	vm6 =	vlt.u32 v1, $0xC380  }
0x10d: {  	v12 =	vld [tilespmem:s9+$0x187A0];
	vm0 =	vlt.u32 v2, $0xC380;
	v1 =	vnsel vm6, $0x0, v1  }
0x10e: {  	v13 =	vld [tilespmem:s9+$0x187B0];
	vm1 =	vlt.u32 v3, $0xC380;
	v2 =	vnsel vm0, $0x0, v2  }
0x10f: {  	v14 =	vld [tilespmem:s9+$0x187C0];
	vm2 =	vlt.u32 v4, $0xC380;
	v3 =	vnsel vm1, $0x0, v3  }
0x110: {  	v15 =	vld [tilespmem:s9+$0x187D0];
	vm3 =	vlt.u32 v5, $0xC380;
	v4 =	vnsel vm2, $0x0, v4  }
0x111: {  	v16 =	vld [tilespmem:s9+$0x187E0];
	vm4 =	vlt.u32 v6, $0xC380;
	v5 =	vnsel vm3, $0x0, v5  }
0x112: {  	vm5 =	vlt.u32 v7, $0xC380;
	v6 =	vnsel vm4, $0x0, v6;
	v1 =	vld.idx.msk [tilespmem:v1+s5+$0x0], $0xffff  }
0x113: {  	vm8 =	vlt.u32 v10, $0xC380;
	v7 =	vnsel vm5, $0x0, v7;
	v2 =	vld.idx.msk [tilespmem:v2+s5+$0x0], $0xffff  }
0x114: {  	vm9 =	vlt.u32 v11, $0xC380;
	v57 =	vnsel vm8, $0x0, v10;
	v3 =	vld.idx.msk [tilespmem:v3+s5+$0x0], $0xffff  }
0x115: {  	vm10 =	vlt.u32 v12, $0xC380;
	v58 =	vnsel vm9, $0x0, v11;
	v4 =	vld.idx.msk [tilespmem:v4+s5+$0x0], $0xffff  }
0x116: {  	vm11 =	vlt.u32 v13, $0xC380;
	v59 =	vnsel vm10, $0x0, v12;
	v5 =	vld.idx.msk [tilespmem:v5+s5+$0x0], $0xffff  }
0x117: {  	vm12 =	vlt.u32 v14, $0xC380;
	v60 =	vnsel vm11, $0x0, v13;
	v6 =	vld.idx.msk [tilespmem:v6+s5+$0x0], $0xffff  }
0x118: {  	vm7 =	vlt.u32 v9, $0xC380;
	vm13 =	vlt.u32 v15, $0xC380;
	v61 =	vnsel vm12, $0x0, v14;
	v7 =	vld.idx.msk [tilespmem:v7+s5+$0x0], $0xffff  }
0x119: {  	vm14 =	vlt.u32 v16, $0xC380;
	v56 =	vnsel vm7, $0x0, v9;
	v62 =	vnsel vm13, $0x0, v15;
	v9 =	vld.idx.msk [tilespmem:v57+s5+$0x0], $0xffff  }
0x11a: {  	v63 =	vnsel vm14, $0x0, v16;
	v10 =	vld.idx.msk [tilespmem:v58+s5+$0x0], $0xffff  }
0x11b: {  	v11 =	vld.idx.msk [tilespmem:v59+s5+$0x0], $0xffff  }
0x11c: {  	v12 =	vld.idx.msk [tilespmem:v60+s5+$0x0], $0xffff  }
0x11d: {  	v13 =	vld.idx.msk [tilespmem:v61+s5+$0x0], $0xffff  }
0x11e: {  	v14 =	vld.idx.msk [tilespmem:v62+s5+$0x0], $0xffff  }
0x11f: {  	v15 =	vld.idx.msk [tilespmem:v63+s5+$0x0], $0xffff;
	v1 =	vnsel vm6, $0x0, v1  }
0x120: {  	vm6 =	vlt.u32 v8, $0xC380;
	[tilespmem:s9+$0x1C7F0] =	vst.add.f32.msk $0xffff, v1  }
0x121: {  	v2 =	vnsel vm0, $0x0, v2;
	v1 =	vnsel vm6, $0x0, v8;
	v8 =	vld.idx.msk [tilespmem:v56+s5+$0x0], $0xffff  }
0x122: {  	v3 =	vnsel vm1, $0x0, v3;
	[tilespmem:s9+$0x1C700] =	vst.add.f32.msk $0xffff, v2  }
0x123: {  	v2 =	vnsel vm2, $0x0, v4;
	[tilespmem:s9+$0x1C710] =	vst.add.f32.msk $0xffff, v3  }
0x124: {  	v3 =	vnsel vm3, $0x0, v5;
	[tilespmem:s9+$0x1C720] =	vst.add.f32.msk $0xffff, v2  }
0x125: {  	v2 =	vnsel vm4, $0x0, v6;
	[tilespmem:s9+$0x1C730] =	vst.add.f32.msk $0xffff, v3  }
0x126: {  	[tilespmem:s9+$0x1C740] =	vst.add.f32.msk $0xffff, v2  }
0x127: {  	v3 =	vnsel vm5, $0x0, v7;
	v1 =	vld.idx.msk [tilespmem:v1+s5+$0x0], $0xffff  }
0x128: {  	[tilespmem:s9+$0x1C750] =	vst.add.f32.msk $0xffff, v3;
	v2 =	vnsel vm7, $0x0, v8  }
0x129: {  	[tilespmem:s9+$0x1C770] =	vst.add.f32.msk $0xffff, v2;
	v2 =	vnsel vm9, $0x0, v10  }
0x12a: {  	[tilespmem:s9+$0x1C790] =	vst.add.f32.msk $0xffff, v2;
	v2 =	vnsel vm11, $0x0, v12  }
0x12b: {  	[tilespmem:s9+$0x1C7B0] =	vst.add.f32.msk $0xffff, v2;
	v2 =	vnsel vm13, $0x0, v14  }
0x12c: {  	[tilespmem:s9+$0x1C7D0] =	vst.add.f32.msk $0xffff, v2;
	v1 =	vnsel vm6, $0x0, v1  }
0x12d: {  	[tilespmem:s9+$0x1C760] =	vst.add.f32.msk $0xffff, v1;
	v1 =	vnsel vm8, $0x0, v9  }
0x12e: {  	[tilespmem:s9+$0x1C780] =	vst.add.f32.msk $0xffff, v1;
	v1 =	vnsel vm10, $0x0, v11  }
0x12f: {  	[tilespmem:s9+$0x1C7A0] =	vst.add.f32.msk $0xffff, v1;
	v1 =	vnsel vm12, $0x0, v13  }
0x130: {  	s18 =	simm.s32 $0x0;
	s19 =	simm.s32 $0x400;
	[tilespmem:s9+$0x1C7C0] =	vst.add.f32.msk $0xffff, v1;
	v1 =	vnsel vm14, $0x0, v15  }
.LBB2_9:
0x131: {  	s18 =	sadd.s32 $0x10, s18;
	[tilespmem:s9+$0x1C7E0] =	vst.add.f32.msk $0xffff, v1;
	s9 =	sshra.s32 s19, $0x2  }
0x132: {  	v1 =	vld [tilespmem:s9+$0x187F0];
	p2 =	slt.u32 s18, $0xF0  }
0x133: {  	v2 =	vld [tilespmem:s9+$0x18700]  }
0x134: {  	v3 =	vld [tilespmem:s9+$0x18710]  }
0x135: {  	v4 =	vld [tilespmem:s9+$0x18720]  }
0x136: {  	v5 =	vld [tilespmem:s9+$0x18730]  }
0x137: {  	v6 =	vld [tilespmem:s9+$0x18740];
	vm11 =	vlt.u32 v1, $0xC380  }
0x138: {  	vm0 =	vlt.u32 v2, $0xC380;
	v7 =	vld [tilespmem:s9+$0x18750];
	v1 =	vnsel vm11, $0x0, v1  }
0x139: {  	v2 =	vnsel vm0, $0x0, v2;
	vm1 =	vlt.u32 v3, $0xC380;
	v8 =	vld [tilespmem:s9+$0x18760]  }
0x13a: {  	v3 =	vnsel vm1, $0x0, v3;
	vm2 =	vlt.u32 v4, $0xC380;
	v9 =	vld [tilespmem:s9+$0x18770]  }
0x13b: {  	v4 =	vnsel vm2, $0x0, v4;
	vm3 =	vlt.u32 v5, $0xC380;
	v10 =	vld [tilespmem:s9+$0x18780]  }
0x13c: {  	v5 =	vnsel vm3, $0x0, v5;
	vm4 =	vlt.u32 v6, $0xC380;
	v11 =	vld [tilespmem:s9+$0x18790]  }
0x13d: {  	v6 =	vnsel vm4, $0x0, v6;
	vm5 =	vlt.u32 v7, $0xC380;
	v1 =	vld.idx.msk [tilespmem:v1+s5+$0x0], $0xffff  }
0x13e: {  	v7 =	vnsel vm5, $0x0, v7;
	vm6 =	vlt.u32 v8, $0xC380;
	v12 =	vld [tilespmem:s9+$0x187A0]  }
0x13f: {  	v8 =	vnsel vm6, $0x0, v8;
	vm7 =	vlt.u32 v9, $0xC380;
	v13 =	vld [tilespmem:s9+$0x187B0]  }
0x140: {  	v9 =	vnsel vm7, $0x0, v9;
	vm8 =	vlt.u32 v10, $0xC380;
	v14 =	vld [tilespmem:s9+$0x187C0]  }
0x141: {  	v10 =	vnsel vm8, $0x0, v10;
	vm9 =	vlt.u32 v11, $0xC380;
	v15 =	vld [tilespmem:s9+$0x187D0]  }
0x142: {  	v11 =	vnsel vm9, $0x0, v11;
	v16 =	vld [tilespmem:s9+$0x187E0]  }
0x143: {  	v1 =	vnsel vm11, $0x0, v1;
	v2 =	vld.idx.msk [tilespmem:v2+s5+$0x0], $0xffff;
	vm10 =	vlt.u32 v12, $0xC380  }
0x144: {  	v12 =	vnsel vm10, $0x0, v12;
	vm11 =	vlt.u32 v13, $0xC380;
	[tilespmem:s9+$0x1C7F0] =	vst.add.f32.msk $0xffff, v1  }
0x145: {  	v1 =	vld.idx.msk [tilespmem:v3+s5+$0x0], $0xffff;
	v3 =	vnsel vm11, $0x0, v13;
	vm12 =	vlt.u32 v14, $0xC380  }
0x146: {  	v4 =	vld.idx.msk [tilespmem:v4+s5+$0x0], $0xffff;
	v13 =	vnsel vm12, $0x0, v14;
	vm13 =	vlt.u32 v15, $0xC380  }
0x147: {  	v5 =	vld.idx.msk [tilespmem:v5+s5+$0x0], $0xffff;
	v14 =	vnsel vm13, $0x0, v15;
	vm14 =	vlt.u32 v16, $0xC380  }
0x148: {  	v6 =	vld.idx.msk [tilespmem:v6+s5+$0x0], $0xffff;
	v15 =	vnsel vm14, $0x0, v16  }
0x149: {  	v2 =	vnsel vm0, $0x0, v2;
	v7 =	vld.idx.msk [tilespmem:v7+s5+$0x0], $0xffff  }
0x14a: {  	v8 =	vld.idx.msk [tilespmem:v8+s5+$0x0], $0xffff  }
0x14b: {  	v1 =	vnsel vm1, $0x0, v1;
	v9 =	vld.idx.msk [tilespmem:v9+s5+$0x0], $0xffff  }
0x14c: {  	v4 =	vnsel vm2, $0x0, v4;
	v10 =	vld.idx.msk [tilespmem:v10+s5+$0x0], $0xffff  }
0x14d: {  	v5 =	vnsel vm3, $0x0, v5;
	v11 =	vld.idx.msk [tilespmem:v11+s5+$0x0], $0xffff  }
0x14e: {  	v6 =	vnsel vm4, $0x0, v6;
	v12 =	vld.idx.msk [tilespmem:v12+s5+$0x0], $0xffff  }
0x14f: {  	v7 =	vnsel vm5, $0x0, v7;
	v3 =	vld.idx.msk [tilespmem:v3+s5+$0x0], $0xffff  }
0x150: {  	v8 =	vnsel vm6, $0x0, v8;
	v13 =	vld.idx.msk [tilespmem:v13+s5+$0x0], $0xffff  }
0x151: {  	v9 =	vnsel vm7, $0x0, v9;
	v14 =	vld.idx.msk [tilespmem:v14+s5+$0x0], $0xffff  }
0x152: {  	v10 =	vnsel vm8, $0x0, v10;
	v15 =	vld.idx.msk [tilespmem:v15+s5+$0x0], $0xffff  }
0x153: {  	[tilespmem:s9+$0x1C700] =	vst.add.f32.msk $0xffff, v2;
	v2 =	vnsel vm9, $0x0, v11  }
0x154: {  	v11 =	vnsel vm10, $0x0, v12;
	[tilespmem:s9+$0x1C710] =	vst.add.f32.msk $0xffff, v1  }
0x155: {  	v3 =	vnsel vm11, $0x0, v3;
	[tilespmem:s9+$0x1C720] =	vst.add.f32.msk $0xffff, v4  }
0x156: {  	v4 =	vnsel vm12, $0x0, v13;
	[tilespmem:s9+$0x1C730] =	vst.add.f32.msk $0xffff, v5  }
0x157: {  	v5 =	vnsel vm13, $0x0, v14;
	[tilespmem:s9+$0x1C740] =	vst.add.f32.msk $0xffff, v6  }
0x158: {  	v1 =	vnsel vm14, $0x0, v15;
	[tilespmem:s9+$0x1C750] =	vst.add.f32.msk $0xffff, v7  }
0x159: {  	[tilespmem:s9+$0x1C760] =	vst.add.f32.msk $0xffff, v8  }
0x15a: {  	[tilespmem:s9+$0x1C770] =	vst.add.f32.msk $0xffff, v9  }
0x15b: {  	[tilespmem:s9+$0x1C780] =	vst.add.f32.msk $0xffff, v10  }
.Ltmp3:
0x15c: {  	[tilespmem:s9+$0x1C790] =	vst.add.f32.msk $0xffff, v2;
	(pc) =	sbr.rel @p2 .LBB2_9-.Ltmp3, $4  }
0x15d: {  	[tilespmem:s9+$0x1C7A0] =	vst.add.f32.msk $0xffff, v11  }
0x15e: {  	[tilespmem:s9+$0x1C7B0] =	vst.add.f32.msk $0xffff, v3  }
0x15f: {  	[tilespmem:s9+$0x1C7C0] =	vst.add.f32.msk $0xffff, v4  }
0x160: {  	s19 =	sadd.s32 $0x400, s19;
	[tilespmem:s9+$0x1C7D0] =	vst.add.f32.msk $0xffff, v5  }
0x161: {  	[tilespmem:s9+$0x1C7E0] =	vst.add.f32.msk $0xffff, v1  }
0x162: {  	_ =	swait.ge [sflag:s29], $0x1000  }
0x163: {  	[sflag:s29] =	ssyncset.done $0x0  }
0x164: {  	s9 =	simm.s32 $0x0;
	[sflag:s29] =	ssyncadd.s32 $0xFFFFF000  }
0x165: {  	v1 =	vld [tilespmem:s9+$0x197F0]  }
0x166: {  	v2 =	vld [tilespmem:s9+$0x19700]  }
0x167: {  	v3 =	vld [tilespmem:s9+$0x19710]  }
0x168: {  	v4 =	vld [tilespmem:s9+$0x19720]  }
0x169: {  	v5 =	vld [tilespmem:s9+$0x19730]  }
0x16a: {  	v6 =	vld [tilespmem:s9+$0x19740]  }
0x16b: {  	v7 =	vld [tilespmem:s9+$0x19750]  }
0x16c: {  	v8 =	vld [tilespmem:s9+$0x19760]  }
0x16d: {  	v9 =	vld [tilespmem:s9+$0x19770]  }
0x16e: {  	v10 =	vld [tilespmem:s9+$0x19780]  }
0x16f: {  	v11 =	vld [tilespmem:s9+$0x19790];
	vm6 =	vlt.u32 v1, $0xC380  }
0x170: {  	v12 =	vld [tilespmem:s9+$0x197A0];
	vm0 =	vlt.u32 v2, $0xC380;
	v1 =	vnsel vm6, $0x0, v1  }
0x171: {  	v13 =	vld [tilespmem:s9+$0x197B0];
	vm1 =	vlt.u32 v3, $0xC380;
	v2 =	vnsel vm0, $0x0, v2  }
0x172: {  	v14 =	vld [tilespmem:s9+$0x197C0];
	vm2 =	vlt.u32 v4, $0xC380;
	v3 =	vnsel vm1, $0x0, v3  }
0x173: {  	v15 =	vld [tilespmem:s9+$0x197D0];
	vm3 =	vlt.u32 v5, $0xC380;
	v4 =	vnsel vm2, $0x0, v4  }
0x174: {  	v16 =	vld [tilespmem:s9+$0x197E0];
	vm4 =	vlt.u32 v6, $0xC380;
	v5 =	vnsel vm3, $0x0, v5  }
0x175: {  	vm5 =	vlt.u32 v7, $0xC380;
	v6 =	vnsel vm4, $0x0, v6;
	v1 =	vld.idx.msk [tilespmem:v1+s5+$0x0], $0xffff  }
0x176: {  	vm8 =	vlt.u32 v10, $0xC380;
	v7 =	vnsel vm5, $0x0, v7;
	v2 =	vld.idx.msk [tilespmem:v2+s5+$0x0], $0xffff  }
0x177: {  	vm9 =	vlt.u32 v11, $0xC380;
	v57 =	vnsel vm8, $0x0, v10;
	v3 =	vld.idx.msk [tilespmem:v3+s5+$0x0], $0xffff  }
0x178: {  	vm10 =	vlt.u32 v12, $0xC380;
	v58 =	vnsel vm9, $0x0, v11;
	v4 =	vld.idx.msk [tilespmem:v4+s5+$0x0], $0xffff  }
0x179: {  	vm11 =	vlt.u32 v13, $0xC380;
	v59 =	vnsel vm10, $0x0, v12;
	v5 =	vld.idx.msk [tilespmem:v5+s5+$0x0], $0xffff  }
0x17a: {  	vm12 =	vlt.u32 v14, $0xC380;
	v60 =	vnsel vm11, $0x0, v13;
	v6 =	vld.idx.msk [tilespmem:v6+s5+$0x0], $0xffff  }
0x17b: {  	vm7 =	vlt.u32 v9, $0xC380;
	vm13 =	vlt.u32 v15, $0xC380;
	v61 =	vnsel vm12, $0x0, v14;
	v7 =	vld.idx.msk [tilespmem:v7+s5+$0x0], $0xffff  }
0x17c: {  	vm14 =	vlt.u32 v16, $0xC380;
	v56 =	vnsel vm7, $0x0, v9;
	v62 =	vnsel vm13, $0x0, v15;
	v9 =	vld.idx.msk [tilespmem:v57+s5+$0x0], $0xffff  }
0x17d: {  	v63 =	vnsel vm14, $0x0, v16;
	v10 =	vld.idx.msk [tilespmem:v58+s5+$0x0], $0xffff  }
0x17e: {  	v11 =	vld.idx.msk [tilespmem:v59+s5+$0x0], $0xffff  }
0x17f: {  	v12 =	vld.idx.msk [tilespmem:v60+s5+$0x0], $0xffff  }
0x180: {  	v13 =	vld.idx.msk [tilespmem:v61+s5+$0x0], $0xffff  }
0x181: {  	v14 =	vld.idx.msk [tilespmem:v62+s5+$0x0], $0xffff  }
0x182: {  	v15 =	vld.idx.msk [tilespmem:v63+s5+$0x0], $0xffff;
	v1 =	vnsel vm6, $0x0, v1  }
0x183: {  	vm6 =	vlt.u32 v8, $0xC380;
	[tilespmem:s9+$0x1D7F0] =	vst.add.f32.msk $0xffff, v1  }
0x184: {  	v2 =	vnsel vm0, $0x0, v2;
	v1 =	vnsel vm6, $0x0, v8;
	v8 =	vld.idx.msk [tilespmem:v56+s5+$0x0], $0xffff  }
0x185: {  	v3 =	vnsel vm1, $0x0, v3;
	[tilespmem:s9+$0x1D700] =	vst.add.f32.msk $0xffff, v2  }
0x186: {  	v2 =	vnsel vm2, $0x0, v4;
	[tilespmem:s9+$0x1D710] =	vst.add.f32.msk $0xffff, v3  }
0x187: {  	v3 =	vnsel vm3, $0x0, v5;
	[tilespmem:s9+$0x1D720] =	vst.add.f32.msk $0xffff, v2  }
0x188: {  	v2 =	vnsel vm4, $0x0, v6;
	[tilespmem:s9+$0x1D730] =	vst.add.f32.msk $0xffff, v3  }
0x189: {  	[tilespmem:s9+$0x1D740] =	vst.add.f32.msk $0xffff, v2  }
0x18a: {  	v3 =	vnsel vm5, $0x0, v7;
	v1 =	vld.idx.msk [tilespmem:v1+s5+$0x0], $0xffff  }
0x18b: {  	[tilespmem:s9+$0x1D750] =	vst.add.f32.msk $0xffff, v3;
	v2 =	vnsel vm7, $0x0, v8  }
0x18c: {  	[tilespmem:s9+$0x1D770] =	vst.add.f32.msk $0xffff, v2;
	v2 =	vnsel vm9, $0x0, v10  }
0x18d: {  	[tilespmem:s9+$0x1D790] =	vst.add.f32.msk $0xffff, v2;
	v2 =	vnsel vm11, $0x0, v12  }
0x18e: {  	[tilespmem:s9+$0x1D7B0] =	vst.add.f32.msk $0xffff, v2;
	v2 =	vnsel vm13, $0x0, v14  }
0x18f: {  	[tilespmem:s9+$0x1D7D0] =	vst.add.f32.msk $0xffff, v2;
	v1 =	vnsel vm6, $0x0, v1  }
0x190: {  	[tilespmem:s9+$0x1D760] =	vst.add.f32.msk $0xffff, v1;
	v1 =	vnsel vm8, $0x0, v9  }
0x191: {  	[tilespmem:s9+$0x1D780] =	vst.add.f32.msk $0xffff, v1;
	v1 =	vnsel vm10, $0x0, v11  }
0x192: {  	[tilespmem:s9+$0x1D7A0] =	vst.add.f32.msk $0xffff, v1;
	v1 =	vnsel vm12, $0x0, v13  }
0x193: {  	s18 =	simm.s32 $0x0;
	s19 =	simm.s32 $0x400;
	[tilespmem:s9+$0x1D7C0] =	vst.add.f32.msk $0xffff, v1;
	v1 =	vnsel vm14, $0x0, v15  }
.LBB2_11:
0x194: {  	s18 =	sadd.s32 $0x10, s18;
	[tilespmem:s9+$0x1D7E0] =	vst.add.f32.msk $0xffff, v1;
	s9 =	sshra.s32 s19, $0x2  }
0x195: {  	v1 =	vld [tilespmem:s9+$0x197F0];
	p2 =	slt.u32 s18, $0xF0  }
0x196: {  	v2 =	vld [tilespmem:s9+$0x19700]  }
0x197: {  	v3 =	vld [tilespmem:s9+$0x19710]  }
0x198: {  	v4 =	vld [tilespmem:s9+$0x19720]  }
0x199: {  	v5 =	vld [tilespmem:s9+$0x19730]  }
0x19a: {  	v6 =	vld [tilespmem:s9+$0x19740];
	vm11 =	vlt.u32 v1, $0xC380  }
0x19b: {  	vm0 =	vlt.u32 v2, $0xC380;
	v7 =	vld [tilespmem:s9+$0x19750];
	v1 =	vnsel vm11, $0x0, v1  }
0x19c: {  	v2 =	vnsel vm0, $0x0, v2;
	vm1 =	vlt.u32 v3, $0xC380;
	v8 =	vld [tilespmem:s9+$0x19760]  }
0x19d: {  	v3 =	vnsel vm1, $0x0, v3;
	vm2 =	vlt.u32 v4, $0xC380;
	v9 =	vld [tilespmem:s9+$0x19770]  }
0x19e: {  	v4 =	vnsel vm2, $0x0, v4;
	vm3 =	vlt.u32 v5, $0xC380;
	v10 =	vld [tilespmem:s9+$0x19780]  }
0x19f: {  	v5 =	vnsel vm3, $0x0, v5;
	vm4 =	vlt.u32 v6, $0xC380;
	v11 =	vld [tilespmem:s9+$0x19790]  }
0x1a0: {  	v6 =	vnsel vm4, $0x0, v6;
	vm5 =	vlt.u32 v7, $0xC380;
	v1 =	vld.idx.msk [tilespmem:v1+s5+$0x0], $0xffff  }
0x1a1: {  	v7 =	vnsel vm5, $0x0, v7;
	vm6 =	vlt.u32 v8, $0xC380;
	v12 =	vld [tilespmem:s9+$0x197A0]  }
0x1a2: {  	v8 =	vnsel vm6, $0x0, v8;
	vm7 =	vlt.u32 v9, $0xC380;
	v13 =	vld [tilespmem:s9+$0x197B0]  }
0x1a3: {  	v9 =	vnsel vm7, $0x0, v9;
	vm8 =	vlt.u32 v10, $0xC380;
	v14 =	vld [tilespmem:s9+$0x197C0]  }
0x1a4: {  	v10 =	vnsel vm8, $0x0, v10;
	vm9 =	vlt.u32 v11, $0xC380;
	v15 =	vld [tilespmem:s9+$0x197D0]  }
0x1a5: {  	v11 =	vnsel vm9, $0x0, v11;
	v16 =	vld [tilespmem:s9+$0x197E0]  }
0x1a6: {  	v1 =	vnsel vm11, $0x0, v1;
	v2 =	vld.idx.msk [tilespmem:v2+s5+$0x0], $0xffff;
	vm10 =	vlt.u32 v12, $0xC380  }
0x1a7: {  	v12 =	vnsel vm10, $0x0, v12;
	vm11 =	vlt.u32 v13, $0xC380;
	[tilespmem:s9+$0x1D7F0] =	vst.add.f32.msk $0xffff, v1  }
0x1a8: {  	v1 =	vld.idx.msk [tilespmem:v3+s5+$0x0], $0xffff;
	v3 =	vnsel vm11, $0x0, v13;
	vm12 =	vlt.u32 v14, $0xC380  }
0x1a9: {  	v4 =	vld.idx.msk [tilespmem:v4+s5+$0x0], $0xffff;
	v13 =	vnsel vm12, $0x0, v14;
	vm13 =	vlt.u32 v15, $0xC380  }
0x1aa: {  	v5 =	vld.idx.msk [tilespmem:v5+s5+$0x0], $0xffff;
	v14 =	vnsel vm13, $0x0, v15;
	vm14 =	vlt.u32 v16, $0xC380  }
0x1ab: {  	v6 =	vld.idx.msk [tilespmem:v6+s5+$0x0], $0xffff;
	v15 =	vnsel vm14, $0x0, v16  }
0x1ac: {  	v2 =	vnsel vm0, $0x0, v2;
	v7 =	vld.idx.msk [tilespmem:v7+s5+$0x0], $0xffff  }
0x1ad: {  	v8 =	vld.idx.msk [tilespmem:v8+s5+$0x0], $0xffff  }
0x1ae: {  	v1 =	vnsel vm1, $0x0, v1;
	v9 =	vld.idx.msk [tilespmem:v9+s5+$0x0], $0xffff  }
0x1af: {  	v4 =	vnsel vm2, $0x0, v4;
	v10 =	vld.idx.msk [tilespmem:v10+s5+$0x0], $0xffff  }
0x1b0: {  	v5 =	vnsel vm3, $0x0, v5;
	v11 =	vld.idx.msk [tilespmem:v11+s5+$0x0], $0xffff  }
0x1b1: {  	v6 =	vnsel vm4, $0x0, v6;
	v12 =	vld.idx.msk [tilespmem:v12+s5+$0x0], $0xffff  }
0x1b2: {  	v7 =	vnsel vm5, $0x0, v7;
	v3 =	vld.idx.msk [tilespmem:v3+s5+$0x0], $0xffff  }
0x1b3: {  	v8 =	vnsel vm6, $0x0, v8;
	v13 =	vld.idx.msk [tilespmem:v13+s5+$0x0], $0xffff  }
0x1b4: {  	v9 =	vnsel vm7, $0x0, v9;
	v14 =	vld.idx.msk [tilespmem:v14+s5+$0x0], $0xffff  }
0x1b5: {  	v10 =	vnsel vm8, $0x0, v10;
	v15 =	vld.idx.msk [tilespmem:v15+s5+$0x0], $0xffff  }
0x1b6: {  	[tilespmem:s9+$0x1D700] =	vst.add.f32.msk $0xffff, v2;
	v2 =	vnsel vm9, $0x0, v11  }
0x1b7: {  	v11 =	vnsel vm10, $0x0, v12;
	[tilespmem:s9+$0x1D710] =	vst.add.f32.msk $0xffff, v1  }
0x1b8: {  	v3 =	vnsel vm11, $0x0, v3;
	[tilespmem:s9+$0x1D720] =	vst.add.f32.msk $0xffff, v4  }
0x1b9: {  	v4 =	vnsel vm12, $0x0, v13;
	[tilespmem:s9+$0x1D730] =	vst.add.f32.msk $0xffff, v5  }
0x1ba: {  	v5 =	vnsel vm13, $0x0, v14;
	[tilespmem:s9+$0x1D740] =	vst.add.f32.msk $0xffff, v6  }
0x1bb: {  	v1 =	vnsel vm14, $0x0, v15;
	[tilespmem:s9+$0x1D750] =	vst.add.f32.msk $0xffff, v7  }
0x1bc: {  	[tilespmem:s9+$0x1D760] =	vst.add.f32.msk $0xffff, v8  }
0x1bd: {  	[tilespmem:s9+$0x1D770] =	vst.add.f32.msk $0xffff, v9  }
0x1be: {  	[tilespmem:s9+$0x1D780] =	vst.add.f32.msk $0xffff, v10  }
.Ltmp4:
0x1bf: {  	[tilespmem:s9+$0x1D790] =	vst.add.f32.msk $0xffff, v2;
	(pc) =	sbr.rel @p2 .LBB2_11-.Ltmp4, $4  }
0x1c0: {  	[tilespmem:s9+$0x1D7A0] =	vst.add.f32.msk $0xffff, v11  }
0x1c1: {  	[tilespmem:s9+$0x1D7B0] =	vst.add.f32.msk $0xffff, v3  }
0x1c2: {  	[tilespmem:s9+$0x1D7C0] =	vst.add.f32.msk $0xffff, v4  }
0x1c3: {  	s19 =	sadd.s32 $0x400, s19;
	[tilespmem:s9+$0x1D7D0] =	vst.add.f32.msk $0xffff, v5  }
0x1c4: {  	s0 =	rddreg [dreg:$0xa]  }
0x1c5: {  	s31 =	sadd.s32 s31, s0  }
0x1c6: {  	s18 =	sor.u32 s14, s31  }
0x1c7: {  	s18 =	sshrl.u32 s18, $0x3  }
0x1c8: {  	[tilespmem:s9+$0x1D7E0] =	vst.add.f32.msk $0xffff, v1;
	s19 =	simm.s32 $0x0;
	s18 =	sadd.s32 s1, s18  }
0x1c9: {  	[tilespmem:s19], [sflag:$0x1] =	stream.strided.gather [hbm4b:s18+s21], $0xC380, s22, s21, $0x38;
	[tilespmem:$0x1EF00] =	vst v63  }
0x1ca: {  	_ =	swait.ge [sflag:s30], $0xC380  }
0x1cb: {  	[sflag:s30] =	ssyncset.done $0x0  }
0x1cc: {  	[sflag:s30] =	ssyncadd.s32 $0xFFFF3C80  }
0x1cd: {  	[tilespmem:s25], [sflag:$0x4] =	stream.linear.gather [spmem:s3], $0x1000, $0x38;
	[tilespmem:$0x1EF00] =	vst v63  }
0x1ce: {  	_ = 	snop  }
0x1cf: {  	[tilespmem:s26], [sflag:$0x5] =	stream.linear.gather [spmem:s11], $0x1000, $0x38;
	[tilespmem:$0x1EF00] =	vst v63  }
0x1d0: {  	_ =	swait.ge [sflag:s28], $0x1000  }
0x1d1: {  	[sflag:s28] =	ssyncset.done $0x0  }
0x1d2: {  	s9 =	simm.s32 $0x0;
	[sflag:s28] =	ssyncadd.s32 $0xFFFFF000  }
0x1d3: {  	v1 =	vld [tilespmem:s9+$0x187F0]  }
0x1d4: {  	v2 =	vld [tilespmem:s9+$0x18700]  }
0x1d5: {  	v3 =	vld [tilespmem:s9+$0x18710]  }
0x1d6: {  	v4 =	vld [tilespmem:s9+$0x18720]  }
0x1d7: {  	v5 =	vld [tilespmem:s9+$0x18730]  }
0x1d8: {  	v6 =	vld [tilespmem:s9+$0x18740]  }
0x1d9: {  	v7 =	vld [tilespmem:s9+$0x18750]  }
0x1da: {  	v8 =	vld [tilespmem:s9+$0x18760]  }
0x1db: {  	v9 =	vld [tilespmem:s9+$0x18770]  }
0x1dc: {  	v10 =	vld [tilespmem:s9+$0x18780];
	v1 =	vadd.s32 $0xFFFF3C80, v1  }
0x1dd: {  	v11 =	vld [tilespmem:s9+$0x18790];
	v2 =	vadd.s32 $0xFFFF3C80, v2;
	v3 =	vadd.s32 $0xFFFF3C80, v3;
	vm7 =	vlt.u32 v1, $0xC320  }
0x1de: {  	v12 =	vld [tilespmem:s9+$0x187A0];
	v4 =	vadd.s32 $0xFFFF3C80, v4;
	vm0 =	vlt.u32 v2, $0xC320;
	v1 =	vnsel vm7, $0x0, v1  }
0x1df: {  	v13 =	vld [tilespmem:s9+$0x187B0];
	v5 =	vadd.s32 $0xFFFF3C80, v5;
	vm1 =	vlt.u32 v3, $0xC320;
	v2 =	vnsel vm0, $0x0, v2  }
0x1e0: {  	v14 =	vld [tilespmem:s9+$0x187C0];
	v6 =	vadd.s32 $0xFFFF3C80, v6;
	vm2 =	vlt.u32 v4, $0xC320;
	v3 =	vnsel vm1, $0x0, v3  }
0x1e1: {  	v15 =	vld [tilespmem:s9+$0x187D0];
	v7 =	vadd.s32 $0xFFFF3C80, v7;
	vm3 =	vlt.u32 v5, $0xC320;
	v4 =	vnsel vm2, $0x0, v4  }
0x1e2: {  	v16 =	vld [tilespmem:s9+$0x187E0];
	v8 =	vadd.s32 $0xFFFF3C80, v8;
	vm5 =	vlt.u32 v6, $0xC320;
	v5 =	vnsel vm3, $0x0, v5  }
0x1e3: {  	v10 =	vadd.s32 $0xFFFF3C80, v10;
	vm4 =	vlt.u32 v7, $0xC320;
	v6 =	vnsel vm5, $0x0, v6;
	v1 =	vld.idx.msk [tilespmem:v1+s23+$0x0], $0xffff  }
0x1e4: {  	v58 =	vadd.s32 $0xFFFF3C80, v11;
	vm6 =	vlt.u32 v8, $0xC320;
	v7 =	vnsel vm4, $0x0, v7;
	v2 =	vld.idx.msk [tilespmem:v2+s23+$0x0], $0xffff  }
0x1e5: {  	v59 =	vadd.s32 $0xFFFF3C80, v12;
	vm8 =	vlt.u32 v10, $0xC320;
	v8 =	vnsel vm6, $0x0, v8;
	v3 =	vld.idx.msk [tilespmem:v3+s23+$0x0], $0xffff  }
0x1e6: {  	v60 =	vadd.s32 $0xFFFF3C80, v13;
	vm10 =	vlt.u32 v59, $0xC320;
	v10 =	vnsel vm8, $0x0, v10;
	v4 =	vld.idx.msk [tilespmem:v4+s23+$0x0], $0xffff  }
0x1e7: {  	v61 =	vadd.s32 $0xFFFF3C80, v14;
	vm11 =	vlt.u32 v60, $0xC320;
	v11 =	vnsel vm10, $0x0, v59;
	v5 =	vld.idx.msk [tilespmem:v5+s23+$0x0], $0xffff  }
0x1e8: {  	v62 =	vadd.s32 $0xFFFF3C80, v15;
	vm12 =	vlt.u32 v61, $0xC320;
	v12 =	vnsel vm11, $0x0, v60;
	v6 =	vld.idx.msk [tilespmem:v6+s23+$0x0], $0xffff  }
0x1e9: {  	v63 =	vadd.s32 $0xFFFF3C80, v16;
	vm13 =	vlt.u32 v62, $0xC320;
	v13 =	vnsel vm12, $0x0, v61;
	v7 =	vld.idx.msk [tilespmem:v7+s23+$0x0], $0xffff  }
0x1ea: {  	vm14 =	vlt.u32 v63, $0xC320;
	v14 =	vnsel vm13, $0x0, v62;
	v8 =	vld.idx.msk [tilespmem:v8+s23+$0x0], $0xffff  }
0x1eb: {  	v15 =	vnsel vm14, $0x0, v63;
	v10 =	vld.idx.msk [tilespmem:v10+s23+$0x0], $0xffff  }
0x1ec: {  	v11 =	vld.idx.msk [tilespmem:v11+s23+$0x0], $0xffff  }
0x1ed: {  	v12 =	vld.idx.msk [tilespmem:v12+s23+$0x0], $0xffff  }
0x1ee: {  	v13 =	vld.idx.msk [tilespmem:v13+s23+$0x0], $0xffff  }
0x1ef: {  	v14 =	vld.idx.msk [tilespmem:v14+s23+$0x0], $0xffff  }
0x1f0: {  	v15 =	vld.idx.msk [tilespmem:v15+s23+$0x0], $0xffff;
	v1 =	vnsel vm7, $0x0, v1  }
0x1f1: {  	v2 =	vnsel vm0, $0x0, v2;
	[tilespmem:s9+$0x1A7F0] =	vst.add.f32.msk $0xffff, v1  }
0x1f2: {  	v9 =	vadd.s32 $0xFFFF3C80, v9;
	v3 =	vnsel vm1, $0x0, v3;
	[tilespmem:s9+$0x1A700] =	vst.add.f32.msk $0xffff, v2  }
0x1f3: {  	vm7 =	vlt.u32 v9, $0xC320;
	v2 =	vnsel vm2, $0x0, v4;
	[tilespmem:s9+$0x1A710] =	vst.add.f32.msk $0xffff, v3  }
0x1f4: {  	vm9 =	vlt.u32 v58, $0xC320;
	v1 =	vnsel vm7, $0x0, v9;
	v3 =	vnsel vm3, $0x0, v5;
	[tilespmem:s9+$0x1A720] =	vst.add.f32.msk $0xffff, v2  }
0x1f5: {  	v9 =	vnsel vm9, $0x0, v58;
	v2 =	vnsel vm5, $0x0, v6;
	[tilespmem:s9+$0x1A730] =	vst.add.f32.msk $0xffff, v3  }
0x1f6: {  	v3 =	vnsel vm4, $0x0, v7;
	[tilespmem:s9+$0x1A740] =	vst.add.f32.msk $0xffff, v2  }
0x1f7: {  	v2 =	vnsel vm6, $0x0, v8;
	[tilespmem:s9+$0x1A750] =	vst.add.f32.msk $0xffff, v3  }
0x1f8: {  	[tilespmem:s9+$0x1A760] =	vst.add.f32.msk $0xffff, v2  }
0x1f9: {  	v1 =	vld.idx.msk [tilespmem:v1+s23+$0x0], $0xffff  }
0x1fa: {  	v3 =	vnsel vm13, $0x0, v14;
	v9 =	vld.idx.msk [tilespmem:v9+s23+$0x0], $0xffff  }
0x1fb: {  	v2 =	vnsel vm8, $0x0, v10;
	[tilespmem:s9+$0x1A7D0] =	vst.add.f32.msk $0xffff, v3  }
0x1fc: {  	[tilespmem:s9+$0x1A780] =	vst.add.f32.msk $0xffff, v2;
	v2 =	vnsel vm10, $0x0, v11  }
0x1fd: {  	[tilespmem:s9+$0x1A7A0] =	vst.add.f32.msk $0xffff, v2;
	v2 =	vnsel vm12, $0x0, v13  }
0x1fe: {  	[tilespmem:s9+$0x1A7C0] =	vst.add.f32.msk $0xffff, v2;
	v1 =	vnsel vm7, $0x0, v1  }
0x1ff: {  	[tilespmem:s9+$0x1A770] =	vst.add.f32.msk $0xffff, v1;
	v1 =	vnsel vm9, $0x0, v9  }
0x200: {  	[tilespmem:s9+$0x1A790] =	vst.add.f32.msk $0xffff, v1;
	v1 =	vnsel vm11, $0x0, v12  }
0x201: {  	s18 =	simm.s32 $0x0;
	s19 =	simm.s32 $0x400;
	[tilespmem:s9+$0x1A7B0] =	vst.add.f32.msk $0xffff, v1;
	v1 =	vnsel vm14, $0x0, v15  }
.LBB2_13:
0x202: {  	s18 =	sadd.s32 $0x10, s18;
	[tilespmem:s9+$0x1A7E0] =	vst.add.f32.msk $0xffff, v1;
	s9 =	sshra.s32 s19, $0x2  }
0x203: {  	v1 =	vld [tilespmem:s9+$0x187F0];
	p2 =	slt.u32 s18, $0xF0  }
0x204: {  	v2 =	vld [tilespmem:s9+$0x18700]  }
0x205: {  	v3 =	vld [tilespmem:s9+$0x18710]  }
0x206: {  	v4 =	vld [tilespmem:s9+$0x18720]  }
0x207: {  	v5 =	vld [tilespmem:s9+$0x18730]  }
0x208: {  	v6 =	vld [tilespmem:s9+$0x18740];
	v1 =	vadd.s32 $0xFFFF3C80, v1  }
0x209: {  	v2 =	vadd.s32 $0xFFFF3C80, v2;
	v7 =	vld [tilespmem:s9+$0x18750];
	vm11 =	vlt.u32 v1, $0xC320  }
0x20a: {  	vm0 =	vlt.u32 v2, $0xC320;
	v3 =	vadd.s32 $0xFFFF3C80, v3;
	v8 =	vld [tilespmem:s9+$0x18760];
	v1 =	vnsel vm11, $0x0, v1  }
0x20b: {  	v2 =	vnsel vm0, $0x0, v2;
	vm1 =	vlt.u32 v3, $0xC320;
	v4 =	vadd.s32 $0xFFFF3C80, v4;
	v9 =	vld [tilespmem:s9+$0x18770]  }
0x20c: {  	v3 =	vnsel vm1, $0x0, v3;
	vm2 =	vlt.u32 v4, $0xC320;
	v5 =	vadd.s32 $0xFFFF3C80, v5;
	v10 =	vld [tilespmem:s9+$0x18780]  }
0x20d: {  	v4 =	vnsel vm2, $0x0, v4;
	vm3 =	vlt.u32 v5, $0xC320;
	v6 =	vadd.s32 $0xFFFF3C80, v6;
	v11 =	vld [tilespmem:s9+$0x18790]  }
0x20e: {  	v5 =	vnsel vm3, $0x0, v5;
	vm4 =	vlt.u32 v6, $0xC320;
	v7 =	vadd.s32 $0xFFFF3C80, v7;
	v12 =	vld [tilespmem:s9+$0x187A0]  }
0x20f: {  	v6 =	vnsel vm4, $0x0, v6;
	vm5 =	vlt.u32 v7, $0xC320;
	v8 =	vadd.s32 $0xFFFF3C80, v8;
	v1 =	vld.idx.msk [tilespmem:v1+s23+$0x0], $0xffff  }
0x210: {  	v7 =	vnsel vm5, $0x0, v7;
	vm6 =	vlt.u32 v8, $0xC320;
	v9 =	vadd.s32 $0xFFFF3C80, v9;
	v13 =	vld [tilespmem:s9+$0x187B0]  }
0x211: {  	v8 =	vnsel vm6, $0x0, v8;
	vm7 =	vlt.u32 v9, $0xC320;
	v10 =	vadd.s32 $0xFFFF3C80, v10;
	v14 =	vld [tilespmem:s9+$0x187C0]  }
0x212: {  	v9 =	vnsel vm7, $0x0, v9;
	vm8 =	vlt.u32 v10, $0xC320;
	v11 =	vadd.s32 $0xFFFF3C80, v11;
	v15 =	vld [tilespmem:s9+$0x187D0]  }
0x213: {  	v10 =	vnsel vm8, $0x0, v10;
	vm9 =	vlt.u32 v11, $0xC320;
	v12 =	vadd.s32 $0xFFFF3C80, v12;
	v16 =	vld [tilespmem:s9+$0x187E0]  }
0x214: {  	v2 =	vld.idx.msk [tilespmem:v2+s23+$0x0], $0xffff;
	v11 =	vnsel vm9, $0x0, v11;
	vm10 =	vlt.u32 v12, $0xC320  }
0x215: {  	v1 =	vnsel vm11, $0x0, v1;
	v3 =	vld.idx.msk [tilespmem:v3+s23+$0x0], $0xffff;
	v12 =	vnsel vm10, $0x0, v12;
	v13 =	vadd.s32 $0xFFFF3C80, v13  }
0x216: {  	vm11 =	vlt.u32 v13, $0xC320;
	v14 =	vadd.s32 $0xFFFF3C80, v14;
	[tilespmem:s9+$0x1A7F0] =	vst.add.f32.msk $0xffff, v1  }
0x217: {  	v1 =	vld.idx.msk [tilespmem:v4+s23+$0x0], $0xffff;
	v4 =	vnsel vm11, $0x0, v13;
	vm12 =	vlt.u32 v14, $0xC320;
	v13 =	vadd.s32 $0xFFFF3C80, v15  }
0x218: {  	v5 =	vld.idx.msk [tilespmem:v5+s23+$0x0], $0xffff;
	v14 =	vnsel vm12, $0x0, v14;
	vm13 =	vlt.u32 v13, $0xC320;
	v15 =	vadd.s32 $0xFFFF3C80, v16  }
0x219: {  	v6 =	vld.idx.msk [tilespmem:v6+s23+$0x0], $0xffff;
	v13 =	vnsel vm13, $0x0, v13;
	vm14 =	vlt.u32 v15, $0xC320  }
0x21a: {  	v2 =	vnsel vm0, $0x0, v2;
	v7 =	vld.idx.msk [tilespmem:v7+s23+$0x0], $0xffff;
	v15 =	vnsel vm14, $0x0, v15  }
0x21b: {  	v3 =	vnsel vm1, $0x0, v3;
	v8 =	vld.idx.msk [tilespmem:v8+s23+$0x0], $0xffff  }
0x21c: {  	v9 =	vld.idx.msk [tilespmem:v9+s23+$0x0], $0xffff  }
0x21d: {  	v1 =	vnsel vm2, $0x0, v1;
	v10 =	vld.idx.msk [tilespmem:v10+s23+$0x0], $0xffff  }
0x21e: {  	v5 =	vnsel vm3, $0x0, v5;
	v11 =	vld.idx.msk [tilespmem:v11+s23+$0x0], $0xffff  }
0x21f: {  	v6 =	vnsel vm4, $0x0, v6;
	v12 =	vld.idx.msk [tilespmem:v12+s23+$0x0], $0xffff  }
0x220: {  	v7 =	vnsel vm5, $0x0, v7;
	v4 =	vld.idx.msk [tilespmem:v4+s23+$0x0], $0xffff  }
0x221: {  	v8 =	vnsel vm6, $0x0, v8;
	v14 =	vld.idx.msk [tilespmem:v14+s23+$0x0], $0xffff  }
0x222: {  	v9 =	vnsel vm7, $0x0, v9;
	v13 =	vld.idx.msk [tilespmem:v13+s23+$0x0], $0xffff  }
0x223: {  	v10 =	vnsel vm8, $0x0, v10;
	v15 =	vld.idx.msk [tilespmem:v15+s23+$0x0], $0xffff  }
0x224: {  	[tilespmem:s9+$0x1A700] =	vst.add.f32.msk $0xffff, v2;
	v2 =	vnsel vm9, $0x0, v11  }
0x225: {  	[tilespmem:s9+$0x1A710] =	vst.add.f32.msk $0xffff, v3;
	v3 =	vnsel vm10, $0x0, v12  }
0x226: {  	v4 =	vnsel vm11, $0x0, v4;
	[tilespmem:s9+$0x1A720] =	vst.add.f32.msk $0xffff, v1  }
0x227: {  	[tilespmem:s9+$0x1A730] =	vst.add.f32.msk $0xffff, v5;
	v5 =	vnsel vm12, $0x0, v14  }
0x228: {  	[tilespmem:s9+$0x1A740] =	vst.add.f32.msk $0xffff, v6;
	v6 =	vnsel vm13, $0x0, v13  }
0x229: {  	v1 =	vnsel vm14, $0x0, v15;
	[tilespmem:s9+$0x1A750] =	vst.add.f32.msk $0xffff, v7  }
0x22a: {  	[tilespmem:s9+$0x1A760] =	vst.add.f32.msk $0xffff, v8  }
0x22b: {  	[tilespmem:s9+$0x1A770] =	vst.add.f32.msk $0xffff, v9  }
0x22c: {  	[tilespmem:s9+$0x1A780] =	vst.add.f32.msk $0xffff, v10  }
.Ltmp5:
0x22d: {  	[tilespmem:s9+$0x1A790] =	vst.add.f32.msk $0xffff, v2;
	(pc) =	sbr.rel @p2 .LBB2_13-.Ltmp5, $4  }
0x22e: {  	[tilespmem:s9+$0x1A7A0] =	vst.add.f32.msk $0xffff, v3  }
0x22f: {  	[tilespmem:s9+$0x1A7B0] =	vst.add.f32.msk $0xffff, v4  }
0x230: {  	[tilespmem:s9+$0x1A7C0] =	vst.add.f32.msk $0xffff, v5  }
0x231: {  	s19 =	sadd.s32 $0x400, s19;
	[tilespmem:s9+$0x1A7D0] =	vst.add.f32.msk $0xffff, v6  }
0x232: {  	[tilespmem:s9+$0x1A7E0] =	vst.add.f32.msk $0xffff, v1  }
0x233: {  	[tilespmem:s25], [sflag:$0x4] =	stream.linear.gather [spmem:s12], $0x1000, $0x38;
	[tilespmem:$0x1EF00] =	vst v63  }
0x234: {  	_ =	swait.ge [sflag:s29], $0x1000  }
0x235: {  	[sflag:s29] =	ssyncset.done $0x0  }
0x236: {  	s9 =	simm.s32 $0x0;
	[sflag:s29] =	ssyncadd.s32 $0xFFFFF000  }
0x237: {  	v1 =	vld [tilespmem:s9+$0x197F0]  }
0x238: {  	v2 =	vld [tilespmem:s9+$0x19700]  }
0x239: {  	v3 =	vld [tilespmem:s9+$0x19710]  }
0x23a: {  	v4 =	vld [tilespmem:s9+$0x19720]  }
0x23b: {  	v5 =	vld [tilespmem:s9+$0x19730]  }
0x23c: {  	v6 =	vld [tilespmem:s9+$0x19740]  }
0x23d: {  	v7 =	vld [tilespmem:s9+$0x19750]  }
0x23e: {  	v8 =	vld [tilespmem:s9+$0x19760]  }
0x23f: {  	v9 =	vld [tilespmem:s9+$0x19770]  }
0x240: {  	v10 =	vld [tilespmem:s9+$0x19780];
	v1 =	vadd.s32 $0xFFFF3C80, v1  }
0x241: {  	v11 =	vld [tilespmem:s9+$0x19790];
	v2 =	vadd.s32 $0xFFFF3C80, v2;
	v3 =	vadd.s32 $0xFFFF3C80, v3;
	vm7 =	vlt.u32 v1, $0xC320  }
0x242: {  	v12 =	vld [tilespmem:s9+$0x197A0];
	v4 =	vadd.s32 $0xFFFF3C80, v4;
	vm0 =	vlt.u32 v2, $0xC320;
	v1 =	vnsel vm7, $0x0, v1  }
0x243: {  	v13 =	vld [tilespmem:s9+$0x197B0];
	v5 =	vadd.s32 $0xFFFF3C80, v5;
	vm1 =	vlt.u32 v3, $0xC320;
	v2 =	vnsel vm0, $0x0, v2  }
0x244: {  	v14 =	vld [tilespmem:s9+$0x197C0];
	v6 =	vadd.s32 $0xFFFF3C80, v6;
	vm2 =	vlt.u32 v4, $0xC320;
	v3 =	vnsel vm1, $0x0, v3  }
0x245: {  	v15 =	vld [tilespmem:s9+$0x197D0];
	v7 =	vadd.s32 $0xFFFF3C80, v7;
	vm3 =	vlt.u32 v5, $0xC320;
	v4 =	vnsel vm2, $0x0, v4  }
0x246: {  	v16 =	vld [tilespmem:s9+$0x197E0];
	v8 =	vadd.s32 $0xFFFF3C80, v8;
	vm5 =	vlt.u32 v6, $0xC320;
	v5 =	vnsel vm3, $0x0, v5  }
0x247: {  	v10 =	vadd.s32 $0xFFFF3C80, v10;
	vm4 =	vlt.u32 v7, $0xC320;
	v6 =	vnsel vm5, $0x0, v6;
	v1 =	vld.idx.msk [tilespmem:v1+s23+$0x0], $0xffff  }
0x248: {  	v58 =	vadd.s32 $0xFFFF3C80, v11;
	vm6 =	vlt.u32 v8, $0xC320;
	v7 =	vnsel vm4, $0x0, v7;
	v2 =	vld.idx.msk [tilespmem:v2+s23+$0x0], $0xffff  }
0x249: {  	v59 =	vadd.s32 $0xFFFF3C80, v12;
	vm8 =	vlt.u32 v10, $0xC320;
	v8 =	vnsel vm6, $0x0, v8;
	v3 =	vld.idx.msk [tilespmem:v3+s23+$0x0], $0xffff  }
0x24a: {  	v60 =	vadd.s32 $0xFFFF3C80, v13;
	vm10 =	vlt.u32 v59, $0xC320;
	v10 =	vnsel vm8, $0x0, v10;
	v4 =	vld.idx.msk [tilespmem:v4+s23+$0x0], $0xffff  }
0x24b: {  	v61 =	vadd.s32 $0xFFFF3C80, v14;
	vm11 =	vlt.u32 v60, $0xC320;
	v11 =	vnsel vm10, $0x0, v59;
	v5 =	vld.idx.msk [tilespmem:v5+s23+$0x0], $0xffff  }
0x24c: {  	v62 =	vadd.s32 $0xFFFF3C80, v15;
	vm12 =	vlt.u32 v61, $0xC320;
	v12 =	vnsel vm11, $0x0, v60;
	v6 =	vld.idx.msk [tilespmem:v6+s23+$0x0], $0xffff  }
0x24d: {  	v63 =	vadd.s32 $0xFFFF3C80, v16;
	vm13 =	vlt.u32 v62, $0xC320;
	v13 =	vnsel vm12, $0x0, v61;
	v7 =	vld.idx.msk [tilespmem:v7+s23+$0x0], $0xffff  }
0x24e: {  	vm14 =	vlt.u32 v63, $0xC320;
	v14 =	vnsel vm13, $0x0, v62;
	v8 =	vld.idx.msk [tilespmem:v8+s23+$0x0], $0xffff  }
0x24f: {  	v15 =	vnsel vm14, $0x0, v63;
	v10 =	vld.idx.msk [tilespmem:v10+s23+$0x0], $0xffff  }
0x250: {  	v11 =	vld.idx.msk [tilespmem:v11+s23+$0x0], $0xffff  }
0x251: {  	v12 =	vld.idx.msk [tilespmem:v12+s23+$0x0], $0xffff  }
0x252: {  	v13 =	vld.idx.msk [tilespmem:v13+s23+$0x0], $0xffff  }
0x253: {  	v14 =	vld.idx.msk [tilespmem:v14+s23+$0x0], $0xffff  }
0x254: {  	v15 =	vld.idx.msk [tilespmem:v15+s23+$0x0], $0xffff;
	v1 =	vnsel vm7, $0x0, v1  }
0x255: {  	v2 =	vnsel vm0, $0x0, v2;
	[tilespmem:s9+$0x1B7F0] =	vst.add.f32.msk $0xffff, v1  }
0x256: {  	v9 =	vadd.s32 $0xFFFF3C80, v9;
	v3 =	vnsel vm1, $0x0, v3;
	[tilespmem:s9+$0x1B700] =	vst.add.f32.msk $0xffff, v2  }
0x257: {  	vm7 =	vlt.u32 v9, $0xC320;
	v2 =	vnsel vm2, $0x0, v4;
	[tilespmem:s9+$0x1B710] =	vst.add.f32.msk $0xffff, v3  }
0x258: {  	vm9 =	vlt.u32 v58, $0xC320;
	v1 =	vnsel vm7, $0x0, v9;
	v3 =	vnsel vm3, $0x0, v5;
	[tilespmem:s9+$0x1B720] =	vst.add.f32.msk $0xffff, v2  }
0x259: {  	v9 =	vnsel vm9, $0x0, v58;
	v2 =	vnsel vm5, $0x0, v6;
	[tilespmem:s9+$0x1B730] =	vst.add.f32.msk $0xffff, v3  }
0x25a: {  	v3 =	vnsel vm4, $0x0, v7;
	[tilespmem:s9+$0x1B740] =	vst.add.f32.msk $0xffff, v2  }
0x25b: {  	v2 =	vnsel vm6, $0x0, v8;
	[tilespmem:s9+$0x1B750] =	vst.add.f32.msk $0xffff, v3  }
0x25c: {  	[tilespmem:s9+$0x1B760] =	vst.add.f32.msk $0xffff, v2  }
0x25d: {  	v1 =	vld.idx.msk [tilespmem:v1+s23+$0x0], $0xffff  }
0x25e: {  	v3 =	vnsel vm13, $0x0, v14;
	v9 =	vld.idx.msk [tilespmem:v9+s23+$0x0], $0xffff  }
0x25f: {  	v2 =	vnsel vm8, $0x0, v10;
	[tilespmem:s9+$0x1B7D0] =	vst.add.f32.msk $0xffff, v3  }
0x260: {  	[tilespmem:s9+$0x1B780] =	vst.add.f32.msk $0xffff, v2;
	v2 =	vnsel vm10, $0x0, v11  }
0x261: {  	[tilespmem:s9+$0x1B7A0] =	vst.add.f32.msk $0xffff, v2;
	v2 =	vnsel vm12, $0x0, v13  }
0x262: {  	[tilespmem:s9+$0x1B7C0] =	vst.add.f32.msk $0xffff, v2;
	v1 =	vnsel vm7, $0x0, v1  }
0x263: {  	[tilespmem:s9+$0x1B770] =	vst.add.f32.msk $0xffff, v1;
	v1 =	vnsel vm9, $0x0, v9  }
0x264: {  	[tilespmem:s9+$0x1B790] =	vst.add.f32.msk $0xffff, v1;
	v1 =	vnsel vm11, $0x0, v12  }
0x265: {  	s18 =	simm.s32 $0x0;
	s19 =	simm.s32 $0x400;
	[tilespmem:s9+$0x1B7B0] =	vst.add.f32.msk $0xffff, v1;
	v1 =	vnsel vm14, $0x0, v15  }
.LBB2_15:
0x266: {  	s18 =	sadd.s32 $0x10, s18;
	[tilespmem:s9+$0x1B7E0] =	vst.add.f32.msk $0xffff, v1;
	s9 =	sshra.s32 s19, $0x2  }
0x267: {  	v1 =	vld [tilespmem:s9+$0x197F0];
	p2 =	slt.u32 s18, $0xF0  }
0x268: {  	v2 =	vld [tilespmem:s9+$0x19700]  }
0x269: {  	v3 =	vld [tilespmem:s9+$0x19710]  }
0x26a: {  	v4 =	vld [tilespmem:s9+$0x19720]  }
0x26b: {  	v5 =	vld [tilespmem:s9+$0x19730]  }
0x26c: {  	v6 =	vld [tilespmem:s9+$0x19740];
	v1 =	vadd.s32 $0xFFFF3C80, v1  }
0x26d: {  	v2 =	vadd.s32 $0xFFFF3C80, v2;
	v7 =	vld [tilespmem:s9+$0x19750];
	vm11 =	vlt.u32 v1, $0xC320  }
0x26e: {  	vm0 =	vlt.u32 v2, $0xC320;
	v3 =	vadd.s32 $0xFFFF3C80, v3;
	v8 =	vld [tilespmem:s9+$0x19760];
	v1 =	vnsel vm11, $0x0, v1  }
0x26f: {  	v2 =	vnsel vm0, $0x0, v2;
	vm1 =	vlt.u32 v3, $0xC320;
	v4 =	vadd.s32 $0xFFFF3C80, v4;
	v9 =	vld [tilespmem:s9+$0x19770]  }
0x270: {  	v3 =	vnsel vm1, $0x0, v3;
	vm2 =	vlt.u32 v4, $0xC320;
	v5 =	vadd.s32 $0xFFFF3C80, v5;
	v10 =	vld [tilespmem:s9+$0x19780]  }
0x271: {  	v4 =	vnsel vm2, $0x0, v4;
	vm3 =	vlt.u32 v5, $0xC320;
	v6 =	vadd.s32 $0xFFFF3C80, v6;
	v11 =	vld [tilespmem:s9+$0x19790]  }
0x272: {  	v5 =	vnsel vm3, $0x0, v5;
	vm4 =	vlt.u32 v6, $0xC320;
	v7 =	vadd.s32 $0xFFFF3C80, v7;
	v12 =	vld [tilespmem:s9+$0x197A0]  }
0x273: {  	v6 =	vnsel vm4, $0x0, v6;
	vm5 =	vlt.u32 v7, $0xC320;
	v8 =	vadd.s32 $0xFFFF3C80, v8;
	v1 =	vld.idx.msk [tilespmem:v1+s23+$0x0], $0xffff  }
0x274: {  	v7 =	vnsel vm5, $0x0, v7;
	vm6 =	vlt.u32 v8, $0xC320;
	v9 =	vadd.s32 $0xFFFF3C80, v9;
	v13 =	vld [tilespmem:s9+$0x197B0]  }
0x275: {  	v8 =	vnsel vm6, $0x0, v8;
	vm7 =	vlt.u32 v9, $0xC320;
	v10 =	vadd.s32 $0xFFFF3C80, v10;
	v14 =	vld [tilespmem:s9+$0x197C0]  }
0x276: {  	v9 =	vnsel vm7, $0x0, v9;
	vm8 =	vlt.u32 v10, $0xC320;
	v11 =	vadd.s32 $0xFFFF3C80, v11;
	v15 =	vld [tilespmem:s9+$0x197D0]  }
0x277: {  	v10 =	vnsel vm8, $0x0, v10;
	vm9 =	vlt.u32 v11, $0xC320;
	v12 =	vadd.s32 $0xFFFF3C80, v12;
	v16 =	vld [tilespmem:s9+$0x197E0]  }
0x278: {  	v2 =	vld.idx.msk [tilespmem:v2+s23+$0x0], $0xffff;
	v11 =	vnsel vm9, $0x0, v11;
	vm10 =	vlt.u32 v12, $0xC320  }
0x279: {  	v1 =	vnsel vm11, $0x0, v1;
	v3 =	vld.idx.msk [tilespmem:v3+s23+$0x0], $0xffff;
	v12 =	vnsel vm10, $0x0, v12;
	v13 =	vadd.s32 $0xFFFF3C80, v13  }
0x27a: {  	vm11 =	vlt.u32 v13, $0xC320;
	v14 =	vadd.s32 $0xFFFF3C80, v14;
	[tilespmem:s9+$0x1B7F0] =	vst.add.f32.msk $0xffff, v1  }
0x27b: {  	v1 =	vld.idx.msk [tilespmem:v4+s23+$0x0], $0xffff;
	v4 =	vnsel vm11, $0x0, v13;
	vm12 =	vlt.u32 v14, $0xC320;
	v13 =	vadd.s32 $0xFFFF3C80, v15  }
0x27c: {  	v5 =	vld.idx.msk [tilespmem:v5+s23+$0x0], $0xffff;
	v14 =	vnsel vm12, $0x0, v14;
	vm13 =	vlt.u32 v13, $0xC320;
	v15 =	vadd.s32 $0xFFFF3C80, v16  }
0x27d: {  	v6 =	vld.idx.msk [tilespmem:v6+s23+$0x0], $0xffff;
	v13 =	vnsel vm13, $0x0, v13;
	vm14 =	vlt.u32 v15, $0xC320  }
0x27e: {  	v2 =	vnsel vm0, $0x0, v2;
	v7 =	vld.idx.msk [tilespmem:v7+s23+$0x0], $0xffff;
	v15 =	vnsel vm14, $0x0, v15  }
0x27f: {  	v3 =	vnsel vm1, $0x0, v3;
	v8 =	vld.idx.msk [tilespmem:v8+s23+$0x0], $0xffff  }
0x280: {  	v9 =	vld.idx.msk [tilespmem:v9+s23+$0x0], $0xffff  }
0x281: {  	v1 =	vnsel vm2, $0x0, v1;
	v10 =	vld.idx.msk [tilespmem:v10+s23+$0x0], $0xffff  }
0x282: {  	v5 =	vnsel vm3, $0x0, v5;
	v11 =	vld.idx.msk [tilespmem:v11+s23+$0x0], $0xffff  }
0x283: {  	v6 =	vnsel vm4, $0x0, v6;
	v12 =	vld.idx.msk [tilespmem:v12+s23+$0x0], $0xffff  }
0x284: {  	v7 =	vnsel vm5, $0x0, v7;
	v4 =	vld.idx.msk [tilespmem:v4+s23+$0x0], $0xffff  }
0x285: {  	v8 =	vnsel vm6, $0x0, v8;
	v14 =	vld.idx.msk [tilespmem:v14+s23+$0x0], $0xffff  }
0x286: {  	v9 =	vnsel vm7, $0x0, v9;
	v13 =	vld.idx.msk [tilespmem:v13+s23+$0x0], $0xffff  }
0x287: {  	v10 =	vnsel vm8, $0x0, v10;
	v15 =	vld.idx.msk [tilespmem:v15+s23+$0x0], $0xffff  }
0x288: {  	[tilespmem:s9+$0x1B700] =	vst.add.f32.msk $0xffff, v2;
	v2 =	vnsel vm9, $0x0, v11  }
0x289: {  	[tilespmem:s9+$0x1B710] =	vst.add.f32.msk $0xffff, v3;
	v3 =	vnsel vm10, $0x0, v12  }
0x28a: {  	v4 =	vnsel vm11, $0x0, v4;
	[tilespmem:s9+$0x1B720] =	vst.add.f32.msk $0xffff, v1  }
0x28b: {  	[tilespmem:s9+$0x1B730] =	vst.add.f32.msk $0xffff, v5;
	v5 =	vnsel vm12, $0x0, v14  }
0x28c: {  	[tilespmem:s9+$0x1B740] =	vst.add.f32.msk $0xffff, v6;
	v6 =	vnsel vm13, $0x0, v13  }
0x28d: {  	v1 =	vnsel vm14, $0x0, v15;
	[tilespmem:s9+$0x1B750] =	vst.add.f32.msk $0xffff, v7  }
0x28e: {  	[tilespmem:s9+$0x1B760] =	vst.add.f32.msk $0xffff, v8  }
0x28f: {  	[tilespmem:s9+$0x1B770] =	vst.add.f32.msk $0xffff, v9  }
0x290: {  	[tilespmem:s9+$0x1B780] =	vst.add.f32.msk $0xffff, v10  }
.Ltmp6:
0x291: {  	[tilespmem:s9+$0x1B790] =	vst.add.f32.msk $0xffff, v2;
	(pc) =	sbr.rel @p2 .LBB2_15-.Ltmp6, $4  }
0x292: {  	[tilespmem:s9+$0x1B7A0] =	vst.add.f32.msk $0xffff, v3  }
0x293: {  	[tilespmem:s9+$0x1B7B0] =	vst.add.f32.msk $0xffff, v4  }
0x294: {  	[tilespmem:s9+$0x1B7C0] =	vst.add.f32.msk $0xffff, v5  }
0x295: {  	s19 =	sadd.s32 $0x400, s19;
	[tilespmem:s9+$0x1B7D0] =	vst.add.f32.msk $0xffff, v6  }
0x296: {  	[tilespmem:s9+$0x1B7E0] =	vst.add.f32.msk $0xffff, v1  }
0x297: {  	[tilespmem:s26], [sflag:$0x5] =	stream.linear.gather [spmem:s13], $0x1000, $0x38;
	[tilespmem:$0x1EF00] =	vst v63  }
0x298: {  	_ =	swait.ge [sflag:s28], $0x1000  }
0x299: {  	[sflag:s28] =	ssyncset.done $0x0  }
0x29a: {  	s9 =	simm.s32 $0x0;
	[sflag:s28] =	ssyncadd.s32 $0xFFFFF000  }
0x29b: {  	v1 =	vld [tilespmem:s9+$0x187F0]  }
0x29c: {  	v2 =	vld [tilespmem:s9+$0x18700]  }
0x29d: {  	v3 =	vld [tilespmem:s9+$0x18710]  }
0x29e: {  	v4 =	vld [tilespmem:s9+$0x18720]  }
0x29f: {  	v5 =	vld [tilespmem:s9+$0x18730]  }
0x2a0: {  	v6 =	vld [tilespmem:s9+$0x18740]  }
0x2a1: {  	v7 =	vld [tilespmem:s9+$0x18750]  }
0x2a2: {  	v8 =	vld [tilespmem:s9+$0x18760]  }
0x2a3: {  	v9 =	vld [tilespmem:s9+$0x18770]  }
0x2a4: {  	v10 =	vld [tilespmem:s9+$0x18780];
	v1 =	vadd.s32 $0xFFFF3C80, v1  }
0x2a5: {  	v11 =	vld [tilespmem:s9+$0x18790];
	v2 =	vadd.s32 $0xFFFF3C80, v2;
	v3 =	vadd.s32 $0xFFFF3C80, v3;
	vm7 =	vlt.u32 v1, $0xC320  }
0x2a6: {  	v12 =	vld [tilespmem:s9+$0x187A0];
	v4 =	vadd.s32 $0xFFFF3C80, v4;
	vm0 =	vlt.u32 v2, $0xC320;
	v1 =	vnsel vm7, $0x0, v1  }
0x2a7: {  	v13 =	vld [tilespmem:s9+$0x187B0];
	v5 =	vadd.s32 $0xFFFF3C80, v5;
	vm1 =	vlt.u32 v3, $0xC320;
	v2 =	vnsel vm0, $0x0, v2  }
0x2a8: {  	v14 =	vld [tilespmem:s9+$0x187C0];
	v6 =	vadd.s32 $0xFFFF3C80, v6;
	vm2 =	vlt.u32 v4, $0xC320;
	v3 =	vnsel vm1, $0x0, v3  }
0x2a9: {  	v15 =	vld [tilespmem:s9+$0x187D0];
	v7 =	vadd.s32 $0xFFFF3C80, v7;
	vm3 =	vlt.u32 v5, $0xC320;
	v4 =	vnsel vm2, $0x0, v4  }
0x2aa: {  	v16 =	vld [tilespmem:s9+$0x187E0];
	v8 =	vadd.s32 $0xFFFF3C80, v8;
	vm5 =	vlt.u32 v6, $0xC320;
	v5 =	vnsel vm3, $0x0, v5  }
0x2ab: {  	v10 =	vadd.s32 $0xFFFF3C80, v10;
	vm4 =	vlt.u32 v7, $0xC320;
	v6 =	vnsel vm5, $0x0, v6;
	v1 =	vld.idx.msk [tilespmem:v1+s23+$0x0], $0xffff  }
0x2ac: {  	v58 =	vadd.s32 $0xFFFF3C80, v11;
	vm6 =	vlt.u32 v8, $0xC320;
	v7 =	vnsel vm4, $0x0, v7;
	v2 =	vld.idx.msk [tilespmem:v2+s23+$0x0], $0xffff  }
0x2ad: {  	v59 =	vadd.s32 $0xFFFF3C80, v12;
	vm8 =	vlt.u32 v10, $0xC320;
	v8 =	vnsel vm6, $0x0, v8;
	v3 =	vld.idx.msk [tilespmem:v3+s23+$0x0], $0xffff  }
0x2ae: {  	v60 =	vadd.s32 $0xFFFF3C80, v13;
	vm10 =	vlt.u32 v59, $0xC320;
	v10 =	vnsel vm8, $0x0, v10;
	v4 =	vld.idx.msk [tilespmem:v4+s23+$0x0], $0xffff  }
0x2af: {  	v61 =	vadd.s32 $0xFFFF3C80, v14;
	vm11 =	vlt.u32 v60, $0xC320;
	v11 =	vnsel vm10, $0x0, v59;
	v5 =	vld.idx.msk [tilespmem:v5+s23+$0x0], $0xffff  }
0x2b0: {  	v62 =	vadd.s32 $0xFFFF3C80, v15;
	vm12 =	vlt.u32 v61, $0xC320;
	v12 =	vnsel vm11, $0x0, v60;
	v6 =	vld.idx.msk [tilespmem:v6+s23+$0x0], $0xffff  }
0x2b1: {  	v63 =	vadd.s32 $0xFFFF3C80, v16;
	vm13 =	vlt.u32 v62, $0xC320;
	v13 =	vnsel vm12, $0x0, v61;
	v7 =	vld.idx.msk [tilespmem:v7+s23+$0x0], $0xffff  }
0x2b2: {  	vm14 =	vlt.u32 v63, $0xC320;
	v14 =	vnsel vm13, $0x0, v62;
	v8 =	vld.idx.msk [tilespmem:v8+s23+$0x0], $0xffff  }
0x2b3: {  	v15 =	vnsel vm14, $0x0, v63;
	v10 =	vld.idx.msk [tilespmem:v10+s23+$0x0], $0xffff  }
0x2b4: {  	v11 =	vld.idx.msk [tilespmem:v11+s23+$0x0], $0xffff  }
0x2b5: {  	v12 =	vld.idx.msk [tilespmem:v12+s23+$0x0], $0xffff  }
0x2b6: {  	v13 =	vld.idx.msk [tilespmem:v13+s23+$0x0], $0xffff  }
0x2b7: {  	v14 =	vld.idx.msk [tilespmem:v14+s23+$0x0], $0xffff  }
0x2b8: {  	v15 =	vld.idx.msk [tilespmem:v15+s23+$0x0], $0xffff;
	v1 =	vnsel vm7, $0x0, v1  }
0x2b9: {  	v2 =	vnsel vm0, $0x0, v2;
	[tilespmem:s9+$0x1C7F0] =	vst.add.f32.msk $0xffff, v1  }
0x2ba: {  	v9 =	vadd.s32 $0xFFFF3C80, v9;
	v3 =	vnsel vm1, $0x0, v3;
	[tilespmem:s9+$0x1C700] =	vst.add.f32.msk $0xffff, v2  }
0x2bb: {  	vm7 =	vlt.u32 v9, $0xC320;
	v2 =	vnsel vm2, $0x0, v4;
	[tilespmem:s9+$0x1C710] =	vst.add.f32.msk $0xffff, v3  }
0x2bc: {  	vm9 =	vlt.u32 v58, $0xC320;
	v1 =	vnsel vm7, $0x0, v9;
	v3 =	vnsel vm3, $0x0, v5;
	[tilespmem:s9+$0x1C720] =	vst.add.f32.msk $0xffff, v2  }
0x2bd: {  	v9 =	vnsel vm9, $0x0, v58;
	v2 =	vnsel vm5, $0x0, v6;
	[tilespmem:s9+$0x1C730] =	vst.add.f32.msk $0xffff, v3  }
0x2be: {  	v3 =	vnsel vm4, $0x0, v7;
	[tilespmem:s9+$0x1C740] =	vst.add.f32.msk $0xffff, v2  }
0x2bf: {  	v2 =	vnsel vm6, $0x0, v8;
	[tilespmem:s9+$0x1C750] =	vst.add.f32.msk $0xffff, v3  }
0x2c0: {  	[tilespmem:s9+$0x1C760] =	vst.add.f32.msk $0xffff, v2  }
0x2c1: {  	v1 =	vld.idx.msk [tilespmem:v1+s23+$0x0], $0xffff  }
0x2c2: {  	v3 =	vnsel vm13, $0x0, v14;
	v9 =	vld.idx.msk [tilespmem:v9+s23+$0x0], $0xffff  }
0x2c3: {  	v2 =	vnsel vm8, $0x0, v10;
	[tilespmem:s9+$0x1C7D0] =	vst.add.f32.msk $0xffff, v3  }
0x2c4: {  	[tilespmem:s9+$0x1C780] =	vst.add.f32.msk $0xffff, v2;
	v2 =	vnsel vm10, $0x0, v11  }
0x2c5: {  	[tilespmem:s9+$0x1C7A0] =	vst.add.f32.msk $0xffff, v2;
	v2 =	vnsel vm12, $0x0, v13  }
0x2c6: {  	[tilespmem:s9+$0x1C7C0] =	vst.add.f32.msk $0xffff, v2;
	v1 =	vnsel vm7, $0x0, v1  }
0x2c7: {  	[tilespmem:s9+$0x1C770] =	vst.add.f32.msk $0xffff, v1;
	v1 =	vnsel vm9, $0x0, v9  }
0x2c8: {  	[tilespmem:s9+$0x1C790] =	vst.add.f32.msk $0xffff, v1;
	v1 =	vnsel vm11, $0x0, v12  }
0x2c9: {  	s18 =	simm.s32 $0x0;
	s19 =	simm.s32 $0x400;
	[tilespmem:s9+$0x1C7B0] =	vst.add.f32.msk $0xffff, v1;
	v1 =	vnsel vm14, $0x0, v15  }
.LBB2_17:
0x2ca: {  	s18 =	sadd.s32 $0x10, s18;
	[tilespmem:s9+$0x1C7E0] =	vst.add.f32.msk $0xffff, v1;
	s9 =	sshra.s32 s19, $0x2  }
0x2cb: {  	v1 =	vld [tilespmem:s9+$0x187F0];
	p2 =	slt.u32 s18, $0xF0  }
0x2cc: {  	v2 =	vld [tilespmem:s9+$0x18700]  }
0x2cd: {  	v3 =	vld [tilespmem:s9+$0x18710]  }
0x2ce: {  	v4 =	vld [tilespmem:s9+$0x18720]  }
0x2cf: {  	v5 =	vld [tilespmem:s9+$0x18730]  }
0x2d0: {  	v6 =	vld [tilespmem:s9+$0x18740];
	v1 =	vadd.s32 $0xFFFF3C80, v1  }
0x2d1: {  	v2 =	vadd.s32 $0xFFFF3C80, v2;
	v7 =	vld [tilespmem:s9+$0x18750];
	vm11 =	vlt.u32 v1, $0xC320  }
0x2d2: {  	vm0 =	vlt.u32 v2, $0xC320;
	v3 =	vadd.s32 $0xFFFF3C80, v3;
	v8 =	vld [tilespmem:s9+$0x18760];
	v1 =	vnsel vm11, $0x0, v1  }
0x2d3: {  	v2 =	vnsel vm0, $0x0, v2;
	vm1 =	vlt.u32 v3, $0xC320;
	v4 =	vadd.s32 $0xFFFF3C80, v4;
	v9 =	vld [tilespmem:s9+$0x18770]  }
0x2d4: {  	v3 =	vnsel vm1, $0x0, v3;
	vm2 =	vlt.u32 v4, $0xC320;
	v5 =	vadd.s32 $0xFFFF3C80, v5;
	v10 =	vld [tilespmem:s9+$0x18780]  }
0x2d5: {  	v4 =	vnsel vm2, $0x0, v4;
	vm3 =	vlt.u32 v5, $0xC320;
	v6 =	vadd.s32 $0xFFFF3C80, v6;
	v11 =	vld [tilespmem:s9+$0x18790]  }
0x2d6: {  	v5 =	vnsel vm3, $0x0, v5;
	vm4 =	vlt.u32 v6, $0xC320;
	v7 =	vadd.s32 $0xFFFF3C80, v7;
	v12 =	vld [tilespmem:s9+$0x187A0]  }
0x2d7: {  	v6 =	vnsel vm4, $0x0, v6;
	vm5 =	vlt.u32 v7, $0xC320;
	v8 =	vadd.s32 $0xFFFF3C80, v8;
	v1 =	vld.idx.msk [tilespmem:v1+s23+$0x0], $0xffff  }
0x2d8: {  	v7 =	vnsel vm5, $0x0, v7;
	vm6 =	vlt.u32 v8, $0xC320;
	v9 =	vadd.s32 $0xFFFF3C80, v9;
	v13 =	vld [tilespmem:s9+$0x187B0]  }
0x2d9: {  	v8 =	vnsel vm6, $0x0, v8;
	vm7 =	vlt.u32 v9, $0xC320;
	v10 =	vadd.s32 $0xFFFF3C80, v10;
	v14 =	vld [tilespmem:s9+$0x187C0]  }
0x2da: {  	v9 =	vnsel vm7, $0x0, v9;
	vm8 =	vlt.u32 v10, $0xC320;
	v11 =	vadd.s32 $0xFFFF3C80, v11;
	v15 =	vld [tilespmem:s9+$0x187D0]  }
0x2db: {  	v10 =	vnsel vm8, $0x0, v10;
	vm9 =	vlt.u32 v11, $0xC320;
	v12 =	vadd.s32 $0xFFFF3C80, v12;
	v16 =	vld [tilespmem:s9+$0x187E0]  }
0x2dc: {  	v2 =	vld.idx.msk [tilespmem:v2+s23+$0x0], $0xffff;
	v11 =	vnsel vm9, $0x0, v11;
	vm10 =	vlt.u32 v12, $0xC320  }
0x2dd: {  	v1 =	vnsel vm11, $0x0, v1;
	v3 =	vld.idx.msk [tilespmem:v3+s23+$0x0], $0xffff;
	v12 =	vnsel vm10, $0x0, v12;
	v13 =	vadd.s32 $0xFFFF3C80, v13  }
0x2de: {  	vm11 =	vlt.u32 v13, $0xC320;
	v14 =	vadd.s32 $0xFFFF3C80, v14;
	[tilespmem:s9+$0x1C7F0] =	vst.add.f32.msk $0xffff, v1  }
0x2df: {  	v1 =	vld.idx.msk [tilespmem:v4+s23+$0x0], $0xffff;
	v4 =	vnsel vm11, $0x0, v13;
	vm12 =	vlt.u32 v14, $0xC320;
	v13 =	vadd.s32 $0xFFFF3C80, v15  }
0x2e0: {  	v5 =	vld.idx.msk [tilespmem:v5+s23+$0x0], $0xffff;
	v14 =	vnsel vm12, $0x0, v14;
	vm13 =	vlt.u32 v13, $0xC320;
	v15 =	vadd.s32 $0xFFFF3C80, v16  }
0x2e1: {  	v6 =	vld.idx.msk [tilespmem:v6+s23+$0x0], $0xffff;
	v13 =	vnsel vm13, $0x0, v13;
	vm14 =	vlt.u32 v15, $0xC320  }
0x2e2: {  	v2 =	vnsel vm0, $0x0, v2;
	v7 =	vld.idx.msk [tilespmem:v7+s23+$0x0], $0xffff;
	v15 =	vnsel vm14, $0x0, v15  }
0x2e3: {  	v3 =	vnsel vm1, $0x0, v3;
	v8 =	vld.idx.msk [tilespmem:v8+s23+$0x0], $0xffff  }
0x2e4: {  	v9 =	vld.idx.msk [tilespmem:v9+s23+$0x0], $0xffff  }
0x2e5: {  	v1 =	vnsel vm2, $0x0, v1;
	v10 =	vld.idx.msk [tilespmem:v10+s23+$0x0], $0xffff  }
0x2e6: {  	v5 =	vnsel vm3, $0x0, v5;
	v11 =	vld.idx.msk [tilespmem:v11+s23+$0x0], $0xffff  }
0x2e7: {  	v6 =	vnsel vm4, $0x0, v6;
	v12 =	vld.idx.msk [tilespmem:v12+s23+$0x0], $0xffff  }
0x2e8: {  	v7 =	vnsel vm5, $0x0, v7;
	v4 =	vld.idx.msk [tilespmem:v4+s23+$0x0], $0xffff  }
0x2e9: {  	v8 =	vnsel vm6, $0x0, v8;
	v14 =	vld.idx.msk [tilespmem:v14+s23+$0x0], $0xffff  }
0x2ea: {  	v9 =	vnsel vm7, $0x0, v9;
	v13 =	vld.idx.msk [tilespmem:v13+s23+$0x0], $0xffff  }
0x2eb: {  	v10 =	vnsel vm8, $0x0, v10;
	v15 =	vld.idx.msk [tilespmem:v15+s23+$0x0], $0xffff  }
0x2ec: {  	[tilespmem:s9+$0x1C700] =	vst.add.f32.msk $0xffff, v2;
	v2 =	vnsel vm9, $0x0, v11  }
0x2ed: {  	[tilespmem:s9+$0x1C710] =	vst.add.f32.msk $0xffff, v3;
	v3 =	vnsel vm10, $0x0, v12  }
0x2ee: {  	v4 =	vnsel vm11, $0x0, v4;
	[tilespmem:s9+$0x1C720] =	vst.add.f32.msk $0xffff, v1  }
0x2ef: {  	[tilespmem:s9+$0x1C730] =	vst.add.f32.msk $0xffff, v5;
	v5 =	vnsel vm12, $0x0, v14  }
0x2f0: {  	[tilespmem:s9+$0x1C740] =	vst.add.f32.msk $0xffff, v6;
	v6 =	vnsel vm13, $0x0, v13  }
0x2f1: {  	v1 =	vnsel vm14, $0x0, v15;
	[tilespmem:s9+$0x1C750] =	vst.add.f32.msk $0xffff, v7  }
0x2f2: {  	[tilespmem:s9+$0x1C760] =	vst.add.f32.msk $0xffff, v8  }
0x2f3: {  	[tilespmem:s9+$0x1C770] =	vst.add.f32.msk $0xffff, v9  }
0x2f4: {  	[tilespmem:s9+$0x1C780] =	vst.add.f32.msk $0xffff, v10  }
.Ltmp7:
0x2f5: {  	[tilespmem:s9+$0x1C790] =	vst.add.f32.msk $0xffff, v2;
	(pc) =	sbr.rel @p2 .LBB2_17-.Ltmp7, $4  }
0x2f6: {  	[tilespmem:s9+$0x1C7A0] =	vst.add.f32.msk $0xffff, v3  }
0x2f7: {  	[tilespmem:s9+$0x1C7B0] =	vst.add.f32.msk $0xffff, v4  }
0x2f8: {  	[tilespmem:s9+$0x1C7C0] =	vst.add.f32.msk $0xffff, v5  }
0x2f9: {  	s19 =	sadd.s32 $0x400, s19;
	[tilespmem:s9+$0x1C7D0] =	vst.add.f32.msk $0xffff, v6  }
0x2fa: {  	[tilespmem:s9+$0x1C7E0] =	vst.add.f32.msk $0xffff, v1  }
0x2fb: {  	_ =	swait.ge [sflag:s29], $0x1000  }
0x2fc: {  	[sflag:s29] =	ssyncset.done $0x0  }
0x2fd: {  	s9 =	simm.s32 $0x0;
	[sflag:s29] =	ssyncadd.s32 $0xFFFFF000  }
0x2fe: {  	v1 =	vld [tilespmem:s9+$0x197F0]  }
0x2ff: {  	v2 =	vld [tilespmem:s9+$0x19700]  }
0x300: {  	v3 =	vld [tilespmem:s9+$0x19710]  }
0x301: {  	v4 =	vld [tilespmem:s9+$0x19720]  }
0x302: {  	v5 =	vld [tilespmem:s9+$0x19730]  }
0x303: {  	v6 =	vld [tilespmem:s9+$0x19740]  }
0x304: {  	v7 =	vld [tilespmem:s9+$0x19750]  }
0x305: {  	v8 =	vld [tilespmem:s9+$0x19760]  }
0x306: {  	v9 =	vld [tilespmem:s9+$0x19770]  }
0x307: {  	v10 =	vld [tilespmem:s9+$0x19780];
	v1 =	vadd.s32 $0xFFFF3C80, v1  }
0x308: {  	v11 =	vld [tilespmem:s9+$0x19790];
	v2 =	vadd.s32 $0xFFFF3C80, v2;
	v3 =	vadd.s32 $0xFFFF3C80, v3;
	vm7 =	vlt.u32 v1, $0xC320  }
0x309: {  	v12 =	vld [tilespmem:s9+$0x197A0];
	v4 =	vadd.s32 $0xFFFF3C80, v4;
	vm0 =	vlt.u32 v2, $0xC320;
	v1 =	vnsel vm7, $0x0, v1  }
0x30a: {  	v13 =	vld [tilespmem:s9+$0x197B0];
	v5 =	vadd.s32 $0xFFFF3C80, v5;
	vm1 =	vlt.u32 v3, $0xC320;
	v2 =	vnsel vm0, $0x0, v2  }
0x30b: {  	v14 =	vld [tilespmem:s9+$0x197C0];
	v6 =	vadd.s32 $0xFFFF3C80, v6;
	vm2 =	vlt.u32 v4, $0xC320;
	v3 =	vnsel vm1, $0x0, v3  }
0x30c: {  	v15 =	vld [tilespmem:s9+$0x197D0];
	v7 =	vadd.s32 $0xFFFF3C80, v7;
	vm3 =	vlt.u32 v5, $0xC320;
	v4 =	vnsel vm2, $0x0, v4  }
0x30d: {  	v16 =	vld [tilespmem:s9+$0x197E0];
	v8 =	vadd.s32 $0xFFFF3C80, v8;
	vm5 =	vlt.u32 v6, $0xC320;
	v5 =	vnsel vm3, $0x0, v5  }
0x30e: {  	v10 =	vadd.s32 $0xFFFF3C80, v10;
	vm4 =	vlt.u32 v7, $0xC320;
	v6 =	vnsel vm5, $0x0, v6;
	v1 =	vld.idx.msk [tilespmem:v1+s23+$0x0], $0xffff  }
0x30f: {  	v58 =	vadd.s32 $0xFFFF3C80, v11;
	vm6 =	vlt.u32 v8, $0xC320;
	v7 =	vnsel vm4, $0x0, v7;
	v2 =	vld.idx.msk [tilespmem:v2+s23+$0x0], $0xffff  }
0x310: {  	v59 =	vadd.s32 $0xFFFF3C80, v12;
	vm8 =	vlt.u32 v10, $0xC320;
	v8 =	vnsel vm6, $0x0, v8;
	v3 =	vld.idx.msk [tilespmem:v3+s23+$0x0], $0xffff  }
0x311: {  	v60 =	vadd.s32 $0xFFFF3C80, v13;
	vm10 =	vlt.u32 v59, $0xC320;
	v10 =	vnsel vm8, $0x0, v10;
	v4 =	vld.idx.msk [tilespmem:v4+s23+$0x0], $0xffff  }
0x312: {  	v61 =	vadd.s32 $0xFFFF3C80, v14;
	vm11 =	vlt.u32 v60, $0xC320;
	v11 =	vnsel vm10, $0x0, v59;
	v5 =	vld.idx.msk [tilespmem:v5+s23+$0x0], $0xffff  }
0x313: {  	v62 =	vadd.s32 $0xFFFF3C80, v15;
	vm12 =	vlt.u32 v61, $0xC320;
	v12 =	vnsel vm11, $0x0, v60;
	v6 =	vld.idx.msk [tilespmem:v6+s23+$0x0], $0xffff  }
0x314: {  	v63 =	vadd.s32 $0xFFFF3C80, v16;
	vm13 =	vlt.u32 v62, $0xC320;
	v13 =	vnsel vm12, $0x0, v61;
	v7 =	vld.idx.msk [tilespmem:v7+s23+$0x0], $0xffff  }
0x315: {  	vm14 =	vlt.u32 v63, $0xC320;
	v14 =	vnsel vm13, $0x0, v62;
	v8 =	vld.idx.msk [tilespmem:v8+s23+$0x0], $0xffff  }
0x316: {  	v15 =	vnsel vm14, $0x0, v63;
	v10 =	vld.idx.msk [tilespmem:v10+s23+$0x0], $0xffff  }
0x317: {  	v11 =	vld.idx.msk [tilespmem:v11+s23+$0x0], $0xffff  }
0x318: {  	v12 =	vld.idx.msk [tilespmem:v12+s23+$0x0], $0xffff  }
0x319: {  	v13 =	vld.idx.msk [tilespmem:v13+s23+$0x0], $0xffff  }
0x31a: {  	v14 =	vld.idx.msk [tilespmem:v14+s23+$0x0], $0xffff  }
0x31b: {  	v15 =	vld.idx.msk [tilespmem:v15+s23+$0x0], $0xffff;
	v1 =	vnsel vm7, $0x0, v1  }
0x31c: {  	v2 =	vnsel vm0, $0x0, v2;
	[tilespmem:s9+$0x1D7F0] =	vst.add.f32.msk $0xffff, v1  }
0x31d: {  	v9 =	vadd.s32 $0xFFFF3C80, v9;
	v3 =	vnsel vm1, $0x0, v3;
	[tilespmem:s9+$0x1D700] =	vst.add.f32.msk $0xffff, v2  }
0x31e: {  	vm7 =	vlt.u32 v9, $0xC320;
	v2 =	vnsel vm2, $0x0, v4;
	[tilespmem:s9+$0x1D710] =	vst.add.f32.msk $0xffff, v3  }
0x31f: {  	vm9 =	vlt.u32 v58, $0xC320;
	v1 =	vnsel vm7, $0x0, v9;
	v3 =	vnsel vm3, $0x0, v5;
	[tilespmem:s9+$0x1D720] =	vst.add.f32.msk $0xffff, v2  }
0x320: {  	v9 =	vnsel vm9, $0x0, v58;
	v2 =	vnsel vm5, $0x0, v6;
	[tilespmem:s9+$0x1D730] =	vst.add.f32.msk $0xffff, v3  }
0x321: {  	v3 =	vnsel vm4, $0x0, v7;
	[tilespmem:s9+$0x1D740] =	vst.add.f32.msk $0xffff, v2  }
0x322: {  	v2 =	vnsel vm6, $0x0, v8;
	[tilespmem:s9+$0x1D750] =	vst.add.f32.msk $0xffff, v3  }
0x323: {  	[tilespmem:s9+$0x1D760] =	vst.add.f32.msk $0xffff, v2  }
0x324: {  	v1 =	vld.idx.msk [tilespmem:v1+s23+$0x0], $0xffff  }
0x325: {  	v3 =	vnsel vm13, $0x0, v14;
	v9 =	vld.idx.msk [tilespmem:v9+s23+$0x0], $0xffff  }
0x326: {  	v2 =	vnsel vm8, $0x0, v10;
	[tilespmem:s9+$0x1D7D0] =	vst.add.f32.msk $0xffff, v3  }
0x327: {  	[tilespmem:s9+$0x1D780] =	vst.add.f32.msk $0xffff, v2;
	v2 =	vnsel vm10, $0x0, v11  }
0x328: {  	[tilespmem:s9+$0x1D7A0] =	vst.add.f32.msk $0xffff, v2;
	v2 =	vnsel vm12, $0x0, v13  }
0x329: {  	[tilespmem:s9+$0x1D7C0] =	vst.add.f32.msk $0xffff, v2;
	v1 =	vnsel vm7, $0x0, v1  }
0x32a: {  	[tilespmem:s9+$0x1D770] =	vst.add.f32.msk $0xffff, v1;
	v1 =	vnsel vm9, $0x0, v9  }
0x32b: {  	[tilespmem:s9+$0x1D790] =	vst.add.f32.msk $0xffff, v1;
	v1 =	vnsel vm11, $0x0, v12  }
0x32c: {  	s18 =	simm.s32 $0x0;
	s19 =	simm.s32 $0x400;
	[tilespmem:s9+$0x1D7B0] =	vst.add.f32.msk $0xffff, v1;
	v1 =	vnsel vm14, $0x0, v15  }
.LBB2_19:
0x32d: {  	s18 =	sadd.s32 $0x10, s18;
	[tilespmem:s9+$0x1D7E0] =	vst.add.f32.msk $0xffff, v1;
	s9 =	sshra.s32 s19, $0x2  }
0x32e: {  	v1 =	vld [tilespmem:s9+$0x197F0];
	p2 =	slt.u32 s18, $0xF0  }
0x32f: {  	v2 =	vld [tilespmem:s9+$0x19700]  }
0x330: {  	v3 =	vld [tilespmem:s9+$0x19710]  }
0x331: {  	v4 =	vld [tilespmem:s9+$0x19720]  }
0x332: {  	v5 =	vld [tilespmem:s9+$0x19730]  }
0x333: {  	v6 =	vld [tilespmem:s9+$0x19740];
	v1 =	vadd.s32 $0xFFFF3C80, v1  }
0x334: {  	v2 =	vadd.s32 $0xFFFF3C80, v2;
	v7 =	vld [tilespmem:s9+$0x19750];
	vm11 =	vlt.u32 v1, $0xC320  }
0x335: {  	vm0 =	vlt.u32 v2, $0xC320;
	v3 =	vadd.s32 $0xFFFF3C80, v3;
	v8 =	vld [tilespmem:s9+$0x19760];
	v1 =	vnsel vm11, $0x0, v1  }
0x336: {  	v2 =	vnsel vm0, $0x0, v2;
	vm1 =	vlt.u32 v3, $0xC320;
	v4 =	vadd.s32 $0xFFFF3C80, v4;
	v9 =	vld [tilespmem:s9+$0x19770]  }
0x337: {  	v3 =	vnsel vm1, $0x0, v3;
	vm2 =	vlt.u32 v4, $0xC320;
	v5 =	vadd.s32 $0xFFFF3C80, v5;
	v10 =	vld [tilespmem:s9+$0x19780]  }
0x338: {  	v4 =	vnsel vm2, $0x0, v4;
	vm3 =	vlt.u32 v5, $0xC320;
	v6 =	vadd.s32 $0xFFFF3C80, v6;
	v11 =	vld [tilespmem:s9+$0x19790]  }
0x339: {  	v5 =	vnsel vm3, $0x0, v5;
	vm4 =	vlt.u32 v6, $0xC320;
	v7 =	vadd.s32 $0xFFFF3C80, v7;
	v12 =	vld [tilespmem:s9+$0x197A0]  }
0x33a: {  	v6 =	vnsel vm4, $0x0, v6;
	vm5 =	vlt.u32 v7, $0xC320;
	v8 =	vadd.s32 $0xFFFF3C80, v8;
	v1 =	vld.idx.msk [tilespmem:v1+s23+$0x0], $0xffff  }
0x33b: {  	v7 =	vnsel vm5, $0x0, v7;
	vm6 =	vlt.u32 v8, $0xC320;
	v9 =	vadd.s32 $0xFFFF3C80, v9;
	v13 =	vld [tilespmem:s9+$0x197B0]  }
0x33c: {  	v8 =	vnsel vm6, $0x0, v8;
	vm7 =	vlt.u32 v9, $0xC320;
	v10 =	vadd.s32 $0xFFFF3C80, v10;
	v14 =	vld [tilespmem:s9+$0x197C0]  }
0x33d: {  	v9 =	vnsel vm7, $0x0, v9;
	vm8 =	vlt.u32 v10, $0xC320;
	v11 =	vadd.s32 $0xFFFF3C80, v11;
	v15 =	vld [tilespmem:s9+$0x197D0]  }
0x33e: {  	v10 =	vnsel vm8, $0x0, v10;
	vm9 =	vlt.u32 v11, $0xC320;
	v12 =	vadd.s32 $0xFFFF3C80, v12;
	v16 =	vld [tilespmem:s9+$0x197E0]  }
0x33f: {  	v2 =	vld.idx.msk [tilespmem:v2+s23+$0x0], $0xffff;
	v11 =	vnsel vm9, $0x0, v11;
	vm10 =	vlt.u32 v12, $0xC320  }
0x340: {  	v1 =	vnsel vm11, $0x0, v1;
	v3 =	vld.idx.msk [tilespmem:v3+s23+$0x0], $0xffff;
	v12 =	vnsel vm10, $0x0, v12;
	v13 =	vadd.s32 $0xFFFF3C80, v13  }
0x341: {  	vm11 =	vlt.u32 v13, $0xC320;
	v14 =	vadd.s32 $0xFFFF3C80, v14;
	[tilespmem:s9+$0x1D7F0] =	vst.add.f32.msk $0xffff, v1  }
0x342: {  	v1 =	vld.idx.msk [tilespmem:v4+s23+$0x0], $0xffff;
	v4 =	vnsel vm11, $0x0, v13;
	vm12 =	vlt.u32 v14, $0xC320;
	v13 =	vadd.s32 $0xFFFF3C80, v15  }
0x343: {  	v5 =	vld.idx.msk [tilespmem:v5+s23+$0x0], $0xffff;
	v14 =	vnsel vm12, $0x0, v14;
	vm13 =	vlt.u32 v13, $0xC320;
	v15 =	vadd.s32 $0xFFFF3C80, v16  }
0x344: {  	v6 =	vld.idx.msk [tilespmem:v6+s23+$0x0], $0xffff;
	v13 =	vnsel vm13, $0x0, v13;
	vm14 =	vlt.u32 v15, $0xC320  }
0x345: {  	v2 =	vnsel vm0, $0x0, v2;
	v7 =	vld.idx.msk [tilespmem:v7+s23+$0x0], $0xffff;
	v15 =	vnsel vm14, $0x0, v15  }
0x346: {  	v3 =	vnsel vm1, $0x0, v3;
	v8 =	vld.idx.msk [tilespmem:v8+s23+$0x0], $0xffff  }
0x347: {  	v9 =	vld.idx.msk [tilespmem:v9+s23+$0x0], $0xffff  }
0x348: {  	v1 =	vnsel vm2, $0x0, v1;
	v10 =	vld.idx.msk [tilespmem:v10+s23+$0x0], $0xffff  }
0x349: {  	v5 =	vnsel vm3, $0x0, v5;
	v11 =	vld.idx.msk [tilespmem:v11+s23+$0x0], $0xffff  }
0x34a: {  	v6 =	vnsel vm4, $0x0, v6;
	v12 =	vld.idx.msk [tilespmem:v12+s23+$0x0], $0xffff  }
0x34b: {  	v7 =	vnsel vm5, $0x0, v7;
	v4 =	vld.idx.msk [tilespmem:v4+s23+$0x0], $0xffff  }
0x34c: {  	v8 =	vnsel vm6, $0x0, v8;
	v14 =	vld.idx.msk [tilespmem:v14+s23+$0x0], $0xffff  }
0x34d: {  	v9 =	vnsel vm7, $0x0, v9;
	v13 =	vld.idx.msk [tilespmem:v13+s23+$0x0], $0xffff  }
0x34e: {  	v10 =	vnsel vm8, $0x0, v10;
	v15 =	vld.idx.msk [tilespmem:v15+s23+$0x0], $0xffff  }
0x34f: {  	[tilespmem:s9+$0x1D700] =	vst.add.f32.msk $0xffff, v2;
	v2 =	vnsel vm9, $0x0, v11  }
0x350: {  	[tilespmem:s9+$0x1D710] =	vst.add.f32.msk $0xffff, v3;
	v3 =	vnsel vm10, $0x0, v12  }
0x351: {  	v4 =	vnsel vm11, $0x0, v4;
	[tilespmem:s9+$0x1D720] =	vst.add.f32.msk $0xffff, v1  }
0x352: {  	[tilespmem:s9+$0x1D730] =	vst.add.f32.msk $0xffff, v5;
	v5 =	vnsel vm12, $0x0, v14  }
0x353: {  	[tilespmem:s9+$0x1D740] =	vst.add.f32.msk $0xffff, v6;
	v6 =	vnsel vm13, $0x0, v13  }
0x354: {  	v1 =	vnsel vm14, $0x0, v15;
	[tilespmem:s9+$0x1D750] =	vst.add.f32.msk $0xffff, v7  }
0x355: {  	[tilespmem:s9+$0x1D760] =	vst.add.f32.msk $0xffff, v8  }
0x356: {  	[tilespmem:s9+$0x1D770] =	vst.add.f32.msk $0xffff, v9  }
0x357: {  	[tilespmem:s9+$0x1D780] =	vst.add.f32.msk $0xffff, v10  }
.Ltmp8:
0x358: {  	[tilespmem:s9+$0x1D790] =	vst.add.f32.msk $0xffff, v2;
	(pc) =	sbr.rel @p2 .LBB2_19-.Ltmp8, $4  }
0x359: {  	[tilespmem:s9+$0x1D7A0] =	vst.add.f32.msk $0xffff, v3  }
0x35a: {  	[tilespmem:s9+$0x1D7B0] =	vst.add.f32.msk $0xffff, v4  }
0x35b: {  	[tilespmem:s9+$0x1D7C0] =	vst.add.f32.msk $0xffff, v5  }
0x35c: {  	s19 =	sadd.s32 $0x400, s19;
	[tilespmem:s9+$0x1D7D0] =	vst.add.f32.msk $0xffff, v6  }
0x35d: {  	[tilespmem:s9+$0x1D7E0] =	vst.add.f32.msk $0xffff, v1;
	s9 =	simm.s32 @p1 $0x3;
	p2 =	seq.s32 @p1 s20, $0xC  }
0x35e: {  	s18 =	sadd.s32 @p1 $0x2, s2;
	_ =	swait.ge @p1 [sflag:s9], $0x800;
	p3 =	por p2, !p1  }
0x35f: {  	s0 =	smov.u32 s6;
	[sflag:s9] =	ssyncset.done @p1 $0x0;
	s19 =	sshll.u32 @!p3 s18, $0x4  }
0x360: {  	s7 =	simm.s32 @!p3 $0x1;
	s10 =	simm.s32 @!p3 $0x80;
	s8 =	simm.s32 @!p3 $0x1C03  }
0x361: {  	[sflag:s9] =	ssyncadd.s32 @p1 $0xFFFFF800;
	s9 =	sshll.u32 @!p3 s18, $0xB;
	s19 =	sand.u32 @!p3 $0x60, s19  }
0x362: {  	[bflag:$0x0] =	sbarrier.arrive @p1 $0xFFFF;
	s9 =	sand.u32 @!p3 $0x1C000, s9;
	s19 =	sadd.s32 @!p3 s6, s19  }
0x363: {  	s6 =	simm.s32 @!p3 $0x10;
	s9 =	sadd.s32 @!p3 s9, s19;
	s19 =	sshrl.u32 @!p3 s3, $0x3  }
0x364: {  	[spmem:s19@s6], [sflag:s8] =	dma.strided @!p3 [hbm:s9@s10], $0x800, s7, $0x10   }
0x365: {  	s6 =	rddreg [dreg:$0x7]  }
0x366: {  	s6 =	sadd.s32 s6, s31  }
0x367: {  	s6 =	sshrl.u32 s6, $0x3  }
0x368: {  	[bflag:$0x0] =	sbarrier.arrive @!p1 $0xFFFF;
	s6 =	sadd.s32 s1, s6  }
0x369: {  	[tilespmem:s23], [sflag:$0x2] =	stream.strided.gather [hbm4b:s6+s21], $0xC380, s22, s21, $0x38;
	[tilespmem:$0x1EF00] =	vst v63  }
0x36a: {  	_ =	swait.ge [sflag:s24], $0xC380  }
0x36b: {  	[sflag:s24] =	ssyncset.done $0x0  }
0x36c: {  	[sflag:s24] =	ssyncadd.s32 $0xFFFF3C80  }
0x36d: {  	[tilespmem:s25], [sflag:$0x4] =	stream.linear.gather [spmem:s4], $0x1000, $0x38;
	[tilespmem:$0x1EF00] =	vst v63  }
0x36e: {  	_ = 	snop  }
0x36f: {  	[tilespmem:s26], [sflag:$0x5] =	stream.linear.gather [spmem:s15], $0x1000, $0x38;
	[tilespmem:$0x1EF00] =	vst v63  }
0x370: {  	_ =	swait.ge [sflag:s28], $0x1000  }
0x371: {  	[sflag:s28] =	ssyncset.done $0x0  }
0x372: {  	s9 =	simm.s32 $0x0;
	[sflag:s28] =	ssyncadd.s32 $0xFFFFF000  }
0x373: {  	v1 =	vld [tilespmem:s9+$0x187F0]  }
0x374: {  	v2 =	vld [tilespmem:s9+$0x18700]  }
0x375: {  	v3 =	vld [tilespmem:s9+$0x18710]  }
0x376: {  	v4 =	vld [tilespmem:s9+$0x18720]  }
0x377: {  	v5 =	vld [tilespmem:s9+$0x18730]  }
0x378: {  	v6 =	vld [tilespmem:s9+$0x18740]  }
0x379: {  	v7 =	vld [tilespmem:s9+$0x18750]  }
0x37a: {  	v8 =	vld [tilespmem:s9+$0x18760]  }
0x37b: {  	v9 =	vld [tilespmem:s9+$0x18770]  }
0x37c: {  	v10 =	vld [tilespmem:s9+$0x18780]  }
0x37d: {  	v11 =	vld [tilespmem:s9+$0x18790];
	vm4 =	vlt.u32 v1, $0xC380  }
0x37e: {  	v12 =	vld [tilespmem:s9+$0x187A0];
	vm0 =	vlt.u32 v2, $0xC380;
	v1 =	vnsel vm4, $0x0, v1  }
0x37f: {  	v13 =	vld [tilespmem:s9+$0x187B0];
	vm1 =	vlt.u32 v3, $0xC380;
	v2 =	vnsel vm0, $0x0, v2  }
0x380: {  	v14 =	vld [tilespmem:s9+$0x187C0];
	vm2 =	vlt.u32 v4, $0xC380;
	v3 =	vnsel vm1, $0x0, v3  }
0x381: {  	v15 =	vld [tilespmem:s9+$0x187D0];
	vm3 =	vlt.u32 v5, $0xC380;
	v4 =	vnsel vm2, $0x0, v4  }
0x382: {  	v16 =	vld [tilespmem:s9+$0x187E0];
	vm5 =	vlt.u32 v6, $0xC380;
	v5 =	vnsel vm3, $0x0, v5  }
0x383: {  	vm7 =	vlt.u32 v7, $0xC380;
	v6 =	vnsel vm5, $0x0, v6;
	v1 =	vld.idx.msk [tilespmem:v1+s5+$0x0], $0xffff  }
0x384: {  	vm13 =	vlt.u32 v10, $0xC380;
	v7 =	vnsel vm7, $0x0, v7;
	v2 =	vld.idx.msk [tilespmem:v2+s5+$0x0], $0xffff  }
0x385: {  	vm14 =	vlt.u32 v11, $0xC380;
	v57 =	vnsel vm13, $0x0, v10;
	v3 =	vld.idx.msk [tilespmem:v3+s5+$0x0], $0xffff  }
0x386: {  	vm11 =	vlt.u32 v12, $0xC380;
	v58 =	vnsel vm14, $0x0, v11;
	v4 =	vld.idx.msk [tilespmem:v4+s5+$0x0], $0xffff  }
0x387: {  	vm12 =	vlt.u32 v13, $0xC380;
	v59 =	vnsel vm11, $0x0, v12;
	v5 =	vld.idx.msk [tilespmem:v5+s5+$0x0], $0xffff  }
0x388: {  	vm8 =	vlt.u32 v14, $0xC380;
	v60 =	vnsel vm12, $0x0, v13;
	v6 =	vld.idx.msk [tilespmem:v6+s5+$0x0], $0xffff  }
0x389: {  	vm10 =	vlt.u32 v9, $0xC380;
	vm6 =	vlt.u32 v15, $0xC380;
	v61 =	vnsel vm8, $0x0, v14;
	v7 =	vld.idx.msk [tilespmem:v7+s5+$0x0], $0xffff  }
0x38a: {  	vm15 =	vlt.u32 v16, $0xC380;
	v56 =	vnsel vm10, $0x0, v9;
	v62 =	vnsel vm6, $0x0, v15;
	v9 =	vld.idx.msk [tilespmem:v57+s5+$0x0], $0xffff  }
0x38b: {  	v63 =	vnsel vm15, $0x0, v16;
	v10 =	vld.idx.msk [tilespmem:v58+s5+$0x0], $0xffff  }
0x38c: {  	v11 =	vld.idx.msk [tilespmem:v59+s5+$0x0], $0xffff  }
0x38d: {  	v12 =	vld.idx.msk [tilespmem:v60+s5+$0x0], $0xffff  }
0x38e: {  	v13 =	vld.idx.msk [tilespmem:v61+s5+$0x0], $0xffff  }
0x38f: {  	v14 =	vld.idx.msk [tilespmem:v62+s5+$0x0], $0xffff  }
0x390: {  	v15 =	vld.idx.msk [tilespmem:v63+s5+$0x0], $0xffff;
	v1 =	vnsel vm4, $0x0, v1  }
0x391: {  	vm9 =	vlt.u32 v8, $0xC380;
	[tilespmem:s9+$0x1A7F0] =	vst.add.f32.msk $0xffff, v1  }
0x392: {  	v2 =	vnsel vm0, $0x0, v2;
	v1 =	vnsel vm9, $0x0, v8;
	v8 =	vld.idx.msk [tilespmem:v56+s5+$0x0], $0xffff  }
0x393: {  	v3 =	vnsel vm1, $0x0, v3;
	[tilespmem:s9+$0x1A700] =	vst.add.f32.msk $0xffff, v2  }
0x394: {  	v2 =	vnsel vm2, $0x0, v4;
	[tilespmem:s9+$0x1A710] =	vst.add.f32.msk $0xffff, v3  }
0x395: {  	v3 =	vnsel vm3, $0x0, v5;
	[tilespmem:s9+$0x1A720] =	vst.add.f32.msk $0xffff, v2  }
0x396: {  	v2 =	vnsel vm5, $0x0, v6;
	[tilespmem:s9+$0x1A730] =	vst.add.f32.msk $0xffff, v3  }
0x397: {  	[tilespmem:s9+$0x1A740] =	vst.add.f32.msk $0xffff, v2  }
0x398: {  	v3 =	vnsel vm7, $0x0, v7;
	v1 =	vld.idx.msk [tilespmem:v1+s5+$0x0], $0xffff  }
0x399: {  	[tilespmem:s9+$0x1A750] =	vst.add.f32.msk $0xffff, v3;
	v2 =	vnsel vm10, $0x0, v8  }
0x39a: {  	[tilespmem:s9+$0x1A770] =	vst.add.f32.msk $0xffff, v2;
	v2 =	vnsel vm14, $0x0, v10  }
0x39b: {  	[tilespmem:s9+$0x1A790] =	vst.add.f32.msk $0xffff, v2;
	v2 =	vnsel vm12, $0x0, v12  }
0x39c: {  	[tilespmem:s9+$0x1A7B0] =	vst.add.f32.msk $0xffff, v2;
	v2 =	vnsel vm6, $0x0, v14  }
0x39d: {  	p4 =	por @p1 $0x0, $0x0;
	[tilespmem:s9+$0x1A7D0] =	vst.add.f32.msk $0xffff, v2;
	v1 =	vnsel vm9, $0x0, v1  }
0x39e: {  	s2 =	sadd.s32 @!p1 $0x2, s2;
	p2 =	por !p2, !p1;
	p3 =	por @!p3 $0x1, $0x1;
	[tilespmem:s9+$0x1A760] =	vst.add.f32.msk $0xffff, v1;
	v1 =	vnsel vm13, $0x0, v9  }
0x39f: {  	p5 =	por @!p1 $0x0, $0x0;
	s2 =	smov.u32 @p1 s18;
	p3 =	por @!p2 p4, p4;
	[tilespmem:s9+$0x1A780] =	vst.add.f32.msk $0xffff, v1;
	v1 =	vnsel vm11, $0x0, v11  }
0x3a0: {  	s18 =	simm.s32 $0x0;
	p4 =	sne.s32 @!p1 s20, $0xC;
	p2 =	por p3, p3;
	[tilespmem:s9+$0x1A7A0] =	vst.add.f32.msk $0xffff, v1;
	v1 =	vnsel vm8, $0x0, v13  }
0x3a1: {  	s19 =	simm.s32 $0x400;
	p3 =	por @!p1 p4, p4;
	p2 =	por @!p1 p5, p5;
	[tilespmem:s9+$0x1A7C0] =	vst.add.f32.msk $0xffff, v1;
	v1 =	vnsel vm15, $0x0, v15  }
.LBB2_21:
0x3a2: {  	s18 =	sadd.s32 $0x10, s18;
	[tilespmem:s9+$0x1A7E0] =	vst.add.f32.msk $0xffff, v1;
	s9 =	sshra.s32 s19, $0x2  }
0x3a3: {  	v1 =	vld [tilespmem:s9+$0x187F0];
	p4 =	slt.u32 s18, $0xF0  }
0x3a4: {  	v2 =	vld [tilespmem:s9+$0x18700]  }
0x3a5: {  	v3 =	vld [tilespmem:s9+$0x18710]  }
0x3a6: {  	v4 =	vld [tilespmem:s9+$0x18720]  }
0x3a7: {  	v5 =	vld [tilespmem:s9+$0x18730]  }
0x3a8: {  	v6 =	vld [tilespmem:s9+$0x18740];
	vm11 =	vlt.u32 v1, $0xC380  }
0x3a9: {  	vm0 =	vlt.u32 v2, $0xC380;
	v7 =	vld [tilespmem:s9+$0x18750];
	v1 =	vnsel vm11, $0x0, v1  }
0x3aa: {  	v2 =	vnsel vm0, $0x0, v2;
	vm1 =	vlt.u32 v3, $0xC380;
	v8 =	vld [tilespmem:s9+$0x18760]  }
0x3ab: {  	v3 =	vnsel vm1, $0x0, v3;
	vm2 =	vlt.u32 v4, $0xC380;
	v9 =	vld [tilespmem:s9+$0x18770]  }
0x3ac: {  	v4 =	vnsel vm2, $0x0, v4;
	vm3 =	vlt.u32 v5, $0xC380;
	v10 =	vld [tilespmem:s9+$0x18780]  }
0x3ad: {  	v5 =	vnsel vm3, $0x0, v5;
	vm4 =	vlt.u32 v6, $0xC380;
	v11 =	vld [tilespmem:s9+$0x18790]  }
0x3ae: {  	v6 =	vnsel vm4, $0x0, v6;
	vm5 =	vlt.u32 v7, $0xC380;
	v1 =	vld.idx.msk [tilespmem:v1+s5+$0x0], $0xffff  }
0x3af: {  	v7 =	vnsel vm5, $0x0, v7;
	vm6 =	vlt.u32 v8, $0xC380;
	v12 =	vld [tilespmem:s9+$0x187A0]  }
0x3b0: {  	v8 =	vnsel vm6, $0x0, v8;
	vm7 =	vlt.u32 v9, $0xC380;
	v13 =	vld [tilespmem:s9+$0x187B0]  }
0x3b1: {  	v9 =	vnsel vm7, $0x0, v9;
	vm8 =	vlt.u32 v10, $0xC380;
	v14 =	vld [tilespmem:s9+$0x187C0]  }
0x3b2: {  	v10 =	vnsel vm8, $0x0, v10;
	vm9 =	vlt.u32 v11, $0xC380;
	v15 =	vld [tilespmem:s9+$0x187D0]  }
0x3b3: {  	v11 =	vnsel vm9, $0x0, v11;
	v16 =	vld [tilespmem:s9+$0x187E0]  }
0x3b4: {  	v1 =	vnsel vm11, $0x0, v1;
	v2 =	vld.idx.msk [tilespmem:v2+s5+$0x0], $0xffff;
	vm10 =	vlt.u32 v12, $0xC380  }
0x3b5: {  	v12 =	vnsel vm10, $0x0, v12;
	vm11 =	vlt.u32 v13, $0xC380;
	[tilespmem:s9+$0x1A7F0] =	vst.add.f32.msk $0xffff, v1  }
0x3b6: {  	v1 =	vld.idx.msk [tilespmem:v3+s5+$0x0], $0xffff;
	v3 =	vnsel vm11, $0x0, v13;
	vm12 =	vlt.u32 v14, $0xC380  }
0x3b7: {  	v4 =	vld.idx.msk [tilespmem:v4+s5+$0x0], $0xffff;
	v13 =	vnsel vm12, $0x0, v14;
	vm13 =	vlt.u32 v15, $0xC380  }
0x3b8: {  	v5 =	vld.idx.msk [tilespmem:v5+s5+$0x0], $0xffff;
	v14 =	vnsel vm13, $0x0, v15;
	vm14 =	vlt.u32 v16, $0xC380  }
0x3b9: {  	v6 =	vld.idx.msk [tilespmem:v6+s5+$0x0], $0xffff;
	v15 =	vnsel vm14, $0x0, v16  }
0x3ba: {  	v2 =	vnsel vm0, $0x0, v2;
	v7 =	vld.idx.msk [tilespmem:v7+s5+$0x0], $0xffff  }
0x3bb: {  	v8 =	vld.idx.msk [tilespmem:v8+s5+$0x0], $0xffff  }
0x3bc: {  	v1 =	vnsel vm1, $0x0, v1;
	v9 =	vld.idx.msk [tilespmem:v9+s5+$0x0], $0xffff  }
0x3bd: {  	v4 =	vnsel vm2, $0x0, v4;
	v10 =	vld.idx.msk [tilespmem:v10+s5+$0x0], $0xffff  }
0x3be: {  	v5 =	vnsel vm3, $0x0, v5;
	v11 =	vld.idx.msk [tilespmem:v11+s5+$0x0], $0xffff  }
0x3bf: {  	v6 =	vnsel vm4, $0x0, v6;
	v12 =	vld.idx.msk [tilespmem:v12+s5+$0x0], $0xffff  }
0x3c0: {  	v7 =	vnsel vm5, $0x0, v7;
	v3 =	vld.idx.msk [tilespmem:v3+s5+$0x0], $0xffff  }
0x3c1: {  	v8 =	vnsel vm6, $0x0, v8;
	v13 =	vld.idx.msk [tilespmem:v13+s5+$0x0], $0xffff  }
0x3c2: {  	v9 =	vnsel vm7, $0x0, v9;
	v14 =	vld.idx.msk [tilespmem:v14+s5+$0x0], $0xffff  }
0x3c3: {  	v10 =	vnsel vm8, $0x0, v10;
	v15 =	vld.idx.msk [tilespmem:v15+s5+$0x0], $0xffff  }
0x3c4: {  	[tilespmem:s9+$0x1A700] =	vst.add.f32.msk $0xffff, v2;
	v2 =	vnsel vm9, $0x0, v11  }
0x3c5: {  	v11 =	vnsel vm10, $0x0, v12;
	[tilespmem:s9+$0x1A710] =	vst.add.f32.msk $0xffff, v1  }
0x3c6: {  	v3 =	vnsel vm11, $0x0, v3;
	[tilespmem:s9+$0x1A720] =	vst.add.f32.msk $0xffff, v4  }
0x3c7: {  	v4 =	vnsel vm12, $0x0, v13;
	[tilespmem:s9+$0x1A730] =	vst.add.f32.msk $0xffff, v5  }
0x3c8: {  	v5 =	vnsel vm13, $0x0, v14;
	[tilespmem:s9+$0x1A740] =	vst.add.f32.msk $0xffff, v6  }
0x3c9: {  	v1 =	vnsel vm14, $0x0, v15;
	[tilespmem:s9+$0x1A750] =	vst.add.f32.msk $0xffff, v7  }
0x3ca: {  	[tilespmem:s9+$0x1A760] =	vst.add.f32.msk $0xffff, v8  }
0x3cb: {  	[tilespmem:s9+$0x1A770] =	vst.add.f32.msk $0xffff, v9  }
0x3cc: {  	[tilespmem:s9+$0x1A780] =	vst.add.f32.msk $0xffff, v10  }
.Ltmp9:
0x3cd: {  	[tilespmem:s9+$0x1A790] =	vst.add.f32.msk $0xffff, v2;
	(pc) =	sbr.rel @p4 .LBB2_21-.Ltmp9, $4  }
0x3ce: {  	[tilespmem:s9+$0x1A7A0] =	vst.add.f32.msk $0xffff, v11  }
0x3cf: {  	[tilespmem:s9+$0x1A7B0] =	vst.add.f32.msk $0xffff, v3  }
0x3d0: {  	[tilespmem:s9+$0x1A7C0] =	vst.add.f32.msk $0xffff, v4  }
0x3d1: {  	s19 =	sadd.s32 $0x400, s19;
	[tilespmem:s9+$0x1A7D0] =	vst.add.f32.msk $0xffff, v5  }
0x3d2: {  	[tilespmem:s9+$0x1A7E0] =	vst.add.f32.msk $0xffff, v1  }
0x3d3: {  	[tilespmem:s25], [sflag:$0x4] =	stream.linear.gather [spmem:s16], $0x1000, $0x38;
	[tilespmem:$0x1EF00] =	vst v63  }
0x3d4: {  	_ =	swait.ge [sflag:s29], $0x1000  }
0x3d5: {  	[sflag:s29] =	ssyncset.done $0x0  }
0x3d6: {  	s9 =	simm.s32 $0x0;
	[sflag:s29] =	ssyncadd.s32 $0xFFFFF000  }
0x3d7: {  	v1 =	vld [tilespmem:s9+$0x197F0]  }
0x3d8: {  	v2 =	vld [tilespmem:s9+$0x19700]  }
0x3d9: {  	v3 =	vld [tilespmem:s9+$0x19710]  }
0x3da: {  	v4 =	vld [tilespmem:s9+$0x19720]  }
0x3db: {  	v5 =	vld [tilespmem:s9+$0x19730]  }
0x3dc: {  	v6 =	vld [tilespmem:s9+$0x19740]  }
0x3dd: {  	v7 =	vld [tilespmem:s9+$0x19750]  }
0x3de: {  	v8 =	vld [tilespmem:s9+$0x19760]  }
0x3df: {  	v9 =	vld [tilespmem:s9+$0x19770]  }
0x3e0: {  	v10 =	vld [tilespmem:s9+$0x19780]  }
0x3e1: {  	v11 =	vld [tilespmem:s9+$0x19790];
	vm6 =	vlt.u32 v1, $0xC380  }
0x3e2: {  	v12 =	vld [tilespmem:s9+$0x197A0];
	vm0 =	vlt.u32 v2, $0xC380;
	v1 =	vnsel vm6, $0x0, v1  }
0x3e3: {  	v13 =	vld [tilespmem:s9+$0x197B0];
	vm1 =	vlt.u32 v3, $0xC380;
	v2 =	vnsel vm0, $0x0, v2  }
0x3e4: {  	v14 =	vld [tilespmem:s9+$0x197C0];
	vm2 =	vlt.u32 v4, $0xC380;
	v3 =	vnsel vm1, $0x0, v3  }
0x3e5: {  	v15 =	vld [tilespmem:s9+$0x197D0];
	vm3 =	vlt.u32 v5, $0xC380;
	v4 =	vnsel vm2, $0x0, v4  }
0x3e6: {  	v16 =	vld [tilespmem:s9+$0x197E0];
	vm4 =	vlt.u32 v6, $0xC380;
	v5 =	vnsel vm3, $0x0, v5  }
0x3e7: {  	vm5 =	vlt.u32 v7, $0xC380;
	v6 =	vnsel vm4, $0x0, v6;
	v1 =	vld.idx.msk [tilespmem:v1+s5+$0x0], $0xffff  }
0x3e8: {  	vm8 =	vlt.u32 v10, $0xC380;
	v7 =	vnsel vm5, $0x0, v7;
	v2 =	vld.idx.msk [tilespmem:v2+s5+$0x0], $0xffff  }
0x3e9: {  	vm9 =	vlt.u32 v11, $0xC380;
	v57 =	vnsel vm8, $0x0, v10;
	v3 =	vld.idx.msk [tilespmem:v3+s5+$0x0], $0xffff  }
0x3ea: {  	vm10 =	vlt.u32 v12, $0xC380;
	v58 =	vnsel vm9, $0x0, v11;
	v4 =	vld.idx.msk [tilespmem:v4+s5+$0x0], $0xffff  }
0x3eb: {  	vm11 =	vlt.u32 v13, $0xC380;
	v59 =	vnsel vm10, $0x0, v12;
	v5 =	vld.idx.msk [tilespmem:v5+s5+$0x0], $0xffff  }
0x3ec: {  	vm12 =	vlt.u32 v14, $0xC380;
	v60 =	vnsel vm11, $0x0, v13;
	v6 =	vld.idx.msk [tilespmem:v6+s5+$0x0], $0xffff  }
0x3ed: {  	vm7 =	vlt.u32 v9, $0xC380;
	vm13 =	vlt.u32 v15, $0xC380;
	v61 =	vnsel vm12, $0x0, v14;
	v7 =	vld.idx.msk [tilespmem:v7+s5+$0x0], $0xffff  }
0x3ee: {  	vm14 =	vlt.u32 v16, $0xC380;
	v56 =	vnsel vm7, $0x0, v9;
	v62 =	vnsel vm13, $0x0, v15;
	v9 =	vld.idx.msk [tilespmem:v57+s5+$0x0], $0xffff  }
0x3ef: {  	v63 =	vnsel vm14, $0x0, v16;
	v10 =	vld.idx.msk [tilespmem:v58+s5+$0x0], $0xffff  }
0x3f0: {  	v11 =	vld.idx.msk [tilespmem:v59+s5+$0x0], $0xffff  }
0x3f1: {  	v12 =	vld.idx.msk [tilespmem:v60+s5+$0x0], $0xffff  }
0x3f2: {  	v13 =	vld.idx.msk [tilespmem:v61+s5+$0x0], $0xffff  }
0x3f3: {  	v14 =	vld.idx.msk [tilespmem:v62+s5+$0x0], $0xffff  }
0x3f4: {  	v15 =	vld.idx.msk [tilespmem:v63+s5+$0x0], $0xffff;
	v1 =	vnsel vm6, $0x0, v1  }
0x3f5: {  	vm6 =	vlt.u32 v8, $0xC380;
	[tilespmem:s9+$0x1B7F0] =	vst.add.f32.msk $0xffff, v1  }
0x3f6: {  	v2 =	vnsel vm0, $0x0, v2;
	v1 =	vnsel vm6, $0x0, v8;
	v8 =	vld.idx.msk [tilespmem:v56+s5+$0x0], $0xffff  }
0x3f7: {  	v3 =	vnsel vm1, $0x0, v3;
	[tilespmem:s9+$0x1B700] =	vst.add.f32.msk $0xffff, v2  }
0x3f8: {  	v2 =	vnsel vm2, $0x0, v4;
	[tilespmem:s9+$0x1B710] =	vst.add.f32.msk $0xffff, v3  }
0x3f9: {  	v3 =	vnsel vm3, $0x0, v5;
	[tilespmem:s9+$0x1B720] =	vst.add.f32.msk $0xffff, v2  }
0x3fa: {  	v2 =	vnsel vm4, $0x0, v6;
	[tilespmem:s9+$0x1B730] =	vst.add.f32.msk $0xffff, v3  }
0x3fb: {  	[tilespmem:s9+$0x1B740] =	vst.add.f32.msk $0xffff, v2  }
0x3fc: {  	v3 =	vnsel vm5, $0x0, v7;
	v1 =	vld.idx.msk [tilespmem:v1+s5+$0x0], $0xffff  }
0x3fd: {  	[tilespmem:s9+$0x1B750] =	vst.add.f32.msk $0xffff, v3;
	v2 =	vnsel vm7, $0x0, v8  }
0x3fe: {  	[tilespmem:s9+$0x1B770] =	vst.add.f32.msk $0xffff, v2;
	v2 =	vnsel vm9, $0x0, v10  }
0x3ff: {  	[tilespmem:s9+$0x1B790] =	vst.add.f32.msk $0xffff, v2;
	v2 =	vnsel vm11, $0x0, v12  }
0x400: {  	[tilespmem:s9+$0x1B7B0] =	vst.add.f32.msk $0xffff, v2;
	v2 =	vnsel vm13, $0x0, v14  }
0x401: {  	[tilespmem:s9+$0x1B7D0] =	vst.add.f32.msk $0xffff, v2;
	v1 =	vnsel vm6, $0x0, v1  }
0x402: {  	[tilespmem:s9+$0x1B760] =	vst.add.f32.msk $0xffff, v1;
	v1 =	vnsel vm8, $0x0, v9  }
0x403: {  	[tilespmem:s9+$0x1B780] =	vst.add.f32.msk $0xffff, v1;
	v1 =	vnsel vm10, $0x0, v11  }
0x404: {  	[tilespmem:s9+$0x1B7A0] =	vst.add.f32.msk $0xffff, v1;
	v1 =	vnsel vm12, $0x0, v13  }
0x405: {  	s18 =	simm.s32 $0x0;
	s19 =	simm.s32 $0x400;
	[tilespmem:s9+$0x1B7C0] =	vst.add.f32.msk $0xffff, v1;
	v1 =	vnsel vm14, $0x0, v15  }
.LBB2_23:
0x406: {  	s18 =	sadd.s32 $0x10, s18;
	[tilespmem:s9+$0x1B7E0] =	vst.add.f32.msk $0xffff, v1;
	s9 =	sshra.s32 s19, $0x2  }
0x407: {  	v1 =	vld [tilespmem:s9+$0x197F0];
	p4 =	slt.u32 s18, $0xF0  }
0x408: {  	v2 =	vld [tilespmem:s9+$0x19700]  }
0x409: {  	v3 =	vld [tilespmem:s9+$0x19710]  }
0x40a: {  	v4 =	vld [tilespmem:s9+$0x19720]  }
0x40b: {  	v5 =	vld [tilespmem:s9+$0x19730]  }
0x40c: {  	v6 =	vld [tilespmem:s9+$0x19740];
	vm11 =	vlt.u32 v1, $0xC380  }
0x40d: {  	vm0 =	vlt.u32 v2, $0xC380;
	v7 =	vld [tilespmem:s9+$0x19750];
	v1 =	vnsel vm11, $0x0, v1  }
0x40e: {  	v2 =	vnsel vm0, $0x0, v2;
	vm1 =	vlt.u32 v3, $0xC380;
	v8 =	vld [tilespmem:s9+$0x19760]  }
0x40f: {  	v3 =	vnsel vm1, $0x0, v3;
	vm2 =	vlt.u32 v4, $0xC380;
	v9 =	vld [tilespmem:s9+$0x19770]  }
0x410: {  	v4 =	vnsel vm2, $0x0, v4;
	vm3 =	vlt.u32 v5, $0xC380;
	v10 =	vld [tilespmem:s9+$0x19780]  }
0x411: {  	v5 =	vnsel vm3, $0x0, v5;
	vm4 =	vlt.u32 v6, $0xC380;
	v11 =	vld [tilespmem:s9+$0x19790]  }
0x412: {  	v6 =	vnsel vm4, $0x0, v6;
	vm5 =	vlt.u32 v7, $0xC380;
	v1 =	vld.idx.msk [tilespmem:v1+s5+$0x0], $0xffff  }
0x413: {  	v7 =	vnsel vm5, $0x0, v7;
	vm6 =	vlt.u32 v8, $0xC380;
	v12 =	vld [tilespmem:s9+$0x197A0]  }
0x414: {  	v8 =	vnsel vm6, $0x0, v8;
	vm7 =	vlt.u32 v9, $0xC380;
	v13 =	vld [tilespmem:s9+$0x197B0]  }
0x415: {  	v9 =	vnsel vm7, $0x0, v9;
	vm8 =	vlt.u32 v10, $0xC380;
	v14 =	vld [tilespmem:s9+$0x197C0]  }
0x416: {  	v10 =	vnsel vm8, $0x0, v10;
	vm9 =	vlt.u32 v11, $0xC380;
	v15 =	vld [tilespmem:s9+$0x197D0]  }
0x417: {  	v11 =	vnsel vm9, $0x0, v11;
	v16 =	vld [tilespmem:s9+$0x197E0]  }
0x418: {  	v1 =	vnsel vm11, $0x0, v1;
	v2 =	vld.idx.msk [tilespmem:v2+s5+$0x0], $0xffff;
	vm10 =	vlt.u32 v12, $0xC380  }
0x419: {  	v12 =	vnsel vm10, $0x0, v12;
	vm11 =	vlt.u32 v13, $0xC380;
	[tilespmem:s9+$0x1B7F0] =	vst.add.f32.msk $0xffff, v1  }
0x41a: {  	v1 =	vld.idx.msk [tilespmem:v3+s5+$0x0], $0xffff;
	v3 =	vnsel vm11, $0x0, v13;
	vm12 =	vlt.u32 v14, $0xC380  }
0x41b: {  	v4 =	vld.idx.msk [tilespmem:v4+s5+$0x0], $0xffff;
	v13 =	vnsel vm12, $0x0, v14;
	vm13 =	vlt.u32 v15, $0xC380  }
0x41c: {  	v5 =	vld.idx.msk [tilespmem:v5+s5+$0x0], $0xffff;
	v14 =	vnsel vm13, $0x0, v15;
	vm14 =	vlt.u32 v16, $0xC380  }
0x41d: {  	v6 =	vld.idx.msk [tilespmem:v6+s5+$0x0], $0xffff;
	v15 =	vnsel vm14, $0x0, v16  }
0x41e: {  	v2 =	vnsel vm0, $0x0, v2;
	v7 =	vld.idx.msk [tilespmem:v7+s5+$0x0], $0xffff  }
0x41f: {  	v8 =	vld.idx.msk [tilespmem:v8+s5+$0x0], $0xffff  }
0x420: {  	v1 =	vnsel vm1, $0x0, v1;
	v9 =	vld.idx.msk [tilespmem:v9+s5+$0x0], $0xffff  }
0x421: {  	v4 =	vnsel vm2, $0x0, v4;
	v10 =	vld.idx.msk [tilespmem:v10+s5+$0x0], $0xffff  }
0x422: {  	v5 =	vnsel vm3, $0x0, v5;
	v11 =	vld.idx.msk [tilespmem:v11+s5+$0x0], $0xffff  }
0x423: {  	v6 =	vnsel vm4, $0x0, v6;
	v12 =	vld.idx.msk [tilespmem:v12+s5+$0x0], $0xffff  }
0x424: {  	v7 =	vnsel vm5, $0x0, v7;
	v3 =	vld.idx.msk [tilespmem:v3+s5+$0x0], $0xffff  }
0x425: {  	v8 =	vnsel vm6, $0x0, v8;
	v13 =	vld.idx.msk [tilespmem:v13+s5+$0x0], $0xffff  }
0x426: {  	v9 =	vnsel vm7, $0x0, v9;
	v14 =	vld.idx.msk [tilespmem:v14+s5+$0x0], $0xffff  }
0x427: {  	v10 =	vnsel vm8, $0x0, v10;
	v15 =	vld.idx.msk [tilespmem:v15+s5+$0x0], $0xffff  }
0x428: {  	[tilespmem:s9+$0x1B700] =	vst.add.f32.msk $0xffff, v2;
	v2 =	vnsel vm9, $0x0, v11  }
0x429: {  	v11 =	vnsel vm10, $0x0, v12;
	[tilespmem:s9+$0x1B710] =	vst.add.f32.msk $0xffff, v1  }
0x42a: {  	v3 =	vnsel vm11, $0x0, v3;
	[tilespmem:s9+$0x1B720] =	vst.add.f32.msk $0xffff, v4  }
0x42b: {  	v4 =	vnsel vm12, $0x0, v13;
	[tilespmem:s9+$0x1B730] =	vst.add.f32.msk $0xffff, v5  }
0x42c: {  	v5 =	vnsel vm13, $0x0, v14;
	[tilespmem:s9+$0x1B740] =	vst.add.f32.msk $0xffff, v6  }
0x42d: {  	v1 =	vnsel vm14, $0x0, v15;
	[tilespmem:s9+$0x1B750] =	vst.add.f32.msk $0xffff, v7  }
0x42e: {  	[tilespmem:s9+$0x1B760] =	vst.add.f32.msk $0xffff, v8  }
0x42f: {  	[tilespmem:s9+$0x1B770] =	vst.add.f32.msk $0xffff, v9  }
0x430: {  	[tilespmem:s9+$0x1B780] =	vst.add.f32.msk $0xffff, v10  }
.Ltmp10:
0x431: {  	[tilespmem:s9+$0x1B790] =	vst.add.f32.msk $0xffff, v2;
	(pc) =	sbr.rel @p4 .LBB2_23-.Ltmp10, $4  }
0x432: {  	[tilespmem:s9+$0x1B7A0] =	vst.add.f32.msk $0xffff, v11  }
0x433: {  	[tilespmem:s9+$0x1B7B0] =	vst.add.f32.msk $0xffff, v3  }
0x434: {  	[tilespmem:s9+$0x1B7C0] =	vst.add.f32.msk $0xffff, v4  }
0x435: {  	s19 =	sadd.s32 $0x400, s19;
	[tilespmem:s9+$0x1B7D0] =	vst.add.f32.msk $0xffff, v5  }
0x436: {  	[tilespmem:s9+$0x1B7E0] =	vst.add.f32.msk $0xffff, v1  }
0x437: {  	[tilespmem:s26], [sflag:$0x5] =	stream.linear.gather [spmem:s17], $0x1000, $0x38;
	[tilespmem:$0x1EF00] =	vst v63  }
0x438: {  	_ =	swait.ge [sflag:s28], $0x1000  }
0x439: {  	[sflag:s28] =	ssyncset.done $0x0  }
0x43a: {  	s9 =	simm.s32 $0x0;
	[sflag:s28] =	ssyncadd.s32 $0xFFFFF000  }
0x43b: {  	v1 =	vld [tilespmem:s9+$0x187F0]  }
0x43c: {  	v2 =	vld [tilespmem:s9+$0x18700]  }
0x43d: {  	v3 =	vld [tilespmem:s9+$0x18710]  }
0x43e: {  	v4 =	vld [tilespmem:s9+$0x18720]  }
0x43f: {  	v5 =	vld [tilespmem:s9+$0x18730]  }
0x440: {  	v6 =	vld [tilespmem:s9+$0x18740]  }
0x441: {  	v7 =	vld [tilespmem:s9+$0x18750]  }
0x442: {  	v8 =	vld [tilespmem:s9+$0x18760]  }
0x443: {  	v9 =	vld [tilespmem:s9+$0x18770]  }
0x444: {  	v10 =	vld [tilespmem:s9+$0x18780]  }
0x445: {  	v11 =	vld [tilespmem:s9+$0x18790];
	vm6 =	vlt.u32 v1, $0xC380  }
0x446: {  	v12 =	vld [tilespmem:s9+$0x187A0];
	vm0 =	vlt.u32 v2, $0xC380;
	v1 =	vnsel vm6, $0x0, v1  }
0x447: {  	v13 =	vld [tilespmem:s9+$0x187B0];
	vm1 =	vlt.u32 v3, $0xC380;
	v2 =	vnsel vm0, $0x0, v2  }
0x448: {  	v14 =	vld [tilespmem:s9+$0x187C0];
	vm2 =	vlt.u32 v4, $0xC380;
	v3 =	vnsel vm1, $0x0, v3  }
0x449: {  	v15 =	vld [tilespmem:s9+$0x187D0];
	vm3 =	vlt.u32 v5, $0xC380;
	v4 =	vnsel vm2, $0x0, v4  }
0x44a: {  	v16 =	vld [tilespmem:s9+$0x187E0];
	vm4 =	vlt.u32 v6, $0xC380;
	v5 =	vnsel vm3, $0x0, v5  }
0x44b: {  	vm5 =	vlt.u32 v7, $0xC380;
	v6 =	vnsel vm4, $0x0, v6;
	v1 =	vld.idx.msk [tilespmem:v1+s5+$0x0], $0xffff  }
0x44c: {  	vm8 =	vlt.u32 v10, $0xC380;
	v7 =	vnsel vm5, $0x0, v7;
	v2 =	vld.idx.msk [tilespmem:v2+s5+$0x0], $0xffff  }
0x44d: {  	vm9 =	vlt.u32 v11, $0xC380;
	v57 =	vnsel vm8, $0x0, v10;
	v3 =	vld.idx.msk [tilespmem:v3+s5+$0x0], $0xffff  }
0x44e: {  	vm10 =	vlt.u32 v12, $0xC380;
	v58 =	vnsel vm9, $0x0, v11;
	v4 =	vld.idx.msk [tilespmem:v4+s5+$0x0], $0xffff  }
0x44f: {  	vm11 =	vlt.u32 v13, $0xC380;
	v59 =	vnsel vm10, $0x0, v12;
	v5 =	vld.idx.msk [tilespmem:v5+s5+$0x0], $0xffff  }
0x450: {  	vm12 =	vlt.u32 v14, $0xC380;
	v60 =	vnsel vm11, $0x0, v13;
	v6 =	vld.idx.msk [tilespmem:v6+s5+$0x0], $0xffff  }
0x451: {  	vm7 =	vlt.u32 v9, $0xC380;
	vm13 =	vlt.u32 v15, $0xC380;
	v61 =	vnsel vm12, $0x0, v14;
	v7 =	vld.idx.msk [tilespmem:v7+s5+$0x0], $0xffff  }
0x452: {  	vm14 =	vlt.u32 v16, $0xC380;
	v56 =	vnsel vm7, $0x0, v9;
	v62 =	vnsel vm13, $0x0, v15;
	v9 =	vld.idx.msk [tilespmem:v57+s5+$0x0], $0xffff  }
0x453: {  	v63 =	vnsel vm14, $0x0, v16;
	v10 =	vld.idx.msk [tilespmem:v58+s5+$0x0], $0xffff  }
0x454: {  	v11 =	vld.idx.msk [tilespmem:v59+s5+$0x0], $0xffff  }
0x455: {  	v12 =	vld.idx.msk [tilespmem:v60+s5+$0x0], $0xffff  }
0x456: {  	v13 =	vld.idx.msk [tilespmem:v61+s5+$0x0], $0xffff  }
0x457: {  	v14 =	vld.idx.msk [tilespmem:v62+s5+$0x0], $0xffff  }
0x458: {  	v15 =	vld.idx.msk [tilespmem:v63+s5+$0x0], $0xffff;
	v1 =	vnsel vm6, $0x0, v1  }
0x459: {  	vm6 =	vlt.u32 v8, $0xC380;
	[tilespmem:s9+$0x1C7F0] =	vst.add.f32.msk $0xffff, v1  }
0x45a: {  	v2 =	vnsel vm0, $0x0, v2;
	v1 =	vnsel vm6, $0x0, v8;
	v8 =	vld.idx.msk [tilespmem:v56+s5+$0x0], $0xffff  }
0x45b: {  	v3 =	vnsel vm1, $0x0, v3;
	[tilespmem:s9+$0x1C700] =	vst.add.f32.msk $0xffff, v2  }
0x45c: {  	v2 =	vnsel vm2, $0x0, v4;
	[tilespmem:s9+$0x1C710] =	vst.add.f32.msk $0xffff, v3  }
0x45d: {  	v3 =	vnsel vm3, $0x0, v5;
	[tilespmem:s9+$0x1C720] =	vst.add.f32.msk $0xffff, v2  }
0x45e: {  	v2 =	vnsel vm4, $0x0, v6;
	[tilespmem:s9+$0x1C730] =	vst.add.f32.msk $0xffff, v3  }
0x45f: {  	[tilespmem:s9+$0x1C740] =	vst.add.f32.msk $0xffff, v2  }
0x460: {  	v3 =	vnsel vm5, $0x0, v7;
	v1 =	vld.idx.msk [tilespmem:v1+s5+$0x0], $0xffff  }
0x461: {  	[tilespmem:s9+$0x1C750] =	vst.add.f32.msk $0xffff, v3;
	v2 =	vnsel vm7, $0x0, v8  }
0x462: {  	[tilespmem:s9+$0x1C770] =	vst.add.f32.msk $0xffff, v2;
	v2 =	vnsel vm9, $0x0, v10  }
0x463: {  	[tilespmem:s9+$0x1C790] =	vst.add.f32.msk $0xffff, v2;
	v2 =	vnsel vm11, $0x0, v12  }
0x464: {  	[tilespmem:s9+$0x1C7B0] =	vst.add.f32.msk $0xffff, v2;
	v2 =	vnsel vm13, $0x0, v14  }
0x465: {  	[tilespmem:s9+$0x1C7D0] =	vst.add.f32.msk $0xffff, v2;
	v1 =	vnsel vm6, $0x0, v1  }
0x466: {  	[tilespmem:s9+$0x1C760] =	vst.add.f32.msk $0xffff, v1;
	v1 =	vnsel vm8, $0x0, v9  }
0x467: {  	[tilespmem:s9+$0x1C780] =	vst.add.f32.msk $0xffff, v1;
	v1 =	vnsel vm10, $0x0, v11  }
0x468: {  	[tilespmem:s9+$0x1C7A0] =	vst.add.f32.msk $0xffff, v1;
	v1 =	vnsel vm12, $0x0, v13  }
0x469: {  	s18 =	simm.s32 $0x0;
	s19 =	simm.s32 $0x400;
	[tilespmem:s9+$0x1C7C0] =	vst.add.f32.msk $0xffff, v1;
	v1 =	vnsel vm14, $0x0, v15  }
.LBB2_25:
0x46a: {  	s18 =	sadd.s32 $0x10, s18;
	[tilespmem:s9+$0x1C7E0] =	vst.add.f32.msk $0xffff, v1;
	s9 =	sshra.s32 s19, $0x2  }
0x46b: {  	v1 =	vld [tilespmem:s9+$0x187F0];
	p4 =	slt.u32 s18, $0xF0  }
0x46c: {  	v2 =	vld [tilespmem:s9+$0x18700]  }
0x46d: {  	v3 =	vld [tilespmem:s9+$0x18710]  }
0x46e: {  	v4 =	vld [tilespmem:s9+$0x18720]  }
0x46f: {  	v5 =	vld [tilespmem:s9+$0x18730]  }
0x470: {  	v6 =	vld [tilespmem:s9+$0x18740];
	vm11 =	vlt.u32 v1, $0xC380  }
0x471: {  	vm0 =	vlt.u32 v2, $0xC380;
	v7 =	vld [tilespmem:s9+$0x18750];
	v1 =	vnsel vm11, $0x0, v1  }
0x472: {  	v2 =	vnsel vm0, $0x0, v2;
	vm1 =	vlt.u32 v3, $0xC380;
	v8 =	vld [tilespmem:s9+$0x18760]  }
0x473: {  	v3 =	vnsel vm1, $0x0, v3;
	vm2 =	vlt.u32 v4, $0xC380;
	v9 =	vld [tilespmem:s9+$0x18770]  }
0x474: {  	v4 =	vnsel vm2, $0x0, v4;
	vm3 =	vlt.u32 v5, $0xC380;
	v10 =	vld [tilespmem:s9+$0x18780]  }
0x475: {  	v5 =	vnsel vm3, $0x0, v5;
	vm4 =	vlt.u32 v6, $0xC380;
	v11 =	vld [tilespmem:s9+$0x18790]  }
0x476: {  	v6 =	vnsel vm4, $0x0, v6;
	vm5 =	vlt.u32 v7, $0xC380;
	v1 =	vld.idx.msk [tilespmem:v1+s5+$0x0], $0xffff  }
0x477: {  	v7 =	vnsel vm5, $0x0, v7;
	vm6 =	vlt.u32 v8, $0xC380;
	v12 =	vld [tilespmem:s9+$0x187A0]  }
0x478: {  	v8 =	vnsel vm6, $0x0, v8;
	vm7 =	vlt.u32 v9, $0xC380;
	v13 =	vld [tilespmem:s9+$0x187B0]  }
0x479: {  	v9 =	vnsel vm7, $0x0, v9;
	vm8 =	vlt.u32 v10, $0xC380;
	v14 =	vld [tilespmem:s9+$0x187C0]  }
0x47a: {  	v10 =	vnsel vm8, $0x0, v10;
	vm9 =	vlt.u32 v11, $0xC380;
	v15 =	vld [tilespmem:s9+$0x187D0]  }
0x47b: {  	v11 =	vnsel vm9, $0x0, v11;
	v16 =	vld [tilespmem:s9+$0x187E0]  }
0x47c: {  	v1 =	vnsel vm11, $0x0, v1;
	v2 =	vld.idx.msk [tilespmem:v2+s5+$0x0], $0xffff;
	vm10 =	vlt.u32 v12, $0xC380  }
0x47d: {  	v12 =	vnsel vm10, $0x0, v12;
	vm11 =	vlt.u32 v13, $0xC380;
	[tilespmem:s9+$0x1C7F0] =	vst.add.f32.msk $0xffff, v1  }
0x47e: {  	v1 =	vld.idx.msk [tilespmem:v3+s5+$0x0], $0xffff;
	v3 =	vnsel vm11, $0x0, v13;
	vm12 =	vlt.u32 v14, $0xC380  }
0x47f: {  	v4 =	vld.idx.msk [tilespmem:v4+s5+$0x0], $0xffff;
	v13 =	vnsel vm12, $0x0, v14;
	vm13 =	vlt.u32 v15, $0xC380  }
0x480: {  	v5 =	vld.idx.msk [tilespmem:v5+s5+$0x0], $0xffff;
	v14 =	vnsel vm13, $0x0, v15;
	vm14 =	vlt.u32 v16, $0xC380  }
0x481: {  	v6 =	vld.idx.msk [tilespmem:v6+s5+$0x0], $0xffff;
	v15 =	vnsel vm14, $0x0, v16  }
0x482: {  	v2 =	vnsel vm0, $0x0, v2;
	v7 =	vld.idx.msk [tilespmem:v7+s5+$0x0], $0xffff  }
0x483: {  	v8 =	vld.idx.msk [tilespmem:v8+s5+$0x0], $0xffff  }
0x484: {  	v1 =	vnsel vm1, $0x0, v1;
	v9 =	vld.idx.msk [tilespmem:v9+s5+$0x0], $0xffff  }
0x485: {  	v4 =	vnsel vm2, $0x0, v4;
	v10 =	vld.idx.msk [tilespmem:v10+s5+$0x0], $0xffff  }
0x486: {  	v5 =	vnsel vm3, $0x0, v5;
	v11 =	vld.idx.msk [tilespmem:v11+s5+$0x0], $0xffff  }
0x487: {  	v6 =	vnsel vm4, $0x0, v6;
	v12 =	vld.idx.msk [tilespmem:v12+s5+$0x0], $0xffff  }
0x488: {  	v7 =	vnsel vm5, $0x0, v7;
	v3 =	vld.idx.msk [tilespmem:v3+s5+$0x0], $0xffff  }
0x489: {  	v8 =	vnsel vm6, $0x0, v8;
	v13 =	vld.idx.msk [tilespmem:v13+s5+$0x0], $0xffff  }
0x48a: {  	v9 =	vnsel vm7, $0x0, v9;
	v14 =	vld.idx.msk [tilespmem:v14+s5+$0x0], $0xffff  }
0x48b: {  	v10 =	vnsel vm8, $0x0, v10;
	v15 =	vld.idx.msk [tilespmem:v15+s5+$0x0], $0xffff  }
0x48c: {  	[tilespmem:s9+$0x1C700] =	vst.add.f32.msk $0xffff, v2;
	v2 =	vnsel vm9, $0x0, v11  }
0x48d: {  	v11 =	vnsel vm10, $0x0, v12;
	[tilespmem:s9+$0x1C710] =	vst.add.f32.msk $0xffff, v1  }
0x48e: {  	v3 =	vnsel vm11, $0x0, v3;
	[tilespmem:s9+$0x1C720] =	vst.add.f32.msk $0xffff, v4  }
0x48f: {  	v4 =	vnsel vm12, $0x0, v13;
	[tilespmem:s9+$0x1C730] =	vst.add.f32.msk $0xffff, v5  }
0x490: {  	v5 =	vnsel vm13, $0x0, v14;
	[tilespmem:s9+$0x1C740] =	vst.add.f32.msk $0xffff, v6  }
0x491: {  	v1 =	vnsel vm14, $0x0, v15;
	[tilespmem:s9+$0x1C750] =	vst.add.f32.msk $0xffff, v7  }
0x492: {  	[tilespmem:s9+$0x1C760] =	vst.add.f32.msk $0xffff, v8  }
0x493: {  	[tilespmem:s9+$0x1C770] =	vst.add.f32.msk $0xffff, v9  }
0x494: {  	[tilespmem:s9+$0x1C780] =	vst.add.f32.msk $0xffff, v10  }
.Ltmp11:
0x495: {  	[tilespmem:s9+$0x1C790] =	vst.add.f32.msk $0xffff, v2;
	(pc) =	sbr.rel @p4 .LBB2_25-.Ltmp11, $4  }
0x496: {  	[tilespmem:s9+$0x1C7A0] =	vst.add.f32.msk $0xffff, v11  }
0x497: {  	[tilespmem:s9+$0x1C7B0] =	vst.add.f32.msk $0xffff, v3  }
0x498: {  	[tilespmem:s9+$0x1C7C0] =	vst.add.f32.msk $0xffff, v4  }
0x499: {  	s19 =	sadd.s32 $0x400, s19;
	[tilespmem:s9+$0x1C7D0] =	vst.add.f32.msk $0xffff, v5  }
0x49a: {  	[tilespmem:s9+$0x1C7E0] =	vst.add.f32.msk $0xffff, v1  }
0x49b: {  	_ =	swait.ge [sflag:s29], $0x1000  }
0x49c: {  	[sflag:s29] =	ssyncset.done $0x0  }
0x49d: {  	s9 =	simm.s32 $0x0;
	[sflag:s29] =	ssyncadd.s32 $0xFFFFF000  }
0x49e: {  	v1 =	vld [tilespmem:s9+$0x197F0]  }
0x49f: {  	v2 =	vld [tilespmem:s9+$0x19700]  }
0x4a0: {  	v3 =	vld [tilespmem:s9+$0x19710]  }
0x4a1: {  	v4 =	vld [tilespmem:s9+$0x19720]  }
0x4a2: {  	v5 =	vld [tilespmem:s9+$0x19730]  }
0x4a3: {  	v6 =	vld [tilespmem:s9+$0x19740]  }
0x4a4: {  	v7 =	vld [tilespmem:s9+$0x19750]  }
0x4a5: {  	v8 =	vld [tilespmem:s9+$0x19760]  }
0x4a6: {  	v9 =	vld [tilespmem:s9+$0x19770]  }
0x4a7: {  	v10 =	vld [tilespmem:s9+$0x19780]  }
0x4a8: {  	v11 =	vld [tilespmem:s9+$0x19790];
	vm6 =	vlt.u32 v1, $0xC380  }
0x4a9: {  	v12 =	vld [tilespmem:s9+$0x197A0];
	vm0 =	vlt.u32 v2, $0xC380;
	v1 =	vnsel vm6, $0x0, v1  }
0x4aa: {  	v13 =	vld [tilespmem:s9+$0x197B0];
	vm1 =	vlt.u32 v3, $0xC380;
	v2 =	vnsel vm0, $0x0, v2  }
0x4ab: {  	v14 =	vld [tilespmem:s9+$0x197C0];
	vm2 =	vlt.u32 v4, $0xC380;
	v3 =	vnsel vm1, $0x0, v3  }
0x4ac: {  	v15 =	vld [tilespmem:s9+$0x197D0];
	vm3 =	vlt.u32 v5, $0xC380;
	v4 =	vnsel vm2, $0x0, v4  }
0x4ad: {  	v16 =	vld [tilespmem:s9+$0x197E0];
	vm4 =	vlt.u32 v6, $0xC380;
	v5 =	vnsel vm3, $0x0, v5  }
0x4ae: {  	vm5 =	vlt.u32 v7, $0xC380;
	v6 =	vnsel vm4, $0x0, v6;
	v1 =	vld.idx.msk [tilespmem:v1+s5+$0x0], $0xffff  }
0x4af: {  	vm8 =	vlt.u32 v10, $0xC380;
	v7 =	vnsel vm5, $0x0, v7;
	v2 =	vld.idx.msk [tilespmem:v2+s5+$0x0], $0xffff  }
0x4b0: {  	vm9 =	vlt.u32 v11, $0xC380;
	v57 =	vnsel vm8, $0x0, v10;
	v3 =	vld.idx.msk [tilespmem:v3+s5+$0x0], $0xffff  }
0x4b1: {  	vm10 =	vlt.u32 v12, $0xC380;
	v58 =	vnsel vm9, $0x0, v11;
	v4 =	vld.idx.msk [tilespmem:v4+s5+$0x0], $0xffff  }
0x4b2: {  	vm11 =	vlt.u32 v13, $0xC380;
	v59 =	vnsel vm10, $0x0, v12;
	v5 =	vld.idx.msk [tilespmem:v5+s5+$0x0], $0xffff  }
0x4b3: {  	vm12 =	vlt.u32 v14, $0xC380;
	v60 =	vnsel vm11, $0x0, v13;
	v6 =	vld.idx.msk [tilespmem:v6+s5+$0x0], $0xffff  }
0x4b4: {  	vm7 =	vlt.u32 v9, $0xC380;
	vm13 =	vlt.u32 v15, $0xC380;
	v61 =	vnsel vm12, $0x0, v14;
	v7 =	vld.idx.msk [tilespmem:v7+s5+$0x0], $0xffff  }
0x4b5: {  	vm14 =	vlt.u32 v16, $0xC380;
	v56 =	vnsel vm7, $0x0, v9;
	v62 =	vnsel vm13, $0x0, v15;
	v9 =	vld.idx.msk [tilespmem:v57+s5+$0x0], $0xffff  }
0x4b6: {  	v63 =	vnsel vm14, $0x0, v16;
	v10 =	vld.idx.msk [tilespmem:v58+s5+$0x0], $0xffff  }
0x4b7: {  	v11 =	vld.idx.msk [tilespmem:v59+s5+$0x0], $0xffff  }
0x4b8: {  	v12 =	vld.idx.msk [tilespmem:v60+s5+$0x0], $0xffff  }
0x4b9: {  	v13 =	vld.idx.msk [tilespmem:v61+s5+$0x0], $0xffff  }
0x4ba: {  	v14 =	vld.idx.msk [tilespmem:v62+s5+$0x0], $0xffff  }
0x4bb: {  	v15 =	vld.idx.msk [tilespmem:v63+s5+$0x0], $0xffff;
	v1 =	vnsel vm6, $0x0, v1  }
0x4bc: {  	vm6 =	vlt.u32 v8, $0xC380;
	[tilespmem:s9+$0x1D7F0] =	vst.add.f32.msk $0xffff, v1  }
0x4bd: {  	v2 =	vnsel vm0, $0x0, v2;
	v1 =	vnsel vm6, $0x0, v8;
	v8 =	vld.idx.msk [tilespmem:v56+s5+$0x0], $0xffff  }
0x4be: {  	v3 =	vnsel vm1, $0x0, v3;
	[tilespmem:s9+$0x1D700] =	vst.add.f32.msk $0xffff, v2  }
0x4bf: {  	v2 =	vnsel vm2, $0x0, v4;
	[tilespmem:s9+$0x1D710] =	vst.add.f32.msk $0xffff, v3  }
0x4c0: {  	v3 =	vnsel vm3, $0x0, v5;
	[tilespmem:s9+$0x1D720] =	vst.add.f32.msk $0xffff, v2  }
0x4c1: {  	v2 =	vnsel vm4, $0x0, v6;
	[tilespmem:s9+$0x1D730] =	vst.add.f32.msk $0xffff, v3  }
0x4c2: {  	[tilespmem:s9+$0x1D740] =	vst.add.f32.msk $0xffff, v2  }
0x4c3: {  	v3 =	vnsel vm5, $0x0, v7;
	v1 =	vld.idx.msk [tilespmem:v1+s5+$0x0], $0xffff  }
0x4c4: {  	[tilespmem:s9+$0x1D750] =	vst.add.f32.msk $0xffff, v3;
	v2 =	vnsel vm7, $0x0, v8  }
0x4c5: {  	[tilespmem:s9+$0x1D770] =	vst.add.f32.msk $0xffff, v2;
	v2 =	vnsel vm9, $0x0, v10  }
0x4c6: {  	[tilespmem:s9+$0x1D790] =	vst.add.f32.msk $0xffff, v2;
	v2 =	vnsel vm11, $0x0, v12  }
0x4c7: {  	[tilespmem:s9+$0x1D7B0] =	vst.add.f32.msk $0xffff, v2;
	v2 =	vnsel vm13, $0x0, v14  }
0x4c8: {  	[tilespmem:s9+$0x1D7D0] =	vst.add.f32.msk $0xffff, v2;
	v1 =	vnsel vm6, $0x0, v1  }
0x4c9: {  	[tilespmem:s9+$0x1D760] =	vst.add.f32.msk $0xffff, v1;
	v1 =	vnsel vm8, $0x0, v9  }
0x4ca: {  	[tilespmem:s9+$0x1D780] =	vst.add.f32.msk $0xffff, v1;
	v1 =	vnsel vm10, $0x0, v11  }
0x4cb: {  	[tilespmem:s9+$0x1D7A0] =	vst.add.f32.msk $0xffff, v1;
	v1 =	vnsel vm12, $0x0, v13  }
0x4cc: {  	s18 =	simm.s32 $0x0;
	s19 =	simm.s32 $0x400;
	[tilespmem:s9+$0x1D7C0] =	vst.add.f32.msk $0xffff, v1;
	v1 =	vnsel vm14, $0x0, v15  }
.LBB2_27:
0x4cd: {  	s18 =	sadd.s32 $0x10, s18;
	[tilespmem:s9+$0x1D7E0] =	vst.add.f32.msk $0xffff, v1;
	s9 =	sshra.s32 s19, $0x2  }
0x4ce: {  	v1 =	vld [tilespmem:s9+$0x197F0];
	p4 =	slt.u32 s18, $0xF0  }
0x4cf: {  	v2 =	vld [tilespmem:s9+$0x19700]  }
0x4d0: {  	v3 =	vld [tilespmem:s9+$0x19710]  }
0x4d1: {  	v4 =	vld [tilespmem:s9+$0x19720]  }
0x4d2: {  	v5 =	vld [tilespmem:s9+$0x19730]  }
0x4d3: {  	v6 =	vld [tilespmem:s9+$0x19740];
	vm11 =	vlt.u32 v1, $0xC380  }
0x4d4: {  	vm0 =	vlt.u32 v2, $0xC380;
	v7 =	vld [tilespmem:s9+$0x19750];
	v1 =	vnsel vm11, $0x0, v1  }
0x4d5: {  	v2 =	vnsel vm0, $0x0, v2;
	vm1 =	vlt.u32 v3, $0xC380;
	v8 =	vld [tilespmem:s9+$0x19760]  }
0x4d6: {  	v3 =	vnsel vm1, $0x0, v3;
	vm2 =	vlt.u32 v4, $0xC380;
	v9 =	vld [tilespmem:s9+$0x19770]  }
0x4d7: {  	v4 =	vnsel vm2, $0x0, v4;
	vm3 =	vlt.u32 v5, $0xC380;
	v10 =	vld [tilespmem:s9+$0x19780]  }
0x4d8: {  	v5 =	vnsel vm3, $0x0, v5;
	vm4 =	vlt.u32 v6, $0xC380;
	v11 =	vld [tilespmem:s9+$0x19790]  }
0x4d9: {  	v6 =	vnsel vm4, $0x0, v6;
	vm5 =	vlt.u32 v7, $0xC380;
	v1 =	vld.idx.msk [tilespmem:v1+s5+$0x0], $0xffff  }
0x4da: {  	v7 =	vnsel vm5, $0x0, v7;
	vm6 =	vlt.u32 v8, $0xC380;
	v12 =	vld [tilespmem:s9+$0x197A0]  }
0x4db: {  	v8 =	vnsel vm6, $0x0, v8;
	vm7 =	vlt.u32 v9, $0xC380;
	v13 =	vld [tilespmem:s9+$0x197B0]  }
0x4dc: {  	v9 =	vnsel vm7, $0x0, v9;
	vm8 =	vlt.u32 v10, $0xC380;
	v14 =	vld [tilespmem:s9+$0x197C0]  }
0x4dd: {  	v10 =	vnsel vm8, $0x0, v10;
	vm9 =	vlt.u32 v11, $0xC380;
	v15 =	vld [tilespmem:s9+$0x197D0]  }
0x4de: {  	v11 =	vnsel vm9, $0x0, v11;
	v16 =	vld [tilespmem:s9+$0x197E0]  }
0x4df: {  	v1 =	vnsel vm11, $0x0, v1;
	v2 =	vld.idx.msk [tilespmem:v2+s5+$0x0], $0xffff;
	vm10 =	vlt.u32 v12, $0xC380  }
0x4e0: {  	v12 =	vnsel vm10, $0x0, v12;
	vm11 =	vlt.u32 v13, $0xC380;
	[tilespmem:s9+$0x1D7F0] =	vst.add.f32.msk $0xffff, v1  }
0x4e1: {  	v1 =	vld.idx.msk [tilespmem:v3+s5+$0x0], $0xffff;
	v3 =	vnsel vm11, $0x0, v13;
	vm12 =	vlt.u32 v14, $0xC380  }
0x4e2: {  	v4 =	vld.idx.msk [tilespmem:v4+s5+$0x0], $0xffff;
	v13 =	vnsel vm12, $0x0, v14;
	vm13 =	vlt.u32 v15, $0xC380  }
0x4e3: {  	v5 =	vld.idx.msk [tilespmem:v5+s5+$0x0], $0xffff;
	v14 =	vnsel vm13, $0x0, v15;
	vm14 =	vlt.u32 v16, $0xC380  }
0x4e4: {  	v6 =	vld.idx.msk [tilespmem:v6+s5+$0x0], $0xffff;
	v15 =	vnsel vm14, $0x0, v16  }
0x4e5: {  	v2 =	vnsel vm0, $0x0, v2;
	v7 =	vld.idx.msk [tilespmem:v7+s5+$0x0], $0xffff  }
0x4e6: {  	v8 =	vld.idx.msk [tilespmem:v8+s5+$0x0], $0xffff  }
0x4e7: {  	v1 =	vnsel vm1, $0x0, v1;
	v9 =	vld.idx.msk [tilespmem:v9+s5+$0x0], $0xffff  }
0x4e8: {  	v4 =	vnsel vm2, $0x0, v4;
	v10 =	vld.idx.msk [tilespmem:v10+s5+$0x0], $0xffff  }
0x4e9: {  	v5 =	vnsel vm3, $0x0, v5;
	v11 =	vld.idx.msk [tilespmem:v11+s5+$0x0], $0xffff  }
0x4ea: {  	v6 =	vnsel vm4, $0x0, v6;
	v12 =	vld.idx.msk [tilespmem:v12+s5+$0x0], $0xffff  }
0x4eb: {  	v7 =	vnsel vm5, $0x0, v7;
	v3 =	vld.idx.msk [tilespmem:v3+s5+$0x0], $0xffff  }
0x4ec: {  	v8 =	vnsel vm6, $0x0, v8;
	v13 =	vld.idx.msk [tilespmem:v13+s5+$0x0], $0xffff  }
0x4ed: {  	v9 =	vnsel vm7, $0x0, v9;
	v14 =	vld.idx.msk [tilespmem:v14+s5+$0x0], $0xffff  }
0x4ee: {  	v10 =	vnsel vm8, $0x0, v10;
	v15 =	vld.idx.msk [tilespmem:v15+s5+$0x0], $0xffff  }
0x4ef: {  	[tilespmem:s9+$0x1D700] =	vst.add.f32.msk $0xffff, v2;
	v2 =	vnsel vm9, $0x0, v11  }
0x4f0: {  	v11 =	vnsel vm10, $0x0, v12;
	[tilespmem:s9+$0x1D710] =	vst.add.f32.msk $0xffff, v1  }
0x4f1: {  	v3 =	vnsel vm11, $0x0, v3;
	[tilespmem:s9+$0x1D720] =	vst.add.f32.msk $0xffff, v4  }
0x4f2: {  	v4 =	vnsel vm12, $0x0, v13;
	[tilespmem:s9+$0x1D730] =	vst.add.f32.msk $0xffff, v5  }
0x4f3: {  	v5 =	vnsel vm13, $0x0, v14;
	[tilespmem:s9+$0x1D740] =	vst.add.f32.msk $0xffff, v6  }
0x4f4: {  	v1 =	vnsel vm14, $0x0, v15;
	[tilespmem:s9+$0x1D750] =	vst.add.f32.msk $0xffff, v7  }
0x4f5: {  	[tilespmem:s9+$0x1D760] =	vst.add.f32.msk $0xffff, v8  }
0x4f6: {  	[tilespmem:s9+$0x1D770] =	vst.add.f32.msk $0xffff, v9  }
0x4f7: {  	[tilespmem:s9+$0x1D780] =	vst.add.f32.msk $0xffff, v10  }
.Ltmp12:
0x4f8: {  	[tilespmem:s9+$0x1D790] =	vst.add.f32.msk $0xffff, v2;
	(pc) =	sbr.rel @p4 .LBB2_27-.Ltmp12, $4  }
0x4f9: {  	[tilespmem:s9+$0x1D7A0] =	vst.add.f32.msk $0xffff, v11  }
0x4fa: {  	[tilespmem:s9+$0x1D7B0] =	vst.add.f32.msk $0xffff, v3  }
0x4fb: {  	[tilespmem:s9+$0x1D7C0] =	vst.add.f32.msk $0xffff, v4  }
0x4fc: {  	s19 =	sadd.s32 $0x400, s19;
	[tilespmem:s9+$0x1D7D0] =	vst.add.f32.msk $0xffff, v5  }
0x4fd: {  	s2 =	smul.u32 @p3 $0x30E000, s2  }
0x4fe: {  	s6 =	rddreg [dreg:$0x6]  }
0x4ff: {  	s2 =	sadd.s32 @p3 s6, s2  }
0x500: {  	s7 =	simm.s32 @p3 $0x400;
	s2 =	sshrl.u32 @p3 s2, $0x3  }
0x501: {  	[tilespmem:s9+$0x1D7E0] =	vst.add.f32.msk $0xffff, v1;
	s8 =	simm.s32 @p3 $0x0;
	s6 =	simm.s32 @p3 $0x80;
	s2 =	sadd.s32 @p3 s1, s2  }
0x502: {  	[tilespmem:s8], [sflag:$0x1] =	stream.strided.gather @p3 [hbm4b:s2+s6], $0xC380, s7, s6, $0x38;
	[tilespmem:$0x1EF00] =	vst v63  }
0x503: {  	_ =	swait.ge [sflag:s30], $0xC380  }
0x504: {  	[sflag:s30] =	ssyncset.done $0x0  }
0x505: {  	[sflag:s30] =	ssyncadd.s32 $0xFFFF3C80  }
0x506: {  	[tilespmem:s25], [sflag:$0x4] =	stream.linear.gather [spmem:s4], $0x1000, $0x38;
	[tilespmem:$0x1EF00] =	vst v63  }
0x507: {  	_ = 	snop  }
0x508: {  	[tilespmem:s26], [sflag:$0x5] =	stream.linear.gather [spmem:s15], $0x1000, $0x38;
	[tilespmem:$0x1EF00] =	vst v63  }
0x509: {  	_ =	swait.ge [sflag:s28], $0x1000  }
0x50a: {  	[sflag:s28] =	ssyncset.done $0x0  }
0x50b: {  	s2 =	simm.s32 $0x0;
	[sflag:s28] =	ssyncadd.s32 $0xFFFFF000  }
0x50c: {  	v1 =	vld [tilespmem:s2+$0x187F0]  }
0x50d: {  	v2 =	vld [tilespmem:s2+$0x18700]  }
0x50e: {  	v3 =	vld [tilespmem:s2+$0x18710]  }
0x50f: {  	v4 =	vld [tilespmem:s2+$0x18720]  }
0x510: {  	v5 =	vld [tilespmem:s2+$0x18730]  }
0x511: {  	v6 =	vld [tilespmem:s2+$0x18740]  }
0x512: {  	v7 =	vld [tilespmem:s2+$0x18750]  }
0x513: {  	v8 =	vld [tilespmem:s2+$0x18760]  }
0x514: {  	v9 =	vld [tilespmem:s2+$0x18770]  }
0x515: {  	v10 =	vld [tilespmem:s2+$0x18780];
	v1 =	vadd.s32 $0xFFFF3C80, v1  }
0x516: {  	v11 =	vld [tilespmem:s2+$0x18790];
	v2 =	vadd.s32 $0xFFFF3C80, v2;
	v3 =	vadd.s32 $0xFFFF3C80, v3;
	vm7 =	vlt.u32 v1, $0xC320  }
0x517: {  	v12 =	vld [tilespmem:s2+$0x187A0];
	v4 =	vadd.s32 $0xFFFF3C80, v4;
	vm0 =	vlt.u32 v2, $0xC320;
	v1 =	vnsel vm7, $0x0, v1  }
0x518: {  	v13 =	vld [tilespmem:s2+$0x187B0];
	v5 =	vadd.s32 $0xFFFF3C80, v5;
	vm1 =	vlt.u32 v3, $0xC320;
	v2 =	vnsel vm0, $0x0, v2  }
0x519: {  	v14 =	vld [tilespmem:s2+$0x187C0];
	v6 =	vadd.s32 $0xFFFF3C80, v6;
	vm2 =	vlt.u32 v4, $0xC320;
	v3 =	vnsel vm1, $0x0, v3  }
0x51a: {  	v15 =	vld [tilespmem:s2+$0x187D0];
	v7 =	vadd.s32 $0xFFFF3C80, v7;
	vm3 =	vlt.u32 v5, $0xC320;
	v4 =	vnsel vm2, $0x0, v4  }
0x51b: {  	v16 =	vld [tilespmem:s2+$0x187E0];
	v8 =	vadd.s32 $0xFFFF3C80, v8;
	vm5 =	vlt.u32 v6, $0xC320;
	v5 =	vnsel vm3, $0x0, v5  }
0x51c: {  	v10 =	vadd.s32 $0xFFFF3C80, v10;
	vm4 =	vlt.u32 v7, $0xC320;
	v6 =	vnsel vm5, $0x0, v6;
	v1 =	vld.idx.msk [tilespmem:v1+s23+$0x0], $0xffff  }
0x51d: {  	v58 =	vadd.s32 $0xFFFF3C80, v11;
	vm6 =	vlt.u32 v8, $0xC320;
	v7 =	vnsel vm4, $0x0, v7;
	v2 =	vld.idx.msk [tilespmem:v2+s23+$0x0], $0xffff  }
0x51e: {  	v59 =	vadd.s32 $0xFFFF3C80, v12;
	vm8 =	vlt.u32 v10, $0xC320;
	v8 =	vnsel vm6, $0x0, v8;
	v3 =	vld.idx.msk [tilespmem:v3+s23+$0x0], $0xffff  }
0x51f: {  	v60 =	vadd.s32 $0xFFFF3C80, v13;
	vm10 =	vlt.u32 v59, $0xC320;
	v10 =	vnsel vm8, $0x0, v10;
	v4 =	vld.idx.msk [tilespmem:v4+s23+$0x0], $0xffff  }
0x520: {  	v61 =	vadd.s32 $0xFFFF3C80, v14;
	vm11 =	vlt.u32 v60, $0xC320;
	v11 =	vnsel vm10, $0x0, v59;
	v5 =	vld.idx.msk [tilespmem:v5+s23+$0x0], $0xffff  }
0x521: {  	v62 =	vadd.s32 $0xFFFF3C80, v15;
	vm12 =	vlt.u32 v61, $0xC320;
	v12 =	vnsel vm11, $0x0, v60;
	v6 =	vld.idx.msk [tilespmem:v6+s23+$0x0], $0xffff  }
0x522: {  	v63 =	vadd.s32 $0xFFFF3C80, v16;
	vm13 =	vlt.u32 v62, $0xC320;
	v13 =	vnsel vm12, $0x0, v61;
	v7 =	vld.idx.msk [tilespmem:v7+s23+$0x0], $0xffff  }
0x523: {  	vm14 =	vlt.u32 v63, $0xC320;
	v14 =	vnsel vm13, $0x0, v62;
	v8 =	vld.idx.msk [tilespmem:v8+s23+$0x0], $0xffff  }
0x524: {  	v15 =	vnsel vm14, $0x0, v63;
	v10 =	vld.idx.msk [tilespmem:v10+s23+$0x0], $0xffff  }
0x525: {  	v11 =	vld.idx.msk [tilespmem:v11+s23+$0x0], $0xffff  }
0x526: {  	v12 =	vld.idx.msk [tilespmem:v12+s23+$0x0], $0xffff  }
0x527: {  	v13 =	vld.idx.msk [tilespmem:v13+s23+$0x0], $0xffff  }
0x528: {  	v14 =	vld.idx.msk [tilespmem:v14+s23+$0x0], $0xffff  }
0x529: {  	v15 =	vld.idx.msk [tilespmem:v15+s23+$0x0], $0xffff;
	v1 =	vnsel vm7, $0x0, v1  }
0x52a: {  	v2 =	vnsel vm0, $0x0, v2;
	[tilespmem:s2+$0x1A7F0] =	vst.add.f32.msk $0xffff, v1  }
0x52b: {  	v9 =	vadd.s32 $0xFFFF3C80, v9;
	v3 =	vnsel vm1, $0x0, v3;
	[tilespmem:s2+$0x1A700] =	vst.add.f32.msk $0xffff, v2  }
0x52c: {  	vm7 =	vlt.u32 v9, $0xC320;
	v2 =	vnsel vm2, $0x0, v4;
	[tilespmem:s2+$0x1A710] =	vst.add.f32.msk $0xffff, v3  }
0x52d: {  	vm9 =	vlt.u32 v58, $0xC320;
	v1 =	vnsel vm7, $0x0, v9;
	v3 =	vnsel vm3, $0x0, v5;
	[tilespmem:s2+$0x1A720] =	vst.add.f32.msk $0xffff, v2  }
0x52e: {  	v9 =	vnsel vm9, $0x0, v58;
	v2 =	vnsel vm5, $0x0, v6;
	[tilespmem:s2+$0x1A730] =	vst.add.f32.msk $0xffff, v3  }
0x52f: {  	v3 =	vnsel vm4, $0x0, v7;
	[tilespmem:s2+$0x1A740] =	vst.add.f32.msk $0xffff, v2  }
0x530: {  	v2 =	vnsel vm6, $0x0, v8;
	[tilespmem:s2+$0x1A750] =	vst.add.f32.msk $0xffff, v3  }
0x531: {  	[tilespmem:s2+$0x1A760] =	vst.add.f32.msk $0xffff, v2  }
0x532: {  	v1 =	vld.idx.msk [tilespmem:v1+s23+$0x0], $0xffff  }
0x533: {  	v3 =	vnsel vm13, $0x0, v14;
	v9 =	vld.idx.msk [tilespmem:v9+s23+$0x0], $0xffff  }
0x534: {  	v2 =	vnsel vm8, $0x0, v10;
	[tilespmem:s2+$0x1A7D0] =	vst.add.f32.msk $0xffff, v3  }
0x535: {  	[tilespmem:s2+$0x1A780] =	vst.add.f32.msk $0xffff, v2;
	v2 =	vnsel vm10, $0x0, v11  }
0x536: {  	[tilespmem:s2+$0x1A7A0] =	vst.add.f32.msk $0xffff, v2;
	v2 =	vnsel vm12, $0x0, v13  }
0x537: {  	[tilespmem:s2+$0x1A7C0] =	vst.add.f32.msk $0xffff, v2;
	v1 =	vnsel vm7, $0x0, v1  }
0x538: {  	[tilespmem:s2+$0x1A770] =	vst.add.f32.msk $0xffff, v1;
	v1 =	vnsel vm9, $0x0, v9  }
0x539: {  	[tilespmem:s2+$0x1A790] =	vst.add.f32.msk $0xffff, v1;
	v1 =	vnsel vm11, $0x0, v12  }
0x53a: {  	s9 =	simm.s32 $0x0;
	s18 =	simm.s32 $0x400;
	[tilespmem:s2+$0x1A7B0] =	vst.add.f32.msk $0xffff, v1;
	v1 =	vnsel vm14, $0x0, v15  }
.LBB2_29:
0x53b: {  	s9 =	sadd.s32 $0x10, s9;
	[tilespmem:s2+$0x1A7E0] =	vst.add.f32.msk $0xffff, v1;
	s2 =	sshra.s32 s18, $0x2  }
0x53c: {  	v1 =	vld [tilespmem:s2+$0x187F0];
	p3 =	slt.u32 s9, $0xF0  }
0x53d: {  	v2 =	vld [tilespmem:s2+$0x18700]  }
0x53e: {  	v3 =	vld [tilespmem:s2+$0x18710]  }
0x53f: {  	v4 =	vld [tilespmem:s2+$0x18720]  }
0x540: {  	v5 =	vld [tilespmem:s2+$0x18730]  }
0x541: {  	v6 =	vld [tilespmem:s2+$0x18740];
	v1 =	vadd.s32 $0xFFFF3C80, v1  }
0x542: {  	v2 =	vadd.s32 $0xFFFF3C80, v2;
	v7 =	vld [tilespmem:s2+$0x18750];
	vm11 =	vlt.u32 v1, $0xC320  }
0x543: {  	vm0 =	vlt.u32 v2, $0xC320;
	v3 =	vadd.s32 $0xFFFF3C80, v3;
	v8 =	vld [tilespmem:s2+$0x18760];
	v1 =	vnsel vm11, $0x0, v1  }
0x544: {  	v2 =	vnsel vm0, $0x0, v2;
	vm1 =	vlt.u32 v3, $0xC320;
	v4 =	vadd.s32 $0xFFFF3C80, v4;
	v9 =	vld [tilespmem:s2+$0x18770]  }
0x545: {  	v3 =	vnsel vm1, $0x0, v3;
	vm2 =	vlt.u32 v4, $0xC320;
	v5 =	vadd.s32 $0xFFFF3C80, v5;
	v10 =	vld [tilespmem:s2+$0x18780]  }
0x546: {  	v4 =	vnsel vm2, $0x0, v4;
	vm3 =	vlt.u32 v5, $0xC320;
	v6 =	vadd.s32 $0xFFFF3C80, v6;
	v11 =	vld [tilespmem:s2+$0x18790]  }
0x547: {  	v5 =	vnsel vm3, $0x0, v5;
	vm4 =	vlt.u32 v6, $0xC320;
	v7 =	vadd.s32 $0xFFFF3C80, v7;
	v12 =	vld [tilespmem:s2+$0x187A0]  }
0x548: {  	v6 =	vnsel vm4, $0x0, v6;
	vm5 =	vlt.u32 v7, $0xC320;
	v8 =	vadd.s32 $0xFFFF3C80, v8;
	v1 =	vld.idx.msk [tilespmem:v1+s23+$0x0], $0xffff  }
0x549: {  	v7 =	vnsel vm5, $0x0, v7;
	vm6 =	vlt.u32 v8, $0xC320;
	v9 =	vadd.s32 $0xFFFF3C80, v9;
	v13 =	vld [tilespmem:s2+$0x187B0]  }
0x54a: {  	v8 =	vnsel vm6, $0x0, v8;
	vm7 =	vlt.u32 v9, $0xC320;
	v10 =	vadd.s32 $0xFFFF3C80, v10;
	v14 =	vld [tilespmem:s2+$0x187C0]  }
0x54b: {  	v9 =	vnsel vm7, $0x0, v9;
	vm8 =	vlt.u32 v10, $0xC320;
	v11 =	vadd.s32 $0xFFFF3C80, v11;
	v15 =	vld [tilespmem:s2+$0x187D0]  }
0x54c: {  	v10 =	vnsel vm8, $0x0, v10;
	vm9 =	vlt.u32 v11, $0xC320;
	v12 =	vadd.s32 $0xFFFF3C80, v12;
	v16 =	vld [tilespmem:s2+$0x187E0]  }
0x54d: {  	v2 =	vld.idx.msk [tilespmem:v2+s23+$0x0], $0xffff;
	v11 =	vnsel vm9, $0x0, v11;
	vm10 =	vlt.u32 v12, $0xC320  }
0x54e: {  	v1 =	vnsel vm11, $0x0, v1;
	v3 =	vld.idx.msk [tilespmem:v3+s23+$0x0], $0xffff;
	v12 =	vnsel vm10, $0x0, v12;
	v13 =	vadd.s32 $0xFFFF3C80, v13  }
0x54f: {  	vm11 =	vlt.u32 v13, $0xC320;
	v14 =	vadd.s32 $0xFFFF3C80, v14;
	[tilespmem:s2+$0x1A7F0] =	vst.add.f32.msk $0xffff, v1  }
0x550: {  	v1 =	vld.idx.msk [tilespmem:v4+s23+$0x0], $0xffff;
	v4 =	vnsel vm11, $0x0, v13;
	vm12 =	vlt.u32 v14, $0xC320;
	v13 =	vadd.s32 $0xFFFF3C80, v15  }
0x551: {  	v5 =	vld.idx.msk [tilespmem:v5+s23+$0x0], $0xffff;
	v14 =	vnsel vm12, $0x0, v14;
	vm13 =	vlt.u32 v13, $0xC320;
	v15 =	vadd.s32 $0xFFFF3C80, v16  }
0x552: {  	v6 =	vld.idx.msk [tilespmem:v6+s23+$0x0], $0xffff;
	v13 =	vnsel vm13, $0x0, v13;
	vm14 =	vlt.u32 v15, $0xC320  }
0x553: {  	v2 =	vnsel vm0, $0x0, v2;
	v7 =	vld.idx.msk [tilespmem:v7+s23+$0x0], $0xffff;
	v15 =	vnsel vm14, $0x0, v15  }
0x554: {  	v3 =	vnsel vm1, $0x0, v3;
	v8 =	vld.idx.msk [tilespmem:v8+s23+$0x0], $0xffff  }
0x555: {  	v9 =	vld.idx.msk [tilespmem:v9+s23+$0x0], $0xffff  }
0x556: {  	v1 =	vnsel vm2, $0x0, v1;
	v10 =	vld.idx.msk [tilespmem:v10+s23+$0x0], $0xffff  }
0x557: {  	v5 =	vnsel vm3, $0x0, v5;
	v11 =	vld.idx.msk [tilespmem:v11+s23+$0x0], $0xffff  }
0x558: {  	v6 =	vnsel vm4, $0x0, v6;
	v12 =	vld.idx.msk [tilespmem:v12+s23+$0x0], $0xffff  }
0x559: {  	v7 =	vnsel vm5, $0x0, v7;
	v4 =	vld.idx.msk [tilespmem:v4+s23+$0x0], $0xffff  }
0x55a: {  	v8 =	vnsel vm6, $0x0, v8;
	v14 =	vld.idx.msk [tilespmem:v14+s23+$0x0], $0xffff  }
0x55b: {  	v9 =	vnsel vm7, $0x0, v9;
	v13 =	vld.idx.msk [tilespmem:v13+s23+$0x0], $0xffff  }
0x55c: {  	v10 =	vnsel vm8, $0x0, v10;
	v15 =	vld.idx.msk [tilespmem:v15+s23+$0x0], $0xffff  }
0x55d: {  	[tilespmem:s2+$0x1A700] =	vst.add.f32.msk $0xffff, v2;
	v2 =	vnsel vm9, $0x0, v11  }
0x55e: {  	[tilespmem:s2+$0x1A710] =	vst.add.f32.msk $0xffff, v3;
	v3 =	vnsel vm10, $0x0, v12  }
0x55f: {  	v4 =	vnsel vm11, $0x0, v4;
	[tilespmem:s2+$0x1A720] =	vst.add.f32.msk $0xffff, v1  }
0x560: {  	[tilespmem:s2+$0x1A730] =	vst.add.f32.msk $0xffff, v5;
	v5 =	vnsel vm12, $0x0, v14  }
0x561: {  	[tilespmem:s2+$0x1A740] =	vst.add.f32.msk $0xffff, v6;
	v6 =	vnsel vm13, $0x0, v13  }
0x562: {  	v1 =	vnsel vm14, $0x0, v15;
	[tilespmem:s2+$0x1A750] =	vst.add.f32.msk $0xffff, v7  }
0x563: {  	[tilespmem:s2+$0x1A760] =	vst.add.f32.msk $0xffff, v8  }
0x564: {  	[tilespmem:s2+$0x1A770] =	vst.add.f32.msk $0xffff, v9  }
0x565: {  	[tilespmem:s2+$0x1A780] =	vst.add.f32.msk $0xffff, v10  }
.Ltmp13:
0x566: {  	[tilespmem:s2+$0x1A790] =	vst.add.f32.msk $0xffff, v2;
	(pc) =	sbr.rel @p3 .LBB2_29-.Ltmp13, $4  }
0x567: {  	[tilespmem:s2+$0x1A7A0] =	vst.add.f32.msk $0xffff, v3  }
0x568: {  	[tilespmem:s2+$0x1A7B0] =	vst.add.f32.msk $0xffff, v4  }
0x569: {  	[tilespmem:s2+$0x1A7C0] =	vst.add.f32.msk $0xffff, v5  }
0x56a: {  	s18 =	sadd.s32 $0x400, s18;
	[tilespmem:s2+$0x1A7D0] =	vst.add.f32.msk $0xffff, v6  }
0x56b: {  	[tilespmem:s2+$0x1A7E0] =	vst.add.f32.msk $0xffff, v1  }
0x56c: {  	[tilespmem:s25], [sflag:$0x4] =	stream.linear.gather [spmem:s16], $0x1000, $0x38;
	[tilespmem:$0x1EF00] =	vst v63  }
0x56d: {  	_ =	swait.ge [sflag:s29], $0x1000  }
0x56e: {  	[sflag:s29] =	ssyncset.done $0x0  }
0x56f: {  	s2 =	simm.s32 $0x0;
	[sflag:s29] =	ssyncadd.s32 $0xFFFFF000  }
0x570: {  	v1 =	vld [tilespmem:s2+$0x197F0]  }
0x571: {  	v2 =	vld [tilespmem:s2+$0x19700]  }
0x572: {  	v3 =	vld [tilespmem:s2+$0x19710]  }
0x573: {  	v4 =	vld [tilespmem:s2+$0x19720]  }
0x574: {  	v5 =	vld [tilespmem:s2+$0x19730]  }
0x575: {  	v6 =	vld [tilespmem:s2+$0x19740]  }
0x576: {  	v7 =	vld [tilespmem:s2+$0x19750]  }
0x577: {  	v8 =	vld [tilespmem:s2+$0x19760]  }
0x578: {  	v9 =	vld [tilespmem:s2+$0x19770]  }
0x579: {  	v10 =	vld [tilespmem:s2+$0x19780];
	v1 =	vadd.s32 $0xFFFF3C80, v1  }
0x57a: {  	v11 =	vld [tilespmem:s2+$0x19790];
	v2 =	vadd.s32 $0xFFFF3C80, v2;
	v3 =	vadd.s32 $0xFFFF3C80, v3;
	vm7 =	vlt.u32 v1, $0xC320  }
0x57b: {  	v12 =	vld [tilespmem:s2+$0x197A0];
	v4 =	vadd.s32 $0xFFFF3C80, v4;
	vm0 =	vlt.u32 v2, $0xC320;
	v1 =	vnsel vm7, $0x0, v1  }
0x57c: {  	v13 =	vld [tilespmem:s2+$0x197B0];
	v5 =	vadd.s32 $0xFFFF3C80, v5;
	vm1 =	vlt.u32 v3, $0xC320;
	v2 =	vnsel vm0, $0x0, v2  }
0x57d: {  	v14 =	vld [tilespmem:s2+$0x197C0];
	v6 =	vadd.s32 $0xFFFF3C80, v6;
	vm2 =	vlt.u32 v4, $0xC320;
	v3 =	vnsel vm1, $0x0, v3  }
0x57e: {  	v15 =	vld [tilespmem:s2+$0x197D0];
	v7 =	vadd.s32 $0xFFFF3C80, v7;
	vm3 =	vlt.u32 v5, $0xC320;
	v4 =	vnsel vm2, $0x0, v4  }
0x57f: {  	v16 =	vld [tilespmem:s2+$0x197E0];
	v8 =	vadd.s32 $0xFFFF3C80, v8;
	vm5 =	vlt.u32 v6, $0xC320;
	v5 =	vnsel vm3, $0x0, v5  }
0x580: {  	v10 =	vadd.s32 $0xFFFF3C80, v10;
	vm4 =	vlt.u32 v7, $0xC320;
	v6 =	vnsel vm5, $0x0, v6;
	v1 =	vld.idx.msk [tilespmem:v1+s23+$0x0], $0xffff  }
0x581: {  	v58 =	vadd.s32 $0xFFFF3C80, v11;
	vm6 =	vlt.u32 v8, $0xC320;
	v7 =	vnsel vm4, $0x0, v7;
	v2 =	vld.idx.msk [tilespmem:v2+s23+$0x0], $0xffff  }
0x582: {  	v59 =	vadd.s32 $0xFFFF3C80, v12;
	vm8 =	vlt.u32 v10, $0xC320;
	v8 =	vnsel vm6, $0x0, v8;
	v3 =	vld.idx.msk [tilespmem:v3+s23+$0x0], $0xffff  }
0x583: {  	v60 =	vadd.s32 $0xFFFF3C80, v13;
	vm10 =	vlt.u32 v59, $0xC320;
	v10 =	vnsel vm8, $0x0, v10;
	v4 =	vld.idx.msk [tilespmem:v4+s23+$0x0], $0xffff  }
0x584: {  	v61 =	vadd.s32 $0xFFFF3C80, v14;
	vm11 =	vlt.u32 v60, $0xC320;
	v11 =	vnsel vm10, $0x0, v59;
	v5 =	vld.idx.msk [tilespmem:v5+s23+$0x0], $0xffff  }
0x585: {  	v62 =	vadd.s32 $0xFFFF3C80, v15;
	vm12 =	vlt.u32 v61, $0xC320;
	v12 =	vnsel vm11, $0x0, v60;
	v6 =	vld.idx.msk [tilespmem:v6+s23+$0x0], $0xffff  }
0x586: {  	v63 =	vadd.s32 $0xFFFF3C80, v16;
	vm13 =	vlt.u32 v62, $0xC320;
	v13 =	vnsel vm12, $0x0, v61;
	v7 =	vld.idx.msk [tilespmem:v7+s23+$0x0], $0xffff  }
0x587: {  	vm14 =	vlt.u32 v63, $0xC320;
	v14 =	vnsel vm13, $0x0, v62;
	v8 =	vld.idx.msk [tilespmem:v8+s23+$0x0], $0xffff  }
0x588: {  	v15 =	vnsel vm14, $0x0, v63;
	v10 =	vld.idx.msk [tilespmem:v10+s23+$0x0], $0xffff  }
0x589: {  	v11 =	vld.idx.msk [tilespmem:v11+s23+$0x0], $0xffff  }
0x58a: {  	v12 =	vld.idx.msk [tilespmem:v12+s23+$0x0], $0xffff  }
0x58b: {  	v13 =	vld.idx.msk [tilespmem:v13+s23+$0x0], $0xffff  }
0x58c: {  	v14 =	vld.idx.msk [tilespmem:v14+s23+$0x0], $0xffff  }
0x58d: {  	v15 =	vld.idx.msk [tilespmem:v15+s23+$0x0], $0xffff;
	v1 =	vnsel vm7, $0x0, v1  }
0x58e: {  	v2 =	vnsel vm0, $0x0, v2;
	[tilespmem:s2+$0x1B7F0] =	vst.add.f32.msk $0xffff, v1  }
0x58f: {  	v9 =	vadd.s32 $0xFFFF3C80, v9;
	v3 =	vnsel vm1, $0x0, v3;
	[tilespmem:s2+$0x1B700] =	vst.add.f32.msk $0xffff, v2  }
0x590: {  	vm7 =	vlt.u32 v9, $0xC320;
	v2 =	vnsel vm2, $0x0, v4;
	[tilespmem:s2+$0x1B710] =	vst.add.f32.msk $0xffff, v3  }
0x591: {  	vm9 =	vlt.u32 v58, $0xC320;
	v1 =	vnsel vm7, $0x0, v9;
	v3 =	vnsel vm3, $0x0, v5;
	[tilespmem:s2+$0x1B720] =	vst.add.f32.msk $0xffff, v2  }
0x592: {  	v9 =	vnsel vm9, $0x0, v58;
	v2 =	vnsel vm5, $0x0, v6;
	[tilespmem:s2+$0x1B730] =	vst.add.f32.msk $0xffff, v3  }
0x593: {  	v3 =	vnsel vm4, $0x0, v7;
	[tilespmem:s2+$0x1B740] =	vst.add.f32.msk $0xffff, v2  }
0x594: {  	v2 =	vnsel vm6, $0x0, v8;
	[tilespmem:s2+$0x1B750] =	vst.add.f32.msk $0xffff, v3  }
0x595: {  	[tilespmem:s2+$0x1B760] =	vst.add.f32.msk $0xffff, v2  }
0x596: {  	v1 =	vld.idx.msk [tilespmem:v1+s23+$0x0], $0xffff  }
0x597: {  	v3 =	vnsel vm13, $0x0, v14;
	v9 =	vld.idx.msk [tilespmem:v9+s23+$0x0], $0xffff  }
0x598: {  	v2 =	vnsel vm8, $0x0, v10;
	[tilespmem:s2+$0x1B7D0] =	vst.add.f32.msk $0xffff, v3  }
0x599: {  	[tilespmem:s2+$0x1B780] =	vst.add.f32.msk $0xffff, v2;
	v2 =	vnsel vm10, $0x0, v11  }
0x59a: {  	[tilespmem:s2+$0x1B7A0] =	vst.add.f32.msk $0xffff, v2;
	v2 =	vnsel vm12, $0x0, v13  }
0x59b: {  	[tilespmem:s2+$0x1B7C0] =	vst.add.f32.msk $0xffff, v2;
	v1 =	vnsel vm7, $0x0, v1  }
0x59c: {  	[tilespmem:s2+$0x1B770] =	vst.add.f32.msk $0xffff, v1;
	v1 =	vnsel vm9, $0x0, v9  }
0x59d: {  	[tilespmem:s2+$0x1B790] =	vst.add.f32.msk $0xffff, v1;
	v1 =	vnsel vm11, $0x0, v12  }
0x59e: {  	s9 =	simm.s32 $0x0;
	s18 =	simm.s32 $0x400;
	s6 =	smov.u32 s0;
	[tilespmem:s2+$0x1B7B0] =	vst.add.f32.msk $0xffff, v1;
	v1 =	vnsel vm14, $0x0, v15  }
.LBB2_31:
0x59f: {  	s9 =	sadd.s32 $0x10, s9;
	[tilespmem:s2+$0x1B7E0] =	vst.add.f32.msk $0xffff, v1;
	s2 =	sshra.s32 s18, $0x2  }
0x5a0: {  	v1 =	vld [tilespmem:s2+$0x197F0];
	p3 =	slt.u32 s9, $0xF0  }
0x5a1: {  	v2 =	vld [tilespmem:s2+$0x19700]  }
0x5a2: {  	v3 =	vld [tilespmem:s2+$0x19710]  }
0x5a3: {  	v4 =	vld [tilespmem:s2+$0x19720]  }
0x5a4: {  	v5 =	vld [tilespmem:s2+$0x19730]  }
0x5a5: {  	v6 =	vld [tilespmem:s2+$0x19740];
	v1 =	vadd.s32 $0xFFFF3C80, v1  }
0x5a6: {  	v2 =	vadd.s32 $0xFFFF3C80, v2;
	v7 =	vld [tilespmem:s2+$0x19750];
	vm11 =	vlt.u32 v1, $0xC320  }
0x5a7: {  	vm0 =	vlt.u32 v2, $0xC320;
	v3 =	vadd.s32 $0xFFFF3C80, v3;
	v8 =	vld [tilespmem:s2+$0x19760];
	v1 =	vnsel vm11, $0x0, v1  }
0x5a8: {  	v2 =	vnsel vm0, $0x0, v2;
	vm1 =	vlt.u32 v3, $0xC320;
	v4 =	vadd.s32 $0xFFFF3C80, v4;
	v9 =	vld [tilespmem:s2+$0x19770]  }
0x5a9: {  	v3 =	vnsel vm1, $0x0, v3;
	vm2 =	vlt.u32 v4, $0xC320;
	v5 =	vadd.s32 $0xFFFF3C80, v5;
	v10 =	vld [tilespmem:s2+$0x19780]  }
0x5aa: {  	v4 =	vnsel vm2, $0x0, v4;
	vm3 =	vlt.u32 v5, $0xC320;
	v6 =	vadd.s32 $0xFFFF3C80, v6;
	v11 =	vld [tilespmem:s2+$0x19790]  }
0x5ab: {  	v5 =	vnsel vm3, $0x0, v5;
	vm4 =	vlt.u32 v6, $0xC320;
	v7 =	vadd.s32 $0xFFFF3C80, v7;
	v12 =	vld [tilespmem:s2+$0x197A0]  }
0x5ac: {  	v6 =	vnsel vm4, $0x0, v6;
	vm5 =	vlt.u32 v7, $0xC320;
	v8 =	vadd.s32 $0xFFFF3C80, v8;
	v1 =	vld.idx.msk [tilespmem:v1+s23+$0x0], $0xffff  }
0x5ad: {  	v7 =	vnsel vm5, $0x0, v7;
	vm6 =	vlt.u32 v8, $0xC320;
	v9 =	vadd.s32 $0xFFFF3C80, v9;
	v13 =	vld [tilespmem:s2+$0x197B0]  }
0x5ae: {  	v8 =	vnsel vm6, $0x0, v8;
	vm7 =	vlt.u32 v9, $0xC320;
	v10 =	vadd.s32 $0xFFFF3C80, v10;
	v14 =	vld [tilespmem:s2+$0x197C0]  }
0x5af: {  	v9 =	vnsel vm7, $0x0, v9;
	vm8 =	vlt.u32 v10, $0xC320;
	v11 =	vadd.s32 $0xFFFF3C80, v11;
	v15 =	vld [tilespmem:s2+$0x197D0]  }
0x5b0: {  	v10 =	vnsel vm8, $0x0, v10;
	vm9 =	vlt.u32 v11, $0xC320;
	v12 =	vadd.s32 $0xFFFF3C80, v12;
	v16 =	vld [tilespmem:s2+$0x197E0]  }
0x5b1: {  	v2 =	vld.idx.msk [tilespmem:v2+s23+$0x0], $0xffff;
	v11 =	vnsel vm9, $0x0, v11;
	vm10 =	vlt.u32 v12, $0xC320  }
0x5b2: {  	v1 =	vnsel vm11, $0x0, v1;
	v3 =	vld.idx.msk [tilespmem:v3+s23+$0x0], $0xffff;
	v12 =	vnsel vm10, $0x0, v12;
	v13 =	vadd.s32 $0xFFFF3C80, v13  }
0x5b3: {  	vm11 =	vlt.u32 v13, $0xC320;
	v14 =	vadd.s32 $0xFFFF3C80, v14;
	[tilespmem:s2+$0x1B7F0] =	vst.add.f32.msk $0xffff, v1  }
0x5b4: {  	v1 =	vld.idx.msk [tilespmem:v4+s23+$0x0], $0xffff;
	v4 =	vnsel vm11, $0x0, v13;
	vm12 =	vlt.u32 v14, $0xC320;
	v13 =	vadd.s32 $0xFFFF3C80, v15  }
0x5b5: {  	v5 =	vld.idx.msk [tilespmem:v5+s23+$0x0], $0xffff;
	v14 =	vnsel vm12, $0x0, v14;
	vm13 =	vlt.u32 v13, $0xC320;
	v15 =	vadd.s32 $0xFFFF3C80, v16  }
0x5b6: {  	v6 =	vld.idx.msk [tilespmem:v6+s23+$0x0], $0xffff;
	v13 =	vnsel vm13, $0x0, v13;
	vm14 =	vlt.u32 v15, $0xC320  }
0x5b7: {  	v2 =	vnsel vm0, $0x0, v2;
	v7 =	vld.idx.msk [tilespmem:v7+s23+$0x0], $0xffff;
	v15 =	vnsel vm14, $0x0, v15  }
0x5b8: {  	v3 =	vnsel vm1, $0x0, v3;
	v8 =	vld.idx.msk [tilespmem:v8+s23+$0x0], $0xffff  }
0x5b9: {  	v9 =	vld.idx.msk [tilespmem:v9+s23+$0x0], $0xffff  }
0x5ba: {  	v1 =	vnsel vm2, $0x0, v1;
	v10 =	vld.idx.msk [tilespmem:v10+s23+$0x0], $0xffff  }
0x5bb: {  	v5 =	vnsel vm3, $0x0, v5;
	v11 =	vld.idx.msk [tilespmem:v11+s23+$0x0], $0xffff  }
0x5bc: {  	v6 =	vnsel vm4, $0x0, v6;
	v12 =	vld.idx.msk [tilespmem:v12+s23+$0x0], $0xffff  }
0x5bd: {  	v7 =	vnsel vm5, $0x0, v7;
	v4 =	vld.idx.msk [tilespmem:v4+s23+$0x0], $0xffff  }
0x5be: {  	v8 =	vnsel vm6, $0x0, v8;
	v14 =	vld.idx.msk [tilespmem:v14+s23+$0x0], $0xffff  }
0x5bf: {  	v9 =	vnsel vm7, $0x0, v9;
	v13 =	vld.idx.msk [tilespmem:v13+s23+$0x0], $0xffff  }
0x5c0: {  	v10 =	vnsel vm8, $0x0, v10;
	v15 =	vld.idx.msk [tilespmem:v15+s23+$0x0], $0xffff  }
0x5c1: {  	[tilespmem:s2+$0x1B700] =	vst.add.f32.msk $0xffff, v2;
	v2 =	vnsel vm9, $0x0, v11  }
0x5c2: {  	[tilespmem:s2+$0x1B710] =	vst.add.f32.msk $0xffff, v3;
	v3 =	vnsel vm10, $0x0, v12  }
0x5c3: {  	v4 =	vnsel vm11, $0x0, v4;
	[tilespmem:s2+$0x1B720] =	vst.add.f32.msk $0xffff, v1  }
0x5c4: {  	[tilespmem:s2+$0x1B730] =	vst.add.f32.msk $0xffff, v5;
	v5 =	vnsel vm12, $0x0, v14  }
0x5c5: {  	[tilespmem:s2+$0x1B740] =	vst.add.f32.msk $0xffff, v6;
	v6 =	vnsel vm13, $0x0, v13  }
0x5c6: {  	v1 =	vnsel vm14, $0x0, v15;
	[tilespmem:s2+$0x1B750] =	vst.add.f32.msk $0xffff, v7  }
0x5c7: {  	[tilespmem:s2+$0x1B760] =	vst.add.f32.msk $0xffff, v8  }
0x5c8: {  	[tilespmem:s2+$0x1B770] =	vst.add.f32.msk $0xffff, v9  }
0x5c9: {  	[tilespmem:s2+$0x1B780] =	vst.add.f32.msk $0xffff, v10  }
.Ltmp14:
0x5ca: {  	[tilespmem:s2+$0x1B790] =	vst.add.f32.msk $0xffff, v2;
	(pc) =	sbr.rel @p3 .LBB2_31-.Ltmp14, $4  }
0x5cb: {  	[tilespmem:s2+$0x1B7A0] =	vst.add.f32.msk $0xffff, v3  }
0x5cc: {  	[tilespmem:s2+$0x1B7B0] =	vst.add.f32.msk $0xffff, v4  }
0x5cd: {  	[tilespmem:s2+$0x1B7C0] =	vst.add.f32.msk $0xffff, v5  }
0x5ce: {  	s18 =	sadd.s32 $0x400, s18;
	[tilespmem:s2+$0x1B7D0] =	vst.add.f32.msk $0xffff, v6  }
0x5cf: {  	[tilespmem:s2+$0x1B7E0] =	vst.add.f32.msk $0xffff, v1  }
0x5d0: {  	[tilespmem:s26], [sflag:$0x5] =	stream.linear.gather [spmem:s17], $0x1000, $0x38;
	[tilespmem:$0x1EF00] =	vst v63  }
0x5d1: {  	_ =	swait.ge [sflag:s28], $0x1000  }
0x5d2: {  	[sflag:s28] =	ssyncset.done $0x0  }
0x5d3: {  	s2 =	simm.s32 $0x0;
	[sflag:s28] =	ssyncadd.s32 $0xFFFFF000  }
0x5d4: {  	v1 =	vld [tilespmem:s2+$0x187F0]  }
0x5d5: {  	v2 =	vld [tilespmem:s2+$0x18700]  }
0x5d6: {  	v3 =	vld [tilespmem:s2+$0x18710]  }
0x5d7: {  	v4 =	vld [tilespmem:s2+$0x18720]  }
0x5d8: {  	v5 =	vld [tilespmem:s2+$0x18730]  }
0x5d9: {  	v6 =	vld [tilespmem:s2+$0x18740]  }
0x5da: {  	v7 =	vld [tilespmem:s2+$0x18750]  }
0x5db: {  	v8 =	vld [tilespmem:s2+$0x18760]  }
0x5dc: {  	v9 =	vld [tilespmem:s2+$0x18770]  }
0x5dd: {  	v10 =	vld [tilespmem:s2+$0x18780];
	v1 =	vadd.s32 $0xFFFF3C80, v1  }
0x5de: {  	v11 =	vld [tilespmem:s2+$0x18790];
	v2 =	vadd.s32 $0xFFFF3C80, v2;
	v3 =	vadd.s32 $0xFFFF3C80, v3;
	vm7 =	vlt.u32 v1, $0xC320  }
0x5df: {  	v12 =	vld [tilespmem:s2+$0x187A0];
	v4 =	vadd.s32 $0xFFFF3C80, v4;
	vm0 =	vlt.u32 v2, $0xC320;
	v1 =	vnsel vm7, $0x0, v1  }
0x5e0: {  	v13 =	vld [tilespmem:s2+$0x187B0];
	v5 =	vadd.s32 $0xFFFF3C80, v5;
	vm1 =	vlt.u32 v3, $0xC320;
	v2 =	vnsel vm0, $0x0, v2  }
0x5e1: {  	v14 =	vld [tilespmem:s2+$0x187C0];
	v6 =	vadd.s32 $0xFFFF3C80, v6;
	vm2 =	vlt.u32 v4, $0xC320;
	v3 =	vnsel vm1, $0x0, v3  }
0x5e2: {  	v15 =	vld [tilespmem:s2+$0x187D0];
	v7 =	vadd.s32 $0xFFFF3C80, v7;
	vm3 =	vlt.u32 v5, $0xC320;
	v4 =	vnsel vm2, $0x0, v4  }
0x5e3: {  	v16 =	vld [tilespmem:s2+$0x187E0];
	v8 =	vadd.s32 $0xFFFF3C80, v8;
	vm5 =	vlt.u32 v6, $0xC320;
	v5 =	vnsel vm3, $0x0, v5  }
0x5e4: {  	v10 =	vadd.s32 $0xFFFF3C80, v10;
	vm4 =	vlt.u32 v7, $0xC320;
	v6 =	vnsel vm5, $0x0, v6;
	v1 =	vld.idx.msk [tilespmem:v1+s23+$0x0], $0xffff  }
0x5e5: {  	v58 =	vadd.s32 $0xFFFF3C80, v11;
	vm6 =	vlt.u32 v8, $0xC320;
	v7 =	vnsel vm4, $0x0, v7;
	v2 =	vld.idx.msk [tilespmem:v2+s23+$0x0], $0xffff  }
0x5e6: {  	v59 =	vadd.s32 $0xFFFF3C80, v12;
	vm8 =	vlt.u32 v10, $0xC320;
	v8 =	vnsel vm6, $0x0, v8;
	v3 =	vld.idx.msk [tilespmem:v3+s23+$0x0], $0xffff  }
0x5e7: {  	v60 =	vadd.s32 $0xFFFF3C80, v13;
	vm10 =	vlt.u32 v59, $0xC320;
	v10 =	vnsel vm8, $0x0, v10;
	v4 =	vld.idx.msk [tilespmem:v4+s23+$0x0], $0xffff  }
0x5e8: {  	v61 =	vadd.s32 $0xFFFF3C80, v14;
	vm11 =	vlt.u32 v60, $0xC320;
	v11 =	vnsel vm10, $0x0, v59;
	v5 =	vld.idx.msk [tilespmem:v5+s23+$0x0], $0xffff  }
0x5e9: {  	v62 =	vadd.s32 $0xFFFF3C80, v15;
	vm12 =	vlt.u32 v61, $0xC320;
	v12 =	vnsel vm11, $0x0, v60;
	v6 =	vld.idx.msk [tilespmem:v6+s23+$0x0], $0xffff  }
0x5ea: {  	v63 =	vadd.s32 $0xFFFF3C80, v16;
	vm13 =	vlt.u32 v62, $0xC320;
	v13 =	vnsel vm12, $0x0, v61;
	v7 =	vld.idx.msk [tilespmem:v7+s23+$0x0], $0xffff  }
0x5eb: {  	vm14 =	vlt.u32 v63, $0xC320;
	v14 =	vnsel vm13, $0x0, v62;
	v8 =	vld.idx.msk [tilespmem:v8+s23+$0x0], $0xffff  }
0x5ec: {  	v15 =	vnsel vm14, $0x0, v63;
	v10 =	vld.idx.msk [tilespmem:v10+s23+$0x0], $0xffff  }
0x5ed: {  	v11 =	vld.idx.msk [tilespmem:v11+s23+$0x0], $0xffff  }
0x5ee: {  	v12 =	vld.idx.msk [tilespmem:v12+s23+$0x0], $0xffff  }
0x5ef: {  	v13 =	vld.idx.msk [tilespmem:v13+s23+$0x0], $0xffff  }
0x5f0: {  	v14 =	vld.idx.msk [tilespmem:v14+s23+$0x0], $0xffff  }
0x5f1: {  	v15 =	vld.idx.msk [tilespmem:v15+s23+$0x0], $0xffff;
	v1 =	vnsel vm7, $0x0, v1  }
0x5f2: {  	v2 =	vnsel vm0, $0x0, v2;
	[tilespmem:s2+$0x1C7F0] =	vst.add.f32.msk $0xffff, v1  }
0x5f3: {  	v9 =	vadd.s32 $0xFFFF3C80, v9;
	v3 =	vnsel vm1, $0x0, v3;
	[tilespmem:s2+$0x1C700] =	vst.add.f32.msk $0xffff, v2  }
0x5f4: {  	vm7 =	vlt.u32 v9, $0xC320;
	v2 =	vnsel vm2, $0x0, v4;
	[tilespmem:s2+$0x1C710] =	vst.add.f32.msk $0xffff, v3  }
0x5f5: {  	vm9 =	vlt.u32 v58, $0xC320;
	v1 =	vnsel vm7, $0x0, v9;
	v3 =	vnsel vm3, $0x0, v5;
	[tilespmem:s2+$0x1C720] =	vst.add.f32.msk $0xffff, v2  }
0x5f6: {  	v9 =	vnsel vm9, $0x0, v58;
	v2 =	vnsel vm5, $0x0, v6;
	[tilespmem:s2+$0x1C730] =	vst.add.f32.msk $0xffff, v3  }
0x5f7: {  	v3 =	vnsel vm4, $0x0, v7;
	[tilespmem:s2+$0x1C740] =	vst.add.f32.msk $0xffff, v2  }
0x5f8: {  	v2 =	vnsel vm6, $0x0, v8;
	[tilespmem:s2+$0x1C750] =	vst.add.f32.msk $0xffff, v3  }
0x5f9: {  	[tilespmem:s2+$0x1C760] =	vst.add.f32.msk $0xffff, v2  }
0x5fa: {  	v1 =	vld.idx.msk [tilespmem:v1+s23+$0x0], $0xffff  }
0x5fb: {  	v3 =	vnsel vm13, $0x0, v14;
	v9 =	vld.idx.msk [tilespmem:v9+s23+$0x0], $0xffff  }
0x5fc: {  	v2 =	vnsel vm8, $0x0, v10;
	[tilespmem:s2+$0x1C7D0] =	vst.add.f32.msk $0xffff, v3  }
0x5fd: {  	[tilespmem:s2+$0x1C780] =	vst.add.f32.msk $0xffff, v2;
	v2 =	vnsel vm10, $0x0, v11  }
0x5fe: {  	[tilespmem:s2+$0x1C7A0] =	vst.add.f32.msk $0xffff, v2;
	v2 =	vnsel vm12, $0x0, v13  }
0x5ff: {  	[tilespmem:s2+$0x1C7C0] =	vst.add.f32.msk $0xffff, v2;
	v1 =	vnsel vm7, $0x0, v1  }
0x600: {  	[tilespmem:s2+$0x1C770] =	vst.add.f32.msk $0xffff, v1;
	v1 =	vnsel vm9, $0x0, v9  }
0x601: {  	[tilespmem:s2+$0x1C790] =	vst.add.f32.msk $0xffff, v1;
	v1 =	vnsel vm11, $0x0, v12  }
0x602: {  	s9 =	simm.s32 $0x0;
	s18 =	simm.s32 $0x400;
	[tilespmem:s2+$0x1C7B0] =	vst.add.f32.msk $0xffff, v1;
	v1 =	vnsel vm14, $0x0, v15  }
.LBB2_33:
0x603: {  	s9 =	sadd.s32 $0x10, s9;
	[tilespmem:s2+$0x1C7E0] =	vst.add.f32.msk $0xffff, v1;
	s2 =	sshra.s32 s18, $0x2  }
0x604: {  	v1 =	vld [tilespmem:s2+$0x187F0];
	p3 =	slt.u32 s9, $0xF0  }
0x605: {  	v2 =	vld [tilespmem:s2+$0x18700]  }
0x606: {  	v3 =	vld [tilespmem:s2+$0x18710]  }
0x607: {  	v4 =	vld [tilespmem:s2+$0x18720]  }
0x608: {  	v5 =	vld [tilespmem:s2+$0x18730]  }
0x609: {  	v6 =	vld [tilespmem:s2+$0x18740];
	v1 =	vadd.s32 $0xFFFF3C80, v1  }
0x60a: {  	v2 =	vadd.s32 $0xFFFF3C80, v2;
	v7 =	vld [tilespmem:s2+$0x18750];
	vm11 =	vlt.u32 v1, $0xC320  }
0x60b: {  	vm0 =	vlt.u32 v2, $0xC320;
	v3 =	vadd.s32 $0xFFFF3C80, v3;
	v8 =	vld [tilespmem:s2+$0x18760];
	v1 =	vnsel vm11, $0x0, v1  }
0x60c: {  	v2 =	vnsel vm0, $0x0, v2;
	vm1 =	vlt.u32 v3, $0xC320;
	v4 =	vadd.s32 $0xFFFF3C80, v4;
	v9 =	vld [tilespmem:s2+$0x18770]  }
0x60d: {  	v3 =	vnsel vm1, $0x0, v3;
	vm2 =	vlt.u32 v4, $0xC320;
	v5 =	vadd.s32 $0xFFFF3C80, v5;
	v10 =	vld [tilespmem:s2+$0x18780]  }
0x60e: {  	v4 =	vnsel vm2, $0x0, v4;
	vm3 =	vlt.u32 v5, $0xC320;
	v6 =	vadd.s32 $0xFFFF3C80, v6;
	v11 =	vld [tilespmem:s2+$0x18790]  }
0x60f: {  	v5 =	vnsel vm3, $0x0, v5;
	vm4 =	vlt.u32 v6, $0xC320;
	v7 =	vadd.s32 $0xFFFF3C80, v7;
	v12 =	vld [tilespmem:s2+$0x187A0]  }
0x610: {  	v6 =	vnsel vm4, $0x0, v6;
	vm5 =	vlt.u32 v7, $0xC320;
	v8 =	vadd.s32 $0xFFFF3C80, v8;
	v1 =	vld.idx.msk [tilespmem:v1+s23+$0x0], $0xffff  }
0x611: {  	v7 =	vnsel vm5, $0x0, v7;
	vm6 =	vlt.u32 v8, $0xC320;
	v9 =	vadd.s32 $0xFFFF3C80, v9;
	v13 =	vld [tilespmem:s2+$0x187B0]  }
0x612: {  	v8 =	vnsel vm6, $0x0, v8;
	vm7 =	vlt.u32 v9, $0xC320;
	v10 =	vadd.s32 $0xFFFF3C80, v10;
	v14 =	vld [tilespmem:s2+$0x187C0]  }
0x613: {  	v9 =	vnsel vm7, $0x0, v9;
	vm8 =	vlt.u32 v10, $0xC320;
	v11 =	vadd.s32 $0xFFFF3C80, v11;
	v15 =	vld [tilespmem:s2+$0x187D0]  }
0x614: {  	v10 =	vnsel vm8, $0x0, v10;
	vm9 =	vlt.u32 v11, $0xC320;
	v12 =	vadd.s32 $0xFFFF3C80, v12;
	v16 =	vld [tilespmem:s2+$0x187E0]  }
0x615: {  	v2 =	vld.idx.msk [tilespmem:v2+s23+$0x0], $0xffff;
	v11 =	vnsel vm9, $0x0, v11;
	vm10 =	vlt.u32 v12, $0xC320  }
0x616: {  	v1 =	vnsel vm11, $0x0, v1;
	v3 =	vld.idx.msk [tilespmem:v3+s23+$0x0], $0xffff;
	v12 =	vnsel vm10, $0x0, v12;
	v13 =	vadd.s32 $0xFFFF3C80, v13  }
0x617: {  	vm11 =	vlt.u32 v13, $0xC320;
	v14 =	vadd.s32 $0xFFFF3C80, v14;
	[tilespmem:s2+$0x1C7F0] =	vst.add.f32.msk $0xffff, v1  }
0x618: {  	v1 =	vld.idx.msk [tilespmem:v4+s23+$0x0], $0xffff;
	v4 =	vnsel vm11, $0x0, v13;
	vm12 =	vlt.u32 v14, $0xC320;
	v13 =	vadd.s32 $0xFFFF3C80, v15  }
0x619: {  	v5 =	vld.idx.msk [tilespmem:v5+s23+$0x0], $0xffff;
	v14 =	vnsel vm12, $0x0, v14;
	vm13 =	vlt.u32 v13, $0xC320;
	v15 =	vadd.s32 $0xFFFF3C80, v16  }
0x61a: {  	v6 =	vld.idx.msk [tilespmem:v6+s23+$0x0], $0xffff;
	v13 =	vnsel vm13, $0x0, v13;
	vm14 =	vlt.u32 v15, $0xC320  }
0x61b: {  	v2 =	vnsel vm0, $0x0, v2;
	v7 =	vld.idx.msk [tilespmem:v7+s23+$0x0], $0xffff;
	v15 =	vnsel vm14, $0x0, v15  }
0x61c: {  	v3 =	vnsel vm1, $0x0, v3;
	v8 =	vld.idx.msk [tilespmem:v8+s23+$0x0], $0xffff  }
0x61d: {  	v9 =	vld.idx.msk [tilespmem:v9+s23+$0x0], $0xffff  }
0x61e: {  	v1 =	vnsel vm2, $0x0, v1;
	v10 =	vld.idx.msk [tilespmem:v10+s23+$0x0], $0xffff  }
0x61f: {  	v5 =	vnsel vm3, $0x0, v5;
	v11 =	vld.idx.msk [tilespmem:v11+s23+$0x0], $0xffff  }
0x620: {  	v6 =	vnsel vm4, $0x0, v6;
	v12 =	vld.idx.msk [tilespmem:v12+s23+$0x0], $0xffff  }
0x621: {  	v7 =	vnsel vm5, $0x0, v7;
	v4 =	vld.idx.msk [tilespmem:v4+s23+$0x0], $0xffff  }
0x622: {  	v8 =	vnsel vm6, $0x0, v8;
	v14 =	vld.idx.msk [tilespmem:v14+s23+$0x0], $0xffff  }
0x623: {  	v9 =	vnsel vm7, $0x0, v9;
	v13 =	vld.idx.msk [tilespmem:v13+s23+$0x0], $0xffff  }
0x624: {  	v10 =	vnsel vm8, $0x0, v10;
	v15 =	vld.idx.msk [tilespmem:v15+s23+$0x0], $0xffff  }
0x625: {  	[tilespmem:s2+$0x1C700] =	vst.add.f32.msk $0xffff, v2;
	v2 =	vnsel vm9, $0x0, v11  }
0x626: {  	[tilespmem:s2+$0x1C710] =	vst.add.f32.msk $0xffff, v3;
	v3 =	vnsel vm10, $0x0, v12  }
0x627: {  	v4 =	vnsel vm11, $0x0, v4;
	[tilespmem:s2+$0x1C720] =	vst.add.f32.msk $0xffff, v1  }
0x628: {  	[tilespmem:s2+$0x1C730] =	vst.add.f32.msk $0xffff, v5;
	v5 =	vnsel vm12, $0x0, v14  }
0x629: {  	[tilespmem:s2+$0x1C740] =	vst.add.f32.msk $0xffff, v6;
	v6 =	vnsel vm13, $0x0, v13  }
0x62a: {  	v1 =	vnsel vm14, $0x0, v15;
	[tilespmem:s2+$0x1C750] =	vst.add.f32.msk $0xffff, v7  }
0x62b: {  	[tilespmem:s2+$0x1C760] =	vst.add.f32.msk $0xffff, v8  }
0x62c: {  	[tilespmem:s2+$0x1C770] =	vst.add.f32.msk $0xffff, v9  }
0x62d: {  	[tilespmem:s2+$0x1C780] =	vst.add.f32.msk $0xffff, v10  }
.Ltmp15:
0x62e: {  	[tilespmem:s2+$0x1C790] =	vst.add.f32.msk $0xffff, v2;
	(pc) =	sbr.rel @p3 .LBB2_33-.Ltmp15, $4  }
0x62f: {  	[tilespmem:s2+$0x1C7A0] =	vst.add.f32.msk $0xffff, v3  }
0x630: {  	[tilespmem:s2+$0x1C7B0] =	vst.add.f32.msk $0xffff, v4  }
0x631: {  	[tilespmem:s2+$0x1C7C0] =	vst.add.f32.msk $0xffff, v5  }
0x632: {  	s18 =	sadd.s32 $0x400, s18;
	[tilespmem:s2+$0x1C7D0] =	vst.add.f32.msk $0xffff, v6  }
0x633: {  	[tilespmem:s2+$0x1C7E0] =	vst.add.f32.msk $0xffff, v1  }
0x634: {  	_ =	swait.ge [sflag:s29], $0x1000  }
0x635: {  	[sflag:s29] =	ssyncset.done $0x0  }
0x636: {  	s2 =	simm.s32 $0x0;
	[sflag:s29] =	ssyncadd.s32 $0xFFFFF000  }
0x637: {  	v1 =	vld [tilespmem:s2+$0x197F0]  }
0x638: {  	v2 =	vld [tilespmem:s2+$0x19700]  }
0x639: {  	v3 =	vld [tilespmem:s2+$0x19710]  }
0x63a: {  	v4 =	vld [tilespmem:s2+$0x19720]  }
0x63b: {  	v5 =	vld [tilespmem:s2+$0x19730]  }
0x63c: {  	v6 =	vld [tilespmem:s2+$0x19740]  }
0x63d: {  	v7 =	vld [tilespmem:s2+$0x19750]  }
0x63e: {  	v8 =	vld [tilespmem:s2+$0x19760]  }
0x63f: {  	v9 =	vld [tilespmem:s2+$0x19770]  }
0x640: {  	v10 =	vld [tilespmem:s2+$0x19780];
	v1 =	vadd.s32 $0xFFFF3C80, v1  }
0x641: {  	v11 =	vld [tilespmem:s2+$0x19790];
	v2 =	vadd.s32 $0xFFFF3C80, v2;
	v3 =	vadd.s32 $0xFFFF3C80, v3;
	vm7 =	vlt.u32 v1, $0xC320  }
0x642: {  	v12 =	vld [tilespmem:s2+$0x197A0];
	v4 =	vadd.s32 $0xFFFF3C80, v4;
	vm0 =	vlt.u32 v2, $0xC320;
	v1 =	vnsel vm7, $0x0, v1  }
0x643: {  	v13 =	vld [tilespmem:s2+$0x197B0];
	v5 =	vadd.s32 $0xFFFF3C80, v5;
	vm1 =	vlt.u32 v3, $0xC320;
	v2 =	vnsel vm0, $0x0, v2  }
0x644: {  	v14 =	vld [tilespmem:s2+$0x197C0];
	v6 =	vadd.s32 $0xFFFF3C80, v6;
	vm2 =	vlt.u32 v4, $0xC320;
	v3 =	vnsel vm1, $0x0, v3  }
0x645: {  	v15 =	vld [tilespmem:s2+$0x197D0];
	v7 =	vadd.s32 $0xFFFF3C80, v7;
	vm3 =	vlt.u32 v5, $0xC320;
	v4 =	vnsel vm2, $0x0, v4  }
0x646: {  	v16 =	vld [tilespmem:s2+$0x197E0];
	v8 =	vadd.s32 $0xFFFF3C80, v8;
	vm5 =	vlt.u32 v6, $0xC320;
	v5 =	vnsel vm3, $0x0, v5  }
0x647: {  	v10 =	vadd.s32 $0xFFFF3C80, v10;
	vm4 =	vlt.u32 v7, $0xC320;
	v6 =	vnsel vm5, $0x0, v6;
	v1 =	vld.idx.msk [tilespmem:v1+s23+$0x0], $0xffff  }
0x648: {  	v58 =	vadd.s32 $0xFFFF3C80, v11;
	vm6 =	vlt.u32 v8, $0xC320;
	v7 =	vnsel vm4, $0x0, v7;
	v2 =	vld.idx.msk [tilespmem:v2+s23+$0x0], $0xffff  }
0x649: {  	v59 =	vadd.s32 $0xFFFF3C80, v12;
	vm8 =	vlt.u32 v10, $0xC320;
	v8 =	vnsel vm6, $0x0, v8;
	v3 =	vld.idx.msk [tilespmem:v3+s23+$0x0], $0xffff  }
0x64a: {  	v60 =	vadd.s32 $0xFFFF3C80, v13;
	vm10 =	vlt.u32 v59, $0xC320;
	v10 =	vnsel vm8, $0x0, v10;
	v4 =	vld.idx.msk [tilespmem:v4+s23+$0x0], $0xffff  }
0x64b: {  	v61 =	vadd.s32 $0xFFFF3C80, v14;
	vm11 =	vlt.u32 v60, $0xC320;
	v11 =	vnsel vm10, $0x0, v59;
	v5 =	vld.idx.msk [tilespmem:v5+s23+$0x0], $0xffff  }
0x64c: {  	v62 =	vadd.s32 $0xFFFF3C80, v15;
	vm12 =	vlt.u32 v61, $0xC320;
	v12 =	vnsel vm11, $0x0, v60;
	v6 =	vld.idx.msk [tilespmem:v6+s23+$0x0], $0xffff  }
0x64d: {  	v63 =	vadd.s32 $0xFFFF3C80, v16;
	vm13 =	vlt.u32 v62, $0xC320;
	v13 =	vnsel vm12, $0x0, v61;
	v7 =	vld.idx.msk [tilespmem:v7+s23+$0x0], $0xffff  }
0x64e: {  	vm14 =	vlt.u32 v63, $0xC320;
	v14 =	vnsel vm13, $0x0, v62;
	v8 =	vld.idx.msk [tilespmem:v8+s23+$0x0], $0xffff  }
0x64f: {  	v15 =	vnsel vm14, $0x0, v63;
	v10 =	vld.idx.msk [tilespmem:v10+s23+$0x0], $0xffff  }
0x650: {  	v11 =	vld.idx.msk [tilespmem:v11+s23+$0x0], $0xffff  }
0x651: {  	v12 =	vld.idx.msk [tilespmem:v12+s23+$0x0], $0xffff  }
0x652: {  	v13 =	vld.idx.msk [tilespmem:v13+s23+$0x0], $0xffff  }
0x653: {  	v14 =	vld.idx.msk [tilespmem:v14+s23+$0x0], $0xffff  }
0x654: {  	v15 =	vld.idx.msk [tilespmem:v15+s23+$0x0], $0xffff;
	v1 =	vnsel vm7, $0x0, v1  }
0x655: {  	v2 =	vnsel vm0, $0x0, v2;
	[tilespmem:s2+$0x1D7F0] =	vst.add.f32.msk $0xffff, v1  }
0x656: {  	v9 =	vadd.s32 $0xFFFF3C80, v9;
	v3 =	vnsel vm1, $0x0, v3;
	[tilespmem:s2+$0x1D700] =	vst.add.f32.msk $0xffff, v2  }
0x657: {  	vm7 =	vlt.u32 v9, $0xC320;
	v2 =	vnsel vm2, $0x0, v4;
	[tilespmem:s2+$0x1D710] =	vst.add.f32.msk $0xffff, v3  }
0x658: {  	vm9 =	vlt.u32 v58, $0xC320;
	v1 =	vnsel vm7, $0x0, v9;
	v3 =	vnsel vm3, $0x0, v5;
	[tilespmem:s2+$0x1D720] =	vst.add.f32.msk $0xffff, v2  }
0x659: {  	v9 =	vnsel vm9, $0x0, v58;
	v2 =	vnsel vm5, $0x0, v6;
	[tilespmem:s2+$0x1D730] =	vst.add.f32.msk $0xffff, v3  }
0x65a: {  	v3 =	vnsel vm4, $0x0, v7;
	[tilespmem:s2+$0x1D740] =	vst.add.f32.msk $0xffff, v2  }
0x65b: {  	v2 =	vnsel vm6, $0x0, v8;
	[tilespmem:s2+$0x1D750] =	vst.add.f32.msk $0xffff, v3  }
0x65c: {  	[tilespmem:s2+$0x1D760] =	vst.add.f32.msk $0xffff, v2  }
0x65d: {  	v1 =	vld.idx.msk [tilespmem:v1+s23+$0x0], $0xffff  }
0x65e: {  	v3 =	vnsel vm13, $0x0, v14;
	v9 =	vld.idx.msk [tilespmem:v9+s23+$0x0], $0xffff  }
0x65f: {  	v2 =	vnsel vm8, $0x0, v10;
	[tilespmem:s2+$0x1D7D0] =	vst.add.f32.msk $0xffff, v3  }
0x660: {  	[tilespmem:s2+$0x1D780] =	vst.add.f32.msk $0xffff, v2;
	v2 =	vnsel vm10, $0x0, v11  }
0x661: {  	[tilespmem:s2+$0x1D7A0] =	vst.add.f32.msk $0xffff, v2;
	v2 =	vnsel vm12, $0x0, v13  }
0x662: {  	[tilespmem:s2+$0x1D7C0] =	vst.add.f32.msk $0xffff, v2;
	v1 =	vnsel vm7, $0x0, v1  }
0x663: {  	[tilespmem:s2+$0x1D770] =	vst.add.f32.msk $0xffff, v1;
	v1 =	vnsel vm9, $0x0, v9  }
0x664: {  	[tilespmem:s2+$0x1D790] =	vst.add.f32.msk $0xffff, v1;
	v1 =	vnsel vm11, $0x0, v12  }
0x665: {  	s9 =	simm.s32 $0x0;
	s18 =	simm.s32 $0x400;
	[tilespmem:s2+$0x1D7B0] =	vst.add.f32.msk $0xffff, v1;
	v1 =	vnsel vm14, $0x0, v15  }
.LBB2_35:
0x666: {  	s9 =	sadd.s32 $0x10, s9;
	[tilespmem:s2+$0x1D7E0] =	vst.add.f32.msk $0xffff, v1;
	s2 =	sshra.s32 s18, $0x2  }
0x667: {  	v1 =	vld [tilespmem:s2+$0x197F0];
	p3 =	slt.u32 s9, $0xF0  }
0x668: {  	v2 =	vld [tilespmem:s2+$0x19700]  }
0x669: {  	v3 =	vld [tilespmem:s2+$0x19710]  }
0x66a: {  	v4 =	vld [tilespmem:s2+$0x19720]  }
0x66b: {  	v5 =	vld [tilespmem:s2+$0x19730]  }
0x66c: {  	v6 =	vld [tilespmem:s2+$0x19740];
	v1 =	vadd.s32 $0xFFFF3C80, v1  }
0x66d: {  	v2 =	vadd.s32 $0xFFFF3C80, v2;
	v7 =	vld [tilespmem:s2+$0x19750];
	vm11 =	vlt.u32 v1, $0xC320  }
0x66e: {  	vm0 =	vlt.u32 v2, $0xC320;
	v3 =	vadd.s32 $0xFFFF3C80, v3;
	v8 =	vld [tilespmem:s2+$0x19760];
	v1 =	vnsel vm11, $0x0, v1  }
0x66f: {  	v2 =	vnsel vm0, $0x0, v2;
	vm1 =	vlt.u32 v3, $0xC320;
	v4 =	vadd.s32 $0xFFFF3C80, v4;
	v9 =	vld [tilespmem:s2+$0x19770]  }
0x670: {  	v3 =	vnsel vm1, $0x0, v3;
	vm2 =	vlt.u32 v4, $0xC320;
	v5 =	vadd.s32 $0xFFFF3C80, v5;
	v10 =	vld [tilespmem:s2+$0x19780]  }
0x671: {  	v4 =	vnsel vm2, $0x0, v4;
	vm3 =	vlt.u32 v5, $0xC320;
	v6 =	vadd.s32 $0xFFFF3C80, v6;
	v11 =	vld [tilespmem:s2+$0x19790]  }
0x672: {  	v5 =	vnsel vm3, $0x0, v5;
	vm4 =	vlt.u32 v6, $0xC320;
	v7 =	vadd.s32 $0xFFFF3C80, v7;
	v12 =	vld [tilespmem:s2+$0x197A0]  }
0x673: {  	v6 =	vnsel vm4, $0x0, v6;
	vm5 =	vlt.u32 v7, $0xC320;
	v8 =	vadd.s32 $0xFFFF3C80, v8;
	v1 =	vld.idx.msk [tilespmem:v1+s23+$0x0], $0xffff  }
0x674: {  	v7 =	vnsel vm5, $0x0, v7;
	vm6 =	vlt.u32 v8, $0xC320;
	v9 =	vadd.s32 $0xFFFF3C80, v9;
	v13 =	vld [tilespmem:s2+$0x197B0]  }
0x675: {  	v8 =	vnsel vm6, $0x0, v8;
	vm7 =	vlt.u32 v9, $0xC320;
	v10 =	vadd.s32 $0xFFFF3C80, v10;
	v14 =	vld [tilespmem:s2+$0x197C0]  }
0x676: {  	v9 =	vnsel vm7, $0x0, v9;
	vm8 =	vlt.u32 v10, $0xC320;
	v11 =	vadd.s32 $0xFFFF3C80, v11;
	v15 =	vld [tilespmem:s2+$0x197D0]  }
0x677: {  	v10 =	vnsel vm8, $0x0, v10;
	vm9 =	vlt.u32 v11, $0xC320;
	v12 =	vadd.s32 $0xFFFF3C80, v12;
	v16 =	vld [tilespmem:s2+$0x197E0]  }
0x678: {  	v2 =	vld.idx.msk [tilespmem:v2+s23+$0x0], $0xffff;
	v11 =	vnsel vm9, $0x0, v11;
	vm10 =	vlt.u32 v12, $0xC320  }
0x679: {  	v1 =	vnsel vm11, $0x0, v1;
	v3 =	vld.idx.msk [tilespmem:v3+s23+$0x0], $0xffff;
	v12 =	vnsel vm10, $0x0, v12;
	v13 =	vadd.s32 $0xFFFF3C80, v13  }
0x67a: {  	vm11 =	vlt.u32 v13, $0xC320;
	v14 =	vadd.s32 $0xFFFF3C80, v14;
	[tilespmem:s2+$0x1D7F0] =	vst.add.f32.msk $0xffff, v1  }
0x67b: {  	v1 =	vld.idx.msk [tilespmem:v4+s23+$0x0], $0xffff;
	v4 =	vnsel vm11, $0x0, v13;
	vm12 =	vlt.u32 v14, $0xC320;
	v13 =	vadd.s32 $0xFFFF3C80, v15  }
0x67c: {  	v5 =	vld.idx.msk [tilespmem:v5+s23+$0x0], $0xffff;
	v14 =	vnsel vm12, $0x0, v14;
	vm13 =	vlt.u32 v13, $0xC320;
	v15 =	vadd.s32 $0xFFFF3C80, v16  }
0x67d: {  	v6 =	vld.idx.msk [tilespmem:v6+s23+$0x0], $0xffff;
	v13 =	vnsel vm13, $0x0, v13;
	vm14 =	vlt.u32 v15, $0xC320  }
0x67e: {  	v2 =	vnsel vm0, $0x0, v2;
	v7 =	vld.idx.msk [tilespmem:v7+s23+$0x0], $0xffff;
	v15 =	vnsel vm14, $0x0, v15  }
0x67f: {  	v3 =	vnsel vm1, $0x0, v3;
	v8 =	vld.idx.msk [tilespmem:v8+s23+$0x0], $0xffff  }
0x680: {  	v9 =	vld.idx.msk [tilespmem:v9+s23+$0x0], $0xffff  }
0x681: {  	v1 =	vnsel vm2, $0x0, v1;
	v10 =	vld.idx.msk [tilespmem:v10+s23+$0x0], $0xffff  }
0x682: {  	v5 =	vnsel vm3, $0x0, v5;
	v11 =	vld.idx.msk [tilespmem:v11+s23+$0x0], $0xffff  }
0x683: {  	v6 =	vnsel vm4, $0x0, v6;
	v12 =	vld.idx.msk [tilespmem:v12+s23+$0x0], $0xffff  }
0x684: {  	v7 =	vnsel vm5, $0x0, v7;
	v4 =	vld.idx.msk [tilespmem:v4+s23+$0x0], $0xffff  }
0x685: {  	v8 =	vnsel vm6, $0x0, v8;
	v14 =	vld.idx.msk [tilespmem:v14+s23+$0x0], $0xffff  }
0x686: {  	v9 =	vnsel vm7, $0x0, v9;
	v13 =	vld.idx.msk [tilespmem:v13+s23+$0x0], $0xffff  }
0x687: {  	v10 =	vnsel vm8, $0x0, v10;
	v15 =	vld.idx.msk [tilespmem:v15+s23+$0x0], $0xffff  }
0x688: {  	[tilespmem:s2+$0x1D700] =	vst.add.f32.msk $0xffff, v2;
	v2 =	vnsel vm9, $0x0, v11  }
0x689: {  	[tilespmem:s2+$0x1D710] =	vst.add.f32.msk $0xffff, v3;
	v3 =	vnsel vm10, $0x0, v12  }
0x68a: {  	v4 =	vnsel vm11, $0x0, v4;
	[tilespmem:s2+$0x1D720] =	vst.add.f32.msk $0xffff, v1  }
0x68b: {  	[tilespmem:s2+$0x1D730] =	vst.add.f32.msk $0xffff, v5;
	v5 =	vnsel vm12, $0x0, v14  }
0x68c: {  	[tilespmem:s2+$0x1D740] =	vst.add.f32.msk $0xffff, v6;
	v6 =	vnsel vm13, $0x0, v13  }
0x68d: {  	v1 =	vnsel vm14, $0x0, v15;
	[tilespmem:s2+$0x1D750] =	vst.add.f32.msk $0xffff, v7  }
0x68e: {  	[tilespmem:s2+$0x1D760] =	vst.add.f32.msk $0xffff, v8  }
0x68f: {  	[tilespmem:s2+$0x1D770] =	vst.add.f32.msk $0xffff, v9  }
0x690: {  	[tilespmem:s2+$0x1D780] =	vst.add.f32.msk $0xffff, v10  }
.Ltmp16:
0x691: {  	[tilespmem:s2+$0x1D790] =	vst.add.f32.msk $0xffff, v2;
	(pc) =	sbr.rel @p3 .LBB2_35-.Ltmp16, $4  }
0x692: {  	[tilespmem:s2+$0x1D7A0] =	vst.add.f32.msk $0xffff, v3  }
0x693: {  	[tilespmem:s2+$0x1D7B0] =	vst.add.f32.msk $0xffff, v4  }
0x694: {  	[tilespmem:s2+$0x1D7C0] =	vst.add.f32.msk $0xffff, v5  }
0x695: {  	s18 =	sadd.s32 $0x400, s18;
	[tilespmem:s2+$0x1D7D0] =	vst.add.f32.msk $0xffff, v6  }
0x696: {  	[tilespmem:s2+$0x1D7E0] =	vst.add.f32.msk $0xffff, v1;
	s2 =	simm.s32 @p2 $0x3  }
0x697: {  	_ =	swait.ge @p2 [sflag:s2], $0x800  }
0x698: {  	s20 =	sadd.s32 $0x1, s20;
	[sflag:s2] =	ssyncset.done @p2 $0x0  }
0x699: {  	[sflag:s2] =	ssyncadd.s32 @p2 $0xFFFFF800;
	p2 =	sne.s32 s20, $0xD  }
.Ltmp17:
0x69a: {  	_ = 	snop;
	(pc) =	sbr.rel @p2 .LBB2_4-.Ltmp17, $2  }
0x69b: {  	_ =	sdelay $0x1  }
0x69c: {  	[bflag:$0x0] =	sbarrier.arrive $0xFFFF;
	_ =	sdelay $0x1  }
0x69d: {  	s0 =	rddreg [dreg:$0xb];
	s2 =	simm.s32 $0x1A700;
	s20 =	simm.s32 $0x6  }
0x69e: {  	[hbm4b:s0+s21] =	stream.strided.scatter [tilespmem:s2], [sflag:$0x6], $0x4000, s22, s21, $0x38;
	[tilespmem:$0x1EF00] =	vst v63  }
0x69f: {  	_ =	swait.ge [sflag:s20], $0x4000  }
0x6a0: {  	s7 =	rddreg [dreg:$0xe]  }
0x6a1: {  	s31 =	rddreg [dreg:$0xc];
	s7 =	sadd.s32 $0x1, s7  }
0x6a2: {  	p2 =	sne.s32 s7, s31  }
.Ltmp18:
0x6a3: {  	_ = 	snop;
	(pc) =	sbr.rel @p2 .LBB2_1-.Ltmp18, $3  }
0x6a4: {  	_ =	sdelay $0x1  }
0x6a5: {  	[sflag:s20] =	ssyncset.done $0x0  }
0x6a6: {  	[sflag:s20] =	ssyncadd.s32 $0xFFFFC000  }
0x6a7: {  	_ =	sfence.sel $0x180000  }
0x6a8: {  	[bflag:$0x0] =	sbarrier.arrive $0xFFFF  }
0x6a9: {  	_ =	strace $0x90000047  }
0x6aa: {  	[bflag:$0x2] =	sbarrier.arrive $0xFFFF  }
0x6ab: {  	s0 =	rddreg [dreg:$0x5]  }
0x6ac: {  	s0 =	sadd.s32 @!p0 $0x100000, s0  }
0x6ad: {  	[sflag:s0] =	ssyncadd.tile.s32 @!p0 $0x1;
	_ =	shalt  }
.Lfunc_end2:
_tile_overlayer_lowered:
.L_overlay_start_2:
0x6ae: {  	(tag) =	ssettag $0x2  }
0x6af: {  	s0 =	rddreg [dreg:$0x0];
	s2 =	stileid.u32  }
0x6b0: {  	s1 =	rddreg [dreg:$0x1];
	p0 =	sne.s32 s2, $0x0  }
0x6b1: {  	s3 =	rddreg [dreg:$0x2];
	[bflag:$0x3] =	sbarrier.arrive $0xFFFF;
	s2 =	simm.s32 @!p0 $0x1C06  }
0x6b2: {  	[timem:s3], [sflag:s2] =	dma.local @!p0 [hbm:s0], s1  }
0x6b3: {  	s0 =	simm.s32 @!p0 $0x6  }
0x6b4: {  	_ =	swait.ge @!p0 [sflag:s0], s1  }
0x6b5: {  	s1 =	ssub.s32 @!p0 $0x0, s1;
	[sflag:s0] =	ssyncset.done @!p0 $0x0  }
0x6b6: {  	[sflag:s0] =	ssyncadd.s32 @!p0 s1  }
0x6b7: {  	[bflag:$0x3] =	sbarrier.arrive $0xFFFF  }
0x6b8: {  	_ =	shalt  }

</sc_bundles>
